<compile_context>
chip_gen: v7x
topology: tpu7x:2x2x1
jax: 0.10.2.dev20260603
libtpu: 0.0.44.dev20260713+nightly
codegen_flags: <defaults>
</compile_context>

<pallas_src>
import functools

import jax
import jax.numpy as jnp
from jax import lax
from jax.experimental import pallas as pl
from jax.experimental.pallas import tpu as pltpu
from jax.experimental.pallas import tpu_sc as plsc

N = 50000
E = 800000
D_IN = 128
H = 64
HH = H // 2
EPS = 1e-5

BN_BLK = 5000
N_BLKS = N // BN_BLK

NC = 2
NS = 16
CH = 128
NCH_TOT = E // CH
CPT = 391
CPT_LAST = NCH_TOT - (NS - 1) * CPT
G = 16
NG = (CPT + G - 1) // G
PADC = 16
NBUF = 5
DPRE = 3
WPT = 3128
N_PAD = NS * WPT
ACC_ROWS = N_PAD
TRASH = N



def _pre_body(x_ref, w_ref, hcat_ref):
    h = jnp.dot(x_ref[...], w_ref[...], preferred_element_type=jnp.float32)
    hcat_ref[0] = h[:, :HH]
    hcat_ref[1] = h[:, HH:]


def _pre_stage(x, W1):
    return pl.pallas_call(
        _pre_body,
        grid=(N_BLKS,),
        in_specs=[
            pl.BlockSpec((BN_BLK, D_IN), lambda i: (i, 0)),
            pl.BlockSpec((D_IN, H), lambda i: (0, 0)),
        ],
        out_specs=pl.BlockSpec((2, BN_BLK, HH), lambda i: (0, i, 0)),
        out_shape=jax.ShapeDtypeStruct((2, N, HH), jnp.float32),
    )(x, W1)


def _res1_body(x_ref, rw_ref, rb_ref, res_ref):
    r = jnp.dot(x_ref[...], rw_ref[...],
                preferred_element_type=jnp.float32) + rb_ref[...]
    res_ref[...] = jnp.maximum(r, 0.0)


def _res1_stage(x, resW1, resb1):
    return pl.pallas_call(
        _res1_body,
        grid=(N_BLKS,),
        in_specs=[
            pl.BlockSpec((BN_BLK, D_IN), lambda i: (i, 0)),
            pl.BlockSpec((D_IN, H), lambda i: (0, 0)),
            pl.BlockSpec((1, H), lambda i: (0, 0)),
        ],
        out_specs=pl.BlockSpec((BN_BLK, H), lambda i: (i, 0)),
        out_shape=jax.ShapeDtypeStruct((N, H), jnp.float32),
    )(x, resW1, resb1.reshape(1, H))


def _finish_stats(t, i, g_ref, bt_ref, sc_ref, sh_ref, ps, pss):
    @pl.when(i == 0)
    def _():
        ps[...] = jnp.zeros_like(ps)
        pss[...] = jnp.zeros_like(pss)

    ps[...] += jnp.broadcast_to(jnp.sum(t, axis=0, keepdims=True), ps.shape)
    pss[...] += jnp.broadcast_to(jnp.sum(t * t, axis=0, keepdims=True), pss.shape)

    @pl.when(i == N_BLKS - 1)
    def _():
        mean = ps[...] * (1.0 / N)
        var = pss[...] * (1.0 / N) - mean * mean
        scale = g_ref[...] * lax.rsqrt(var + EPS)
        sc_ref[...] = scale
        sh_ref[...] = bt_ref[...] - mean * scale


def _post1_body(agg_ref, b_ref, res_ref, g_ref, bt_ref,
                t_ref, sc_ref, sh_ref, ps, pss):
    i = pl.program_id(0)
    agg = agg_ref[:, :H]
    t = jnp.maximum(agg + b_ref[...], 0.0) + res_ref[...]
    t_ref[...] = t
    _finish_stats(t, i, g_ref, bt_ref, sc_ref, sh_ref, ps, pss)


def _post1_stage(aggcat, b1, res1, gamma, beta):
    return pl.pallas_call(
        _post1_body,
        grid=(N_BLKS,),
        in_specs=[
            pl.BlockSpec((BN_BLK, 128), lambda i: (i, 0)),
            pl.BlockSpec((1, H), lambda i: (0, 0)),
            pl.BlockSpec((BN_BLK, H), lambda i: (i, 0)),
            pl.BlockSpec((8, H), lambda i: (0, 0)),
            pl.BlockSpec((8, H), lambda i: (0, 0)),
        ],
        out_specs=[
            pl.BlockSpec((BN_BLK, H), lambda i: (i, 0)),
            pl.BlockSpec((8, H), lambda i: (0, 0)),
            pl.BlockSpec((8, H), lambda i: (0, 0)),
        ],
        out_shape=[
            jax.ShapeDtypeStruct((N, H), jnp.float32),
            jax.ShapeDtypeStruct((8, H), jnp.float32),
            jax.ShapeDtypeStruct((8, H), jnp.float32),
        ],
        scratch_shapes=[
            pltpu.VMEM((8, H), jnp.float32),
            pltpu.VMEM((8, H), jnp.float32),
        ],
    )(aggcat, b1.reshape(1, H),
      res1, _bcast8(gamma), _bcast8(beta))


def _post2_body(agg_ref, w_ref, b_ref, res_ref, g_ref, bt_ref,
                t_ref, sc_ref, sh_ref, ps, pss):
    i = pl.program_id(0)
    agg = agg_ref[:, :H]
    conv = jnp.dot(agg, w_ref[...], preferred_element_type=jnp.float32) + b_ref[...]
    t = jnp.maximum(conv, 0.0) + res_ref[...]
    t_ref[...] = t
    _finish_stats(t, i, g_ref, bt_ref, sc_ref, sh_ref, ps, pss)


def _post2_stage(aggcat, W2, b2, res2, gamma, beta):
    return pl.pallas_call(
        _post2_body,
        grid=(N_BLKS,),
        in_specs=[
            pl.BlockSpec((BN_BLK, 128), lambda i: (i, 0)),
            pl.BlockSpec((H, H), lambda i: (0, 0)),
            pl.BlockSpec((1, H), lambda i: (0, 0)),
            pl.BlockSpec((BN_BLK, H), lambda i: (i, 0)),
            pl.BlockSpec((8, H), lambda i: (0, 0)),
            pl.BlockSpec((8, H), lambda i: (0, 0)),
        ],
        out_specs=[
            pl.BlockSpec((BN_BLK, H), lambda i: (i, 0)),
            pl.BlockSpec((8, H), lambda i: (0, 0)),
            pl.BlockSpec((8, H), lambda i: (0, 0)),
        ],
        out_shape=[
            jax.ShapeDtypeStruct((N, H), jnp.float32),
            jax.ShapeDtypeStruct((8, H), jnp.float32),
            jax.ShapeDtypeStruct((8, H), jnp.float32),
        ],
        scratch_shapes=[
            pltpu.VMEM((8, H), jnp.float32),
            pltpu.VMEM((8, H), jnp.float32),
        ],
    )(aggcat, W2, b2.reshape(1, H), res2, _bcast8(gamma), _bcast8(beta))


def _bcast8(v):
    return jnp.broadcast_to(v.reshape(1, H), (8, H))


def _norm_split_body(t_ref, sc_ref, sh_ref, hcat_ref):
    h = t_ref[...] * sc_ref[0:1, :] + sh_ref[0:1, :]
    hcat_ref[0] = h[:, :HH]
    hcat_ref[1] = h[:, HH:]


def _norm_split_stage(t1, scale, shift):
    return pl.pallas_call(
        _norm_split_body,
        grid=(N_BLKS,),
        in_specs=[
            pl.BlockSpec((BN_BLK, H), lambda i: (i, 0)),
            pl.BlockSpec((8, H), lambda i: (0, 0)),
            pl.BlockSpec((8, H), lambda i: (0, 0)),
        ],
        out_specs=pl.BlockSpec((2, BN_BLK, HH), lambda i: (0, i, 0)),
        out_shape=jax.ShapeDtypeStruct((2, N, HH), jnp.float32),
    )(t1, scale, shift)


def _res2_body(t_ref, sc_ref, sh_ref, rw_ref, rb_ref, res_ref):
    h = t_ref[...] * sc_ref[0:1, :] + sh_ref[0:1, :]
    r = jnp.dot(h, rw_ref[...], preferred_element_type=jnp.float32) + rb_ref[...]
    res_ref[...] = jnp.maximum(r, 0.0)


def _res2_stage(t1, scale, shift, resW2, resb2):
    return pl.pallas_call(
        _res2_body,
        grid=(N_BLKS,),
        in_specs=[
            pl.BlockSpec((BN_BLK, H), lambda i: (i, 0)),
            pl.BlockSpec((8, H), lambda i: (0, 0)),
            pl.BlockSpec((8, H), lambda i: (0, 0)),
            pl.BlockSpec((H, H), lambda i: (0, 0)),
            pl.BlockSpec((1, H), lambda i: (0, 0)),
        ],
        out_specs=pl.BlockSpec((BN_BLK, H), lambda i: (i, 0)),
        out_shape=jax.ShapeDtypeStruct((N, H), jnp.float32),
    )(t1, scale, shift, resW2, resb2.reshape(1, H))


def _norm_body(t_ref, sc_ref, sh_ref, out_ref):
    out_ref[...] = t_ref[...] * sc_ref[0:1, :] + sh_ref[0:1, :]


def _norm_stage(t2, scale, shift):
    return pl.pallas_call(
        _norm_body,
        grid=(N_BLKS,),
        in_specs=[
            pl.BlockSpec((BN_BLK, H), lambda i: (i, 0)),
            pl.BlockSpec((8, H), lambda i: (0, 0)),
            pl.BlockSpec((8, H), lambda i: (0, 0)),
        ],
        out_specs=pl.BlockSpec((BN_BLK, H), lambda i: (i, 0)),
        out_shape=jax.ShapeDtypeStruct((N, H), jnp.float32),
    )(t2, scale, shift)



def _seg_body(hcat, eidx, zeros, out, acc, idx, rows, gsem, ssem, isem):
    c = lax.axis_index("c")
    s = lax.axis_index("s")
    base = s * CPT
    cnt = jnp.where(s == NS - 1, CPT_LAST, CPT)
    hc = hcat.at[c]
    pltpu.sync_copy(zeros, acc.at[pl.ds(s * WPT, WPT)])
    pltpu.sync_copy(eidx.at[0, pl.ds(base, G)], idx.at[0, 0])
    pltpu.sync_copy(eidx.at[1, pl.ds(base, G)], idx.at[0, 1])
    plsc.subcore_barrier()

    def _wait_rows(sem, b):
        pltpu.make_async_copy(hc.at[pl.ds(0, CH)], rows.at[b], sem).wait()

    def _stage(g, slot):
        start = base + g * G
        pltpu.async_copy(eidx.at[0, pl.ds(start, G)], idx.at[slot, 0], isem)
        pltpu.async_copy(eidx.at[1, pl.ds(start, G)], idx.at[slot, 1], isem)

    for b in range(DPRE):
        pltpu.async_copy(hc.at[idx.at[0, 0, b]], rows.at[b], gsem)

    def body(t, carry):
        g = t // G
        r = t - g * G
        slot = lax.rem(g, 2)
        b = lax.rem(t, NBUF)

        @pl.when(jnp.logical_and(r == 0, g + 1 < NG))
        def _():
            _stage(g + 1, lax.rem(g + 1, 2))

        _wait_rows(gsem, b)
        pltpu.async_copy(rows.at[b], acc.at[idx.at[slot, 1, r]], ssem, add=True)

        @pl.when(t + DPRE < cnt)
        def _():
            @pl.when(t >= NBUF - DPRE)
            def _():
                _wait_rows(ssem, 0)

            td = t + DPRE
            gd = td // G
            rd = td - gd * G

            @pl.when(rd == 0)
            def _():
                pltpu.make_async_copy(eidx.at[pl.ds(0, 2), pl.ds(0, G)],
                                      idx.at[0], isem).wait()

            pltpu.async_copy(hc.at[idx.at[lax.rem(gd, 2), 0, rd]],
                             rows.at[lax.rem(td, NBUF)], gsem)

        return carry

    lax.fori_loop(0, cnt, body, 0)
    for _ in range(NBUF):
        _wait_rows(ssem, 0)
    plsc.subcore_barrier()
    pltpu.sync_copy(acc.at[pl.ds(s * WPT, WPT)],
                    out.at[pl.ds(s * WPT, WPT), pl.ds(c * HH, HH)])


@functools.lru_cache(maxsize=1)
def _make_seg_kernel():
    return pl.kernel(
        _seg_body,
        out_type=jax.ShapeDtypeStruct((N_PAD, 128), jnp.float32),
        mesh=plsc.VectorSubcoreMesh(
            core_axis_name="c", subcore_axis_name="s",
            num_cores=NC, num_subcores=NS,
        ),
        scratch_types=[
            pltpu.VMEM_SHARED((ACC_ROWS, HH), jnp.float32),
            pltpu.VMEM((2, 2, G, CH), jnp.int32),
            pltpu.VMEM((NBUF, CH, HH), jnp.float32),
            pltpu.SemaphoreType.DMA,
            pltpu.SemaphoreType.DMA,
            pltpu.SemaphoreType.DMA,
        ],
        compiler_params=pltpu.CompilerParams(use_tc_tiling_on_sc=False),
    )


def _segment_sum(hcat, eidx, zeros):
    return _make_seg_kernel()(hcat, eidx, zeros)



def kernel(x, edge_index, W1, b1, resW1, resb1, gamma1, beta1,
           W2, b2, resW2, resb2, gamma2, beta2):
    eidx = jnp.pad(edge_index, ((0, 0), (0, PADC * CH)))
    eidx = eidx.reshape(2, NCH_TOT + PADC, CH)
    zeros = jnp.zeros((WPT, HH), jnp.float32)

    hcat = _pre_stage(x, W1)
    agg1 = _segment_sum(hcat, eidx, zeros)
    res1 = _res1_stage(x, resW1, resb1)
    t1, scale1, shift1 = _post1_stage(agg1, b1, res1, gamma1, beta1)

    h1cat = _norm_split_stage(t1, scale1, shift1)
    agg2 = _segment_sum(h1cat, eidx, zeros)
    res2 = _res2_stage(t1, scale1, shift1, resW2, resb2)
    t2, scale2, shift2 = _post2_stage(agg2, W2, b2, res2, gamma2, beta2)
    return _norm_stage(t2, scale2, shift2)

# --- scband reference (transcript-rebuilt; emitter-appended) ---
"""Pipeline reference for scband-dgl-gcn-test-4810363372757 (READ-ONLY COPY).

The authoritative reference and input builder live on the scoring server;
editing this copy changes nothing except your own understanding.
"""

import jax, jax.numpy as jnp
import numpy as np

N = 50000
E = 800000
D_IN = 128
H = 64
EPS = 1e-5


def setup_inputs(seed: int = 0) -> dict:
    key = jax.random.key(seed)
    ks = jax.random.split(key, 16)
    x = jax.random.normal(ks[0], (N, D_IN), dtype=jnp.float32)
    edge_index = jax.random.randint(ks[1], (2, E), 0, N, dtype=jnp.int32)

    def w(k, fi, fo):
        return (jax.random.normal(k, (fi, fo), dtype=jnp.float32) / np.sqrt(fi)).astype(jnp.float32)

    return {
        "x": x,
        "edge_index": edge_index,
        "W1": w(ks[2], D_IN, H),
        "b1": jnp.zeros((H,), jnp.float32),
        "resW1": w(ks[3], D_IN, H),
        "resb1": jnp.zeros((H,), jnp.float32),
        "gamma1": jnp.ones((H,), jnp.float32),
        "beta1": jnp.zeros((H,), jnp.float32),
        "W2": w(ks[4], H, H),
        "b2": jnp.zeros((H,), jnp.float32),
        "resW2": w(ks[5], H, H),
        "resb2": jnp.zeros((H,), jnp.float32),
        "gamma2": jnp.ones((H,), jnp.float32),
        "beta2": jnp.zeros((H,), jnp.float32),
    }


def _batchnorm(h, gamma, beta):
    # BatchNorm1d in training mode: batch statistics over node axis
    m = jnp.mean(h, axis=0)
    v = jnp.var(h, axis=0)
    return gamma * (h - m) / jnp.sqrt(v + EPS) + beta


def _gcn_layer(x, src, dst, W, b, resW, resb, gamma, beta, pre_mm):
    # DGL GraphConv, norm='none': if in_feats > out_feats project first then aggregate
    if pre_mm:
        h = x @ W
        agg = jax.ops.segment_sum(h[src], dst, num_segments=N)
        conv = agg + b
    else:
        agg = jax.ops.segment_sum(x[src], dst, num_segments=N)
        conv = agg @ W + b
    conv = jax.nn.relu(conv)  # activation inside GraphConv
    res = jax.nn.relu(x @ resW + resb)  # residual branch
    h = conv + res
    # dropout p=0.0 is identity
    return _batchnorm(h, gamma, beta)


def reference(x, edge_index, W1, b1, resW1, resb1, gamma1, beta1,
              W2, b2, resW2, resb2, gamma2, beta2):
    src = edge_index[0]
    dst = edge_index[1]
    h = _gcn_layer(x, src, dst, W1, b1, resW1, resb1, gamma1, beta1, pre_mm=True)
    h = _gcn_layer(h, src, dst, W2, b2, resW2, resb2, gamma2, beta2, pre_mm=False)
    return h

if __name__ == "__main__":
    import jax
    _d = setup_inputs()
    print(jax.jit(kernel)(*tuple(_d.values())))

</pallas_src>

<mosaic_0001>
#map = affine_map<(d0, d1) -> (0, 0, 0)>
#map1 = affine_map<(d0, d1) -> (0, 0)>
module attributes {stable_mosaic.version = 14 : i64} {
  func.func @_seg_body(%arg0: i32, %arg1: i32, %arg2: memref<2x50000x32xf32, #tpu.memory_space<hbm>>, %arg3: memref<2x6266x128xi32, #tpu.memory_space<hbm>>, %arg4: memref<3128x32xf32, #tpu.memory_space<hbm>>, %arg5: memref<50048x128xf32, #tpu.memory_space<hbm>>, %arg6: memref<50048x32xf32, #tpu.memory_space<vmem_shared>>, %arg7: memref<2x2x16x128xi32, #tpu.memory_space<vmem>>, %arg8: memref<5x128x32xf32, #tpu.memory_space<vmem>>, %arg9: memref<!tpu.dma_semaphore, #tpu.memory_space<semaphore_mem>>, %arg10: memref<!tpu.dma_semaphore, #tpu.memory_space<semaphore_mem>>, %arg11: memref<!tpu.dma_semaphore, #tpu.memory_space<semaphore_mem>>) attributes {dimension_semantics = [#tpu.dimension_semantics<core_parallel>, #tpu.dimension_semantics<subcore_parallel>], iteration_bounds = array<i64: 2, 16>, scalar_prefetch = 0 : i64, scratch_operands = 6 : i64, tpu.core_type = #tpu.core_type<sc_vector_subcore>, window_params = [{transform_indices = #map}, {transform_indices = #map}, {transform_indices = #map1}, {transform_indices = #map1}]} {
    %mul3A = arith.constant 391 : i32
    %mul3A_0 = arith.muli %arg1, %mul3A : i32
    %eq3A = arith.constant 15 : i32
    %eq3A_1 = arith.cmpi eq, %arg1, %eq3A : i32
    %jit3A = arith.constant 385 : i32
    %jit3A_2 = arith.constant 391 : i32
    %select_n3A = arith.select %eq3A_1, %jit3A, %jit3A_2 : i32
    %mul3A_3 = arith.constant 3128 : i32
    %mul3A_4 = arith.muli %arg1, %mul3A_3 : i32
    "tpu.region"() ({
      %run_scoped3A_193 = tpu.sem_alloc : memref<!tpu.dma_semaphore, #tpu.memory_space<semaphore_mem>>
      %dma_start3A_194 = arith.constant 0 : i32
      %dma_start3A_195 = tpu.memref_slice %arg6[%mul3A_4, %dma_start3A_194] : memref<50048x32xf32, #tpu.memory_space<vmem_shared>> -> memref<3128x32xf32, #tpu.memory_space<vmem_shared>>
      tpu.enqueue_dma source(%arg4 : memref<3128x32xf32, #tpu.memory_space<hbm>>) target(%dma_start3A_195 : memref<3128x32xf32, #tpu.memory_space<vmem_shared>>) target_semaphore(%run_scoped3A_193 : memref<!tpu.dma_semaphore, #tpu.memory_space<semaphore_mem>>)
      %dma_wait3A_196 = arith.constant 0 : i32
      %dma_wait3A_197 = tpu.memref_slice %arg6[%mul3A_4, %dma_wait3A_196] : memref<50048x32xf32, #tpu.memory_space<vmem_shared>> -> memref<3128x32xf32, #tpu.memory_space<vmem_shared>>
      tpu.wait_dma2 semaphore(%run_scoped3A_193 : memref<!tpu.dma_semaphore, #tpu.memory_space<semaphore_mem>>) src(%arg4 : memref<3128x32xf32, #tpu.memory_space<hbm>>) dst(%dma_wait3A_197 : memref<3128x32xf32, #tpu.memory_space<vmem_shared>>)
      tpu.yield
    }) : () -> ()
    %run_scoped3A = arith.constant 0 : i32
    %run_scoped3A_5 = arith.constant 0 : i32
    %run_scoped3A_6 = arith.constant 0 : i32
    "tpu.region"() ({
      %run_scoped3A_193 = tpu.sem_alloc : memref<!tpu.dma_semaphore, #tpu.memory_space<semaphore_mem>>
      %dma_start3A_194 = arith.constant 0 : i32
      %dma_start3A_195 = arith.constant 0 : i32
      %dma_start3A_196 = tpu.memref_slice %arg7[%run_scoped3A_5, %run_scoped3A_6, %dma_start3A_194, %dma_start3A_195] : memref<2x2x16x128xi32, #tpu.memory_space<vmem>> -> memref<1x1x16x128xi32, #tpu.memory_space<vmem>>
      %dma_start3A_197 = tpu.memref_squeeze %dma_start3A_196 : memref<1x1x16x128xi32, #tpu.memory_space<vmem>> -> memref<16x128xi32, #tpu.memory_space<vmem>>
      %dma_start3A_198 = arith.constant 0 : i32
      %dma_start3A_199 = tpu.memref_slice %arg3[%run_scoped3A, %mul3A_0, %dma_start3A_198] : memref<2x6266x128xi32, #tpu.memory_space<hbm>> -> memref<1x16x128xi32, #tpu.memory_space<hbm>>
      %dma_start3A_200 = tpu.memref_squeeze %dma_start3A_199 : memref<1x16x128xi32, #tpu.memory_space<hbm>> -> memref<16x128xi32, #tpu.memory_space<hbm>>
      %dma_start3A_201 = arith.constant 0 : i32
      %dma_start3A_202 = arith.constant 0 : i32
      %dma_start3A_203 = tpu.memref_slice %arg7[%run_scoped3A_5, %run_scoped3A_6, %dma_start3A_201, %dma_start3A_202] : memref<2x2x16x128xi32, #tpu.memory_space<vmem>> -> memref<1x1x16x128xi32, #tpu.memory_space<vmem>>
      %dma_start3A_204 = tpu.memref_squeeze %dma_start3A_203 : memref<1x1x16x128xi32, #tpu.memory_space<vmem>> -> memref<16x128xi32, #tpu.memory_space<vmem>>
      %dma_start3A_205 = arith.constant 0 : i32
      %dma_start3A_206 = tpu.memref_slice %arg3[%run_scoped3A, %mul3A_0, %dma_start3A_205] : memref<2x6266x128xi32, #tpu.memory_space<hbm>> -> memref<1x16x128xi32, #tpu.memory_space<hbm>>
      %dma_start3A_207 = tpu.memref_squeeze %dma_start3A_206 : memref<1x16x128xi32, #tpu.memory_space<hbm>> -> memref<16x128xi32, #tpu.memory_space<hbm>>
      tpu.enqueue_dma source(%dma_start3A_207 : memref<16x128xi32, #tpu.memory_space<hbm>>) target(%dma_start3A_204 : memref<16x128xi32, #tpu.memory_space<vmem>>) target_semaphore(%run_scoped3A_193 : memref<!tpu.dma_semaphore, #tpu.memory_space<semaphore_mem>>)
      %dma_wait3A_208 = arith.constant 0 : i32
      %dma_wait3A_209 = arith.constant 0 : i32
      %dma_wait3A_210 = tpu.memref_slice %arg7[%run_scoped3A_5, %run_scoped3A_6, %dma_wait3A_208, %dma_wait3A_209] : memref<2x2x16x128xi32, #tpu.memory_space<vmem>> -> memref<1x1x16x128xi32, #tpu.memory_space<vmem>>
      %dma_wait3A_211 = tpu.memref_squeeze %dma_wait3A_210 : memref<1x1x16x128xi32, #tpu.memory_space<vmem>> -> memref<16x128xi32, #tpu.memory_space<vmem>>
      %dma_wait3A_212 = arith.constant 0 : i32
      %dma_wait3A_213 = tpu.memref_slice %arg3[%run_scoped3A, %mul3A_0, %dma_wait3A_212] : memref<2x6266x128xi32, #tpu.memory_space<hbm>> -> memref<1x16x128xi32, #tpu.memory_space<hbm>>
      %dma_wait3A_214 = tpu.memref_squeeze %dma_wait3A_213 : memref<1x16x128xi32, #tpu.memory_space<hbm>> -> memref<16x128xi32, #tpu.memory_space<hbm>>
      %dma_wait3A_215 = arith.constant 0 : i32
      %dma_wait3A_216 = arith.constant 0 : i32
      %dma_wait3A_217 = tpu.memref_slice %arg7[%run_scoped3A_5, %run_scoped3A_6, %dma_wait3A_215, %dma_wait3A_216] : memref<2x2x16x128xi32, #tpu.memory_space<vmem>> -> memref<1x1x16x128xi32, #tpu.memory_space<vmem>>
      %dma_wait3A_218 = tpu.memref_squeeze %dma_wait3A_217 : memref<1x1x16x128xi32, #tpu.memory_space<vmem>> -> memref<16x128xi32, #tpu.memory_space<vmem>>
      %dma_wait3A_219 = arith.constant 0 : i32
      %dma_wait3A_220 = tpu.memref_slice %arg3[%run_scoped3A, %mul3A_0, %dma_wait3A_219] : memref<2x6266x128xi32, #tpu.memory_space<hbm>> -> memref<1x16x128xi32, #tpu.memory_space<hbm>>
      %dma_wait3A_221 = tpu.memref_squeeze %dma_wait3A_220 : memref<1x16x128xi32, #tpu.memory_space<hbm>> -> memref<16x128xi32, #tpu.memory_space<hbm>>
      tpu.wait_dma2 semaphore(%run_scoped3A_193 : memref<!tpu.dma_semaphore, #tpu.memory_space<semaphore_mem>>) src(%dma_wait3A_221 : memref<16x128xi32, #tpu.memory_space<hbm>>) dst(%dma_wait3A_218 : memref<16x128xi32, #tpu.memory_space<vmem>>)
      tpu.yield
    }) : () -> ()
    %run_scoped3A_7 = arith.constant 1 : i32
    %run_scoped3A_8 = arith.constant 0 : i32
    %run_scoped3A_9 = arith.constant 1 : i32
    "tpu.region"() ({
      %run_scoped3A_193 = tpu.sem_alloc : memref<!tpu.dma_semaphore, #tpu.memory_space<semaphore_mem>>
      %dma_start3A_194 = arith.constant 0 : i32
      %dma_start3A_195 = arith.constant 0 : i32
      %dma_start3A_196 = tpu.memref_slice %arg7[%run_scoped3A_8, %run_scoped3A_9, %dma_start3A_194, %dma_start3A_195] : memref<2x2x16x128xi32, #tpu.memory_space<vmem>> -> memref<1x1x16x128xi32, #tpu.memory_space<vmem>>
      %dma_start3A_197 = tpu.memref_squeeze %dma_start3A_196 : memref<1x1x16x128xi32, #tpu.memory_space<vmem>> -> memref<16x128xi32, #tpu.memory_space<vmem>>
      %dma_start3A_198 = arith.constant 0 : i32
      %dma_start3A_199 = tpu.memref_slice %arg3[%run_scoped3A_7, %mul3A_0, %dma_start3A_198] : memref<2x6266x128xi32, #tpu.memory_space<hbm>> -> memref<1x16x128xi32, #tpu.memory_space<hbm>>
      %dma_start3A_200 = tpu.memref_squeeze %dma_start3A_199 : memref<1x16x128xi32, #tpu.memory_space<hbm>> -> memref<16x128xi32, #tpu.memory_space<hbm>>
      %dma_start3A_201 = arith.constant 0 : i32
      %dma_start3A_202 = arith.constant 0 : i32
      %dma_start3A_203 = tpu.memref_slice %arg7[%run_scoped3A_8, %run_scoped3A_9, %dma_start3A_201, %dma_start3A_202] : memref<2x2x16x128xi32, #tpu.memory_space<vmem>> -> memref<1x1x16x128xi32, #tpu.memory_space<vmem>>
      %dma_start3A_204 = tpu.memref_squeeze %dma_start3A_203 : memref<1x1x16x128xi32, #tpu.memory_space<vmem>> -> memref<16x128xi32, #tpu.memory_space<vmem>>
      %dma_start3A_205 = arith.constant 0 : i32
      %dma_start3A_206 = tpu.memref_slice %arg3[%run_scoped3A_7, %mul3A_0, %dma_start3A_205] : memref<2x6266x128xi32, #tpu.memory_space<hbm>> -> memref<1x16x128xi32, #tpu.memory_space<hbm>>
      %dma_start3A_207 = tpu.memref_squeeze %dma_start3A_206 : memref<1x16x128xi32, #tpu.memory_space<hbm>> -> memref<16x128xi32, #tpu.memory_space<hbm>>
      tpu.enqueue_dma source(%dma_start3A_207 : memref<16x128xi32, #tpu.memory_space<hbm>>) target(%dma_start3A_204 : memref<16x128xi32, #tpu.memory_space<vmem>>) target_semaphore(%run_scoped3A_193 : memref<!tpu.dma_semaphore, #tpu.memory_space<semaphore_mem>>)
      %dma_wait3A_208 = arith.constant 0 : i32
      %dma_wait3A_209 = arith.constant 0 : i32
      %dma_wait3A_210 = tpu.memref_slice %arg7[%run_scoped3A_8, %run_scoped3A_9, %dma_wait3A_208, %dma_wait3A_209] : memref<2x2x16x128xi32, #tpu.memory_space<vmem>> -> memref<1x1x16x128xi32, #tpu.memory_space<vmem>>
      %dma_wait3A_211 = tpu.memref_squeeze %dma_wait3A_210 : memref<1x1x16x128xi32, #tpu.memory_space<vmem>> -> memref<16x128xi32, #tpu.memory_space<vmem>>
      %dma_wait3A_212 = arith.constant 0 : i32
      %dma_wait3A_213 = tpu.memref_slice %arg3[%run_scoped3A_7, %mul3A_0, %dma_wait3A_212] : memref<2x6266x128xi32, #tpu.memory_space<hbm>> -> memref<1x16x128xi32, #tpu.memory_space<hbm>>
      %dma_wait3A_214 = tpu.memref_squeeze %dma_wait3A_213 : memref<1x16x128xi32, #tpu.memory_space<hbm>> -> memref<16x128xi32, #tpu.memory_space<hbm>>
      %dma_wait3A_215 = arith.constant 0 : i32
      %dma_wait3A_216 = arith.constant 0 : i32
      %dma_wait3A_217 = tpu.memref_slice %arg7[%run_scoped3A_8, %run_scoped3A_9, %dma_wait3A_215, %dma_wait3A_216] : memref<2x2x16x128xi32, #tpu.memory_space<vmem>> -> memref<1x1x16x128xi32, #tpu.memory_space<vmem>>
      %dma_wait3A_218 = tpu.memref_squeeze %dma_wait3A_217 : memref<1x1x16x128xi32, #tpu.memory_space<vmem>> -> memref<16x128xi32, #tpu.memory_space<vmem>>
      %dma_wait3A_219 = arith.constant 0 : i32
      %dma_wait3A_220 = tpu.memref_slice %arg3[%run_scoped3A_7, %mul3A_0, %dma_wait3A_219] : memref<2x6266x128xi32, #tpu.memory_space<hbm>> -> memref<1x16x128xi32, #tpu.memory_space<hbm>>
      %dma_wait3A_221 = tpu.memref_squeeze %dma_wait3A_220 : memref<1x16x128xi32, #tpu.memory_space<hbm>> -> memref<16x128xi32, #tpu.memory_space<hbm>>
      tpu.wait_dma2 semaphore(%run_scoped3A_193 : memref<!tpu.dma_semaphore, #tpu.memory_space<semaphore_mem>>) src(%dma_wait3A_221 : memref<16x128xi32, #tpu.memory_space<hbm>>) dst(%dma_wait3A_218 : memref<16x128xi32, #tpu.memory_space<vmem>>)
      tpu.yield
    }) : () -> ()
    %barrier3A = arith.constant 0 : index
    tpu.barrier barrier_id(%barrier3A)
    %dma_start3A = arith.constant 0 : i32
    %dma_start3A_10 = arith.constant 0 : i32
    %dma_start3A_11 = arith.constant 0 : i32
    %dma_start3A_12 = arith.constant 0 : i32
    %dma_start3A_13 = arith.constant 0 : i32
    %dma_start3A_14 = arith.constant 0 : i32
    %dma_start3A_15 = tpu.memref_slice %arg8[%dma_start3A_12, %dma_start3A_13, %dma_start3A_14] : memref<5x128x32xf32, #tpu.memory_space<vmem>> -> memref<1x128x32xf32, #tpu.memory_space<vmem>>
    %dma_start3A_16 = tpu.memref_squeeze %dma_start3A_15 : memref<1x128x32xf32, #tpu.memory_space<vmem>> -> memref<128x32xf32, #tpu.memory_space<vmem>>
    %dma_start3A_17 = arith.constant 0 : i32
    %dma_start3A_18 = tpu.memref_slice %arg7[%dma_start3A, %dma_start3A_10, %dma_start3A_11, %dma_start3A_17] : memref<2x2x16x128xi32, #tpu.memory_space<vmem>> -> memref<1x1x1x128xi32, #tpu.memory_space<vmem>>
    %dma_start3A_19 = tpu.memref_squeeze %dma_start3A_18 : memref<1x1x1x128xi32, #tpu.memory_space<vmem>> -> memref<128xi32, #tpu.memory_space<vmem>>
    %dma_start3A_20 = arith.constant 0 : i32
    %dma_start3A_21 = arith.constant 0 : i32
    %dma_start3A_22 = tpu.memref_slice %arg2[%arg0, %dma_start3A_20, %dma_start3A_21] : memref<2x50000x32xf32, #tpu.memory_space<hbm>> -> memref<1x50000x32xf32, #tpu.memory_space<hbm>>
    %dma_start3A_23 = tpu.memref_squeeze %dma_start3A_22 : memref<1x50000x32xf32, #tpu.memory_space<hbm>> -> memref<50000x32xf32, #tpu.memory_space<hbm>>
    %dma_start3A_24 = arith.constant 0 : i32
    %dma_start3A_25 = arith.constant 0 : i32
    %dma_start3A_26 = tpu.memref_slice %dma_start3A_23[%dma_start3A_24, %dma_start3A_25] : memref<50000x32xf32, #tpu.memory_space<hbm>> -> memref<50000x32xf32, #tpu.memory_space<hbm>>
    tpu.enqueue_indirect_dma source(%dma_start3A_26 : memref<50000x32xf32, #tpu.memory_space<hbm>>) target(%dma_start3A_16 : memref<128x32xf32, #tpu.memory_space<vmem>>) offsets(%dma_start3A_19 : memref<128xi32, #tpu.memory_space<vmem>>) semaphore(%arg9 : memref<!tpu.dma_semaphore, #tpu.memory_space<semaphore_mem>>)
    %dma_start3A_27 = arith.constant 0 : i32
    %dma_start3A_28 = arith.constant 0 : i32
    %dma_start3A_29 = arith.constant 1 : i32
    %dma_start3A_30 = arith.constant 1 : i32
    %dma_start3A_31 = arith.constant 0 : i32
    %dma_start3A_32 = arith.constant 0 : i32
    %dma_start3A_33 = tpu.memref_slice %arg8[%dma_start3A_30, %dma_start3A_31, %dma_start3A_32] : memref<5x128x32xf32, #tpu.memory_space<vmem>> -> memref<1x128x32xf32, #tpu.memory_space<vmem>>
    %dma_start3A_34 = tpu.memref_squeeze %dma_start3A_33 : memref<1x128x32xf32, #tpu.memory_space<vmem>> -> memref<128x32xf32, #tpu.memory_space<vmem>>
    %dma_start3A_35 = arith.constant 0 : i32
    %dma_start3A_36 = tpu.memref_slice %arg7[%dma_start3A_27, %dma_start3A_28, %dma_start3A_29, %dma_start3A_35] : memref<2x2x16x128xi32, #tpu.memory_space<vmem>> -> memref<1x1x1x128xi32, #tpu.memory_space<vmem>>
    %dma_start3A_37 = tpu.memref_squeeze %dma_start3A_36 : memref<1x1x1x128xi32, #tpu.memory_space<vmem>> -> memref<128xi32, #tpu.memory_space<vmem>>
    %dma_start3A_38 = arith.constant 0 : i32
    %dma_start3A_39 = arith.constant 0 : i32
    %dma_start3A_40 = tpu.memref_slice %arg2[%arg0, %dma_start3A_38, %dma_start3A_39] : memref<2x50000x32xf32, #tpu.memory_space<hbm>> -> memref<1x50000x32xf32, #tpu.memory_space<hbm>>
    %dma_start3A_41 = tpu.memref_squeeze %dma_start3A_40 : memref<1x50000x32xf32, #tpu.memory_space<hbm>> -> memref<50000x32xf32, #tpu.memory_space<hbm>>
    %dma_start3A_42 = arith.constant 0 : i32
    %dma_start3A_43 = arith.constant 0 : i32
    %dma_start3A_44 = tpu.memref_slice %dma_start3A_41[%dma_start3A_42, %dma_start3A_43] : memref<50000x32xf32, #tpu.memory_space<hbm>> -> memref<50000x32xf32, #tpu.memory_space<hbm>>
    tpu.enqueue_indirect_dma source(%dma_start3A_44 : memref<50000x32xf32, #tpu.memory_space<hbm>>) target(%dma_start3A_34 : memref<128x32xf32, #tpu.memory_space<vmem>>) offsets(%dma_start3A_37 : memref<128xi32, #tpu.memory_space<vmem>>) semaphore(%arg9 : memref<!tpu.dma_semaphore, #tpu.memory_space<semaphore_mem>>)
    %dma_start3A_45 = arith.constant 0 : i32
    %dma_start3A_46 = arith.constant 0 : i32
    %dma_start3A_47 = arith.constant 2 : i32
    %dma_start3A_48 = arith.constant 2 : i32
    %dma_start3A_49 = arith.constant 0 : i32
    %dma_start3A_50 = arith.constant 0 : i32
    %dma_start3A_51 = tpu.memref_slice %arg8[%dma_start3A_48, %dma_start3A_49, %dma_start3A_50] : memref<5x128x32xf32, #tpu.memory_space<vmem>> -> memref<1x128x32xf32, #tpu.memory_space<vmem>>
    %dma_start3A_52 = tpu.memref_squeeze %dma_start3A_51 : memref<1x128x32xf32, #tpu.memory_space<vmem>> -> memref<128x32xf32, #tpu.memory_space<vmem>>
    %dma_start3A_53 = arith.constant 0 : i32
    %dma_start3A_54 = tpu.memref_slice %arg7[%dma_start3A_45, %dma_start3A_46, %dma_start3A_47, %dma_start3A_53] : memref<2x2x16x128xi32, #tpu.memory_space<vmem>> -> memref<1x1x1x128xi32, #tpu.memory_space<vmem>>
    %dma_start3A_55 = tpu.memref_squeeze %dma_start3A_54 : memref<1x1x1x128xi32, #tpu.memory_space<vmem>> -> memref<128xi32, #tpu.memory_space<vmem>>
    %dma_start3A_56 = arith.constant 0 : i32
    %dma_start3A_57 = arith.constant 0 : i32
    %dma_start3A_58 = tpu.memref_slice %arg2[%arg0, %dma_start3A_56, %dma_start3A_57] : memref<2x50000x32xf32, #tpu.memory_space<hbm>> -> memref<1x50000x32xf32, #tpu.memory_space<hbm>>
    %dma_start3A_59 = tpu.memref_squeeze %dma_start3A_58 : memref<1x50000x32xf32, #tpu.memory_space<hbm>> -> memref<50000x32xf32, #tpu.memory_space<hbm>>
    %dma_start3A_60 = arith.constant 0 : i32
    %dma_start3A_61 = arith.constant 0 : i32
    %dma_start3A_62 = tpu.memref_slice %dma_start3A_59[%dma_start3A_60, %dma_start3A_61] : memref<50000x32xf32, #tpu.memory_space<hbm>> -> memref<50000x32xf32, #tpu.memory_space<hbm>>
    tpu.enqueue_indirect_dma source(%dma_start3A_62 : memref<50000x32xf32, #tpu.memory_space<hbm>>) target(%dma_start3A_52 : memref<128x32xf32, #tpu.memory_space<vmem>>) offsets(%dma_start3A_55 : memref<128xi32, #tpu.memory_space<vmem>>) semaphore(%arg9 : memref<!tpu.dma_semaphore, #tpu.memory_space<semaphore_mem>>)
    %while3A = arith.constant 0 : i32
    %while3A_63 = arith.constant 0 : i32
    %while3A_64 = arith.subi %select_n3A, %while3A_63 : i32
    %while3A_65 = arith.addi %while3A_63, %while3A_64 : i32
    %while3A_66 = arith.constant 1 : i32
    %while3A_67 = arith.divsi %while3A_64, %while3A_66 : i32
    %while3A_68 = arith.muli %while3A_67, %while3A_66 : i32
    %while3A_69 = arith.addi %while3A_63, %while3A_68 : i32
    %while3A_70 = arith.constant 1 : i32
    scf.for %while3A_193 = %while3A_63 to %while3A_69 step %while3A_70  : i32 {
      %jit3A_194 = arith.constant 16 : i32
      %div3A = arith.divsi %while3A_193, %jit3A_194 : i32
      %sign3A = arith.constant 0 : i32
      %sign3A_195 = arith.cmpi sgt, %while3A_193, %sign3A : i32
      %sign3A_196 = arith.extui %sign3A_195 : i1 to i32
      %sign3A_197 = arith.constant 0 : i32
      %sign3A_198 = arith.cmpi slt, %while3A_193, %sign3A_197 : i32
      %sign3A_199 = arith.extui %sign3A_198 : i1 to i32
      %sign3A_200 = arith.subi %sign3A_196, %sign3A_199 : i32
      %sign3A_201 = arith.constant 0 : i32
      %sign3A_202 = arith.cmpi sgt, %jit3A_194, %sign3A_201 : i32
      %sign3A_203 = arith.extui %sign3A_202 : i1 to i32
      %sign3A_204 = arith.constant 0 : i32
      %sign3A_205 = arith.cmpi slt, %jit3A_194, %sign3A_204 : i32
      %sign3A_206 = arith.extui %sign3A_205 : i1 to i32
      %sign3A_207 = arith.subi %sign3A_203, %sign3A_206 : i32
      %ne3A = arith.cmpi ne, %sign3A_200, %sign3A_207 : i32
      %rem3A = arith.remsi %while3A_193, %jit3A_194 : i32
      %ne3A_208 = arith.constant 0 : i32
      %ne3A_209 = arith.cmpi ne, %rem3A, %ne3A_208 : i32
      %and3A = arith.andi %ne3A, %ne3A_209 : i1
      %sub3A = arith.constant 1 : i32
      %sub3A_210 = arith.subi %div3A, %sub3A : i32
      %select_n3A_211 = arith.select %and3A, %sub3A_210, %div3A : i32
      %mul3A_212 = arith.constant 16 : i32
      %mul3A_213 = arith.muli %select_n3A_211, %mul3A_212 : i32
      %sub3A_214 = arith.subi %while3A_193, %mul3A_213 : i32
      %rem3A_215 = arith.constant 2 : i32
      %rem3A_216 = arith.remsi %select_n3A_211, %rem3A_215 : i32
      %rem3A_217 = arith.constant 5 : i32
      %rem3A_218 = arith.remsi %while3A_193, %rem3A_217 : i32
      %eq3A_219 = arith.constant 0 : i32
      %eq3A_220 = arith.cmpi eq, %sub3A_214, %eq3A_219 : i32
      %add3A = arith.constant 1 : i32
      %add3A_221 = arith.addi %select_n3A_211, %add3A : i32
      %lt3A = arith.constant 25 : i32
      %lt3A_222 = arith.cmpi slt, %add3A_221, %lt3A : i32
      %and3A_223 = arith.andi %eq3A_220, %lt3A_222 : i1
      %convert_element_type3A = arith.extui %and3A_223 : i1 to i32
      %cond3A = arith.constant 0 : i32
      %cond3A_224 = arith.cmpi ne, %convert_element_type3A, %cond3A : i32
      scf.if %cond3A_224 {
        %add3A_264 = arith.constant 1 : i32
        %add3A_265 = arith.addi %select_n3A_211, %add3A_264 : i32
        %add3A_266 = arith.constant 1 : i32
        %add3A_267 = arith.addi %select_n3A_211, %add3A_266 : i32
        %rem3A_268 = arith.constant 2 : i32
        %rem3A_269 = arith.remsi %add3A_267, %rem3A_268 : i32
        %mul3A_270 = arith.constant 16 : i32
        %mul3A_271 = arith.muli %add3A_265, %mul3A_270 : i32
        %add3A_272 = arith.addi %mul3A_0, %mul3A_271 : i32
        %dma_start3A_273 = arith.constant 0 : i32
        %dma_start3A_274 = arith.constant 0 : i32
        %dma_start3A_275 = arith.constant 0 : i32
        %dma_start3A_276 = arith.constant 0 : i32
        %dma_start3A_277 = tpu.memref_slice %arg7[%rem3A_269, %dma_start3A_274, %dma_start3A_275, %dma_start3A_276] : memref<2x2x16x128xi32, #tpu.memory_space<vmem>> -> memref<1x1x16x128xi32, #tpu.memory_space<vmem>>
        %dma_start3A_278 = tpu.memref_squeeze %dma_start3A_277 : memref<1x1x16x128xi32, #tpu.memory_space<vmem>> -> memref<16x128xi32, #tpu.memory_space<vmem>>
        %dma_start3A_279 = arith.constant 0 : i32
        %dma_start3A_280 = tpu.memref_slice %arg3[%dma_start3A_273, %add3A_272, %dma_start3A_279] : memref<2x6266x128xi32, #tpu.memory_space<hbm>> -> memref<1x16x128xi32, #tpu.memory_space<hbm>>
        %dma_start3A_281 = tpu.memref_squeeze %dma_start3A_280 : memref<1x16x128xi32, #tpu.memory_space<hbm>> -> memref<16x128xi32, #tpu.memory_space<hbm>>
        %dma_start3A_282 = arith.constant 0 : i32
        %dma_start3A_283 = arith.constant 0 : i32
        %dma_start3A_284 = tpu.memref_slice %arg7[%rem3A_269, %dma_start3A_274, %dma_start3A_282, %dma_start3A_283] : memref<2x2x16x128xi32, #tpu.memory_space<vmem>> -> memref<1x1x16x128xi32, #tpu.memory_space<vmem>>
        %dma_start3A_285 = tpu.memref_squeeze %dma_start3A_284 : memref<1x1x16x128xi32, #tpu.memory_space<vmem>> -> memref<16x128xi32, #tpu.memory_space<vmem>>
        %dma_start3A_286 = arith.constant 0 : i32
        %dma_start3A_287 = tpu.memref_slice %arg3[%dma_start3A_273, %add3A_272, %dma_start3A_286] : memref<2x6266x128xi32, #tpu.memory_space<hbm>> -> memref<1x16x128xi32, #tpu.memory_space<hbm>>
        %dma_start3A_288 = tpu.memref_squeeze %dma_start3A_287 : memref<1x16x128xi32, #tpu.memory_space<hbm>> -> memref<16x128xi32, #tpu.memory_space<hbm>>
        tpu.enqueue_dma source(%dma_start3A_288 : memref<16x128xi32, #tpu.memory_space<hbm>>) target(%dma_start3A_285 : memref<16x128xi32, #tpu.memory_space<vmem>>) target_semaphore(%arg11 : memref<!tpu.dma_semaphore, #tpu.memory_space<semaphore_mem>>)
        %dma_start3A_289 = arith.constant 1 : i32
        %dma_start3A_290 = arith.constant 1 : i32
        %dma_start3A_291 = arith.constant 0 : i32
        %dma_start3A_292 = arith.constant 0 : i32
        %dma_start3A_293 = tpu.memref_slice %arg7[%rem3A_269, %dma_start3A_290, %dma_start3A_291, %dma_start3A_292] : memref<2x2x16x128xi32, #tpu.memory_space<vmem>> -> memref<1x1x16x128xi32, #tpu.memory_space<vmem>>
        %dma_start3A_294 = tpu.memref_squeeze %dma_start3A_293 : memref<1x1x16x128xi32, #tpu.memory_space<vmem>> -> memref<16x128xi32, #tpu.memory_space<vmem>>
        %dma_start3A_295 = arith.constant 0 : i32
        %dma_start3A_296 = tpu.memref_slice %arg3[%dma_start3A_289, %add3A_272, %dma_start3A_295] : memref<2x6266x128xi32, #tpu.memory_space<hbm>> -> memref<1x16x128xi32, #tpu.memory_space<hbm>>
        %dma_start3A_297 = tpu.memref_squeeze %dma_start3A_296 : memref<1x16x128xi32, #tpu.memory_space<hbm>> -> memref<16x128xi32, #tpu.memory_space<hbm>>
        %dma_start3A_298 = arith.constant 0 : i32
        %dma_start3A_299 = arith.constant 0 : i32
        %dma_start3A_300 = tpu.memref_slice %arg7[%rem3A_269, %dma_start3A_290, %dma_start3A_298, %dma_start3A_299] : memref<2x2x16x128xi32, #tpu.memory_space<vmem>> -> memref<1x1x16x128xi32, #tpu.memory_space<vmem>>
        %dma_start3A_301 = tpu.memref_squeeze %dma_start3A_300 : memref<1x1x16x128xi32, #tpu.memory_space<vmem>> -> memref<16x128xi32, #tpu.memory_space<vmem>>
        %dma_start3A_302 = arith.constant 0 : i32
        %dma_start3A_303 = tpu.memref_slice %arg3[%dma_start3A_289, %add3A_272, %dma_start3A_302] : memref<2x6266x128xi32, #tpu.memory_space<hbm>> -> memref<1x16x128xi32, #tpu.memory_space<hbm>>
        %dma_start3A_304 = tpu.memref_squeeze %dma_start3A_303 : memref<1x16x128xi32, #tpu.memory_space<hbm>> -> memref<16x128xi32, #tpu.memory_space<hbm>>
        tpu.enqueue_dma source(%dma_start3A_304 : memref<16x128xi32, #tpu.memory_space<hbm>>) target(%dma_start3A_301 : memref<16x128xi32, #tpu.memory_space<vmem>>) target_semaphore(%arg11 : memref<!tpu.dma_semaphore, #tpu.memory_space<semaphore_mem>>)
      } else {
      }
      %dma_wait3A_225 = arith.constant 0 : i32
      %dma_wait3A_226 = arith.constant 0 : i32
      %dma_wait3A_227 = tpu.memref_slice %arg8[%rem3A_218, %dma_wait3A_225, %dma_wait3A_226] : memref<5x128x32xf32, #tpu.memory_space<vmem>> -> memref<1x128x32xf32, #tpu.memory_space<vmem>>
      %dma_wait3A_228 = tpu.memref_squeeze %dma_wait3A_227 : memref<1x128x32xf32, #tpu.memory_space<vmem>> -> memref<128x32xf32, #tpu.memory_space<vmem>>
      %dma_wait3A_229 = arith.constant 0 : i32
      %dma_wait3A_230 = arith.constant 0 : i32
      %dma_wait3A_231 = tpu.memref_slice %arg2[%arg0, %dma_wait3A_229, %dma_wait3A_230] : memref<2x50000x32xf32, #tpu.memory_space<hbm>> -> memref<1x50000x32xf32, #tpu.memory_space<hbm>>
      %dma_wait3A_232 = tpu.memref_squeeze %dma_wait3A_231 : memref<1x50000x32xf32, #tpu.memory_space<hbm>> -> memref<50000x32xf32, #tpu.memory_space<hbm>>
      %dma_wait3A_233 = arith.constant 0 : i32
      %dma_wait3A_234 = arith.constant 0 : i32
      %dma_wait3A_235 = tpu.memref_slice %dma_wait3A_232[%dma_wait3A_233, %dma_wait3A_234] : memref<50000x32xf32, #tpu.memory_space<hbm>> -> memref<128x32xf32, #tpu.memory_space<hbm>>
      %dma_wait3A_236 = arith.constant 0 : i32
      %dma_wait3A_237 = arith.constant 0 : i32
      %dma_wait3A_238 = tpu.memref_slice %arg8[%rem3A_218, %dma_wait3A_236, %dma_wait3A_237] : memref<5x128x32xf32, #tpu.memory_space<vmem>> -> memref<1x128x32xf32, #tpu.memory_space<vmem>>
      %dma_wait3A_239 = tpu.memref_squeeze %dma_wait3A_238 : memref<1x128x32xf32, #tpu.memory_space<vmem>> -> memref<128x32xf32, #tpu.memory_space<vmem>>
      %dma_wait3A_240 = arith.constant 0 : i32
      %dma_wait3A_241 = arith.constant 0 : i32
      %dma_wait3A_242 = tpu.memref_slice %arg2[%arg0, %dma_wait3A_240, %dma_wait3A_241] : memref<2x50000x32xf32, #tpu.memory_space<hbm>> -> memref<1x50000x32xf32, #tpu.memory_space<hbm>>
      %dma_wait3A_243 = tpu.memref_squeeze %dma_wait3A_242 : memref<1x50000x32xf32, #tpu.memory_space<hbm>> -> memref<50000x32xf32, #tpu.memory_space<hbm>>
      %dma_wait3A_244 = arith.constant 0 : i32
      %dma_wait3A_245 = arith.constant 0 : i32
      %dma_wait3A_246 = tpu.memref_slice %dma_wait3A_243[%dma_wait3A_244, %dma_wait3A_245] : memref<50000x32xf32, #tpu.memory_space<hbm>> -> memref<128x32xf32, #tpu.memory_space<hbm>>
      tpu.wait_dma2 semaphore(%arg9 : memref<!tpu.dma_semaphore, #tpu.memory_space<semaphore_mem>>) src(%dma_wait3A_246 : memref<128x32xf32, #tpu.memory_space<hbm>>) dst(%dma_wait3A_239 : memref<128x32xf32, #tpu.memory_space<vmem>>)
      %dma_start3A_247 = arith.constant 1 : i32
      %dma_start3A_248 = arith.constant 0 : i32
      %dma_start3A_249 = arith.constant 0 : i32
      %dma_start3A_250 = tpu.memref_slice %arg8[%rem3A_218, %dma_start3A_248, %dma_start3A_249] : memref<5x128x32xf32, #tpu.memory_space<vmem>> -> memref<1x128x32xf32, #tpu.memory_space<vmem>>
      %dma_start3A_251 = tpu.memref_squeeze %dma_start3A_250 : memref<1x128x32xf32, #tpu.memory_space<vmem>> -> memref<128x32xf32, #tpu.memory_space<vmem>>
      %dma_start3A_252 = arith.constant 0 : i32
      %dma_start3A_253 = tpu.memref_slice %arg7[%rem3A_216, %dma_start3A_247, %sub3A_214, %dma_start3A_252] : memref<2x2x16x128xi32, #tpu.memory_space<vmem>> -> memref<1x1x1x128xi32, #tpu.memory_space<vmem>>
      %dma_start3A_254 = tpu.memref_squeeze %dma_start3A_253 : memref<1x1x1x128xi32, #tpu.memory_space<vmem>> -> memref<128xi32, #tpu.memory_space<vmem>>
      %dma_start3A_255 = arith.constant 0 : i32
      %dma_start3A_256 = arith.constant 0 : i32
      %dma_start3A_257 = tpu.memref_slice %arg6[%dma_start3A_255, %dma_start3A_256] : memref<50048x32xf32, #tpu.memory_space<vmem_shared>> -> memref<50048x32xf32, #tpu.memory_space<vmem_shared>>
      tpu.enqueue_indirect_dma source(%dma_start3A_251 : memref<128x32xf32, #tpu.memory_space<vmem>>) target(%dma_start3A_257 : memref<50048x32xf32, #tpu.memory_space<vmem_shared>>) offsets(%dma_start3A_254 : memref<128xi32, #tpu.memory_space<vmem>>) semaphore(%arg10 : memref<!tpu.dma_semaphore, #tpu.memory_space<semaphore_mem>>) {add = true}
      %add3A_258 = arith.constant 3 : i32
      %add3A_259 = arith.addi %while3A_193, %add3A_258 : i32
      %lt3A_260 = arith.cmpi slt, %add3A_259, %select_n3A : i32
      %convert_element_type3A_261 = arith.extui %lt3A_260 : i1 to i32
      %cond3A_262 = arith.constant 0 : i32
      %cond3A_263 = arith.cmpi ne, %convert_element_type3A_261, %cond3A_262 : i32
      scf.if %cond3A_263 {
        %ge3A = arith.constant 2 : i32
        %ge3A_264 = arith.cmpi sge, %while3A_193, %ge3A : i32
        %convert_element_type3A_265 = arith.extui %ge3A_264 : i1 to i32
        %cond3A_266 = arith.constant 0 : i32
        %cond3A_267 = arith.cmpi ne, %convert_element_type3A_265, %cond3A_266 : i32
        scf.if %cond3A_267 {
          %dma_wait3A_321 = arith.constant 0 : i32
          %dma_wait3A_322 = arith.constant 0 : i32
          %dma_wait3A_323 = arith.constant 0 : i32
          %dma_wait3A_324 = tpu.memref_slice %arg8[%dma_wait3A_321, %dma_wait3A_322, %dma_wait3A_323] : memref<5x128x32xf32, #tpu.memory_space<vmem>> -> memref<1x128x32xf32, #tpu.memory_space<vmem>>
          %dma_wait3A_325 = tpu.memref_squeeze %dma_wait3A_324 : memref<1x128x32xf32, #tpu.memory_space<vmem>> -> memref<128x32xf32, #tpu.memory_space<vmem>>
          %dma_wait3A_326 = arith.constant 0 : i32
          %dma_wait3A_327 = arith.constant 0 : i32
          %dma_wait3A_328 = tpu.memref_slice %arg2[%arg0, %dma_wait3A_326, %dma_wait3A_327] : memref<2x50000x32xf32, #tpu.memory_space<hbm>> -> memref<1x50000x32xf32, #tpu.memory_space<hbm>>
          %dma_wait3A_329 = tpu.memref_squeeze %dma_wait3A_328 : memref<1x50000x32xf32, #tpu.memory_space<hbm>> -> memref<50000x32xf32, #tpu.memory_space<hbm>>
          %dma_wait3A_330 = arith.constant 0 : i32
          %dma_wait3A_331 = arith.constant 0 : i32
          %dma_wait3A_332 = tpu.memref_slice %dma_wait3A_329[%dma_wait3A_330, %dma_wait3A_331] : memref<50000x32xf32, #tpu.memory_space<hbm>> -> memref<128x32xf32, #tpu.memory_space<hbm>>
          %dma_wait3A_333 = arith.constant 0 : i32
          %dma_wait3A_334 = arith.constant 0 : i32
          %dma_wait3A_335 = tpu.memref_slice %arg8[%dma_wait3A_321, %dma_wait3A_333, %dma_wait3A_334] : memref<5x128x32xf32, #tpu.memory_space<vmem>> -> memref<1x128x32xf32, #tpu.memory_space<vmem>>
          %dma_wait3A_336 = tpu.memref_squeeze %dma_wait3A_335 : memref<1x128x32xf32, #tpu.memory_space<vmem>> -> memref<128x32xf32, #tpu.memory_space<vmem>>
          %dma_wait3A_337 = arith.constant 0 : i32
          %dma_wait3A_338 = arith.constant 0 : i32
          %dma_wait3A_339 = tpu.memref_slice %arg2[%arg0, %dma_wait3A_337, %dma_wait3A_338] : memref<2x50000x32xf32, #tpu.memory_space<hbm>> -> memref<1x50000x32xf32, #tpu.memory_space<hbm>>
          %dma_wait3A_340 = tpu.memref_squeeze %dma_wait3A_339 : memref<1x50000x32xf32, #tpu.memory_space<hbm>> -> memref<50000x32xf32, #tpu.memory_space<hbm>>
          %dma_wait3A_341 = arith.constant 0 : i32
          %dma_wait3A_342 = arith.constant 0 : i32
          %dma_wait3A_343 = tpu.memref_slice %dma_wait3A_340[%dma_wait3A_341, %dma_wait3A_342] : memref<50000x32xf32, #tpu.memory_space<hbm>> -> memref<128x32xf32, #tpu.memory_space<hbm>>
          tpu.wait_dma2 semaphore(%arg10 : memref<!tpu.dma_semaphore, #tpu.memory_space<semaphore_mem>>) src(%dma_wait3A_343 : memref<128x32xf32, #tpu.memory_space<hbm>>) dst(%dma_wait3A_336 : memref<128x32xf32, #tpu.memory_space<vmem>>)
        } else {
        }
        %add3A_268 = arith.constant 3 : i32
        %add3A_269 = arith.addi %while3A_193, %add3A_268 : i32
        %jit3A_270 = arith.constant 16 : i32
        %div3A_271 = arith.divsi %add3A_269, %jit3A_270 : i32
        %sign3A_272 = arith.constant 0 : i32
        %sign3A_273 = arith.cmpi sgt, %add3A_269, %sign3A_272 : i32
        %sign3A_274 = arith.extui %sign3A_273 : i1 to i32
        %sign3A_275 = arith.constant 0 : i32
        %sign3A_276 = arith.cmpi slt, %add3A_269, %sign3A_275 : i32
        %sign3A_277 = arith.extui %sign3A_276 : i1 to i32
        %sign3A_278 = arith.subi %sign3A_274, %sign3A_277 : i32
        %sign3A_279 = arith.constant 0 : i32
        %sign3A_280 = arith.cmpi sgt, %jit3A_270, %sign3A_279 : i32
        %sign3A_281 = arith.extui %sign3A_280 : i1 to i32
        %sign3A_282 = arith.constant 0 : i32
        %sign3A_283 = arith.cmpi slt, %jit3A_270, %sign3A_282 : i32
        %sign3A_284 = arith.extui %sign3A_283 : i1 to i32
        %sign3A_285 = arith.subi %sign3A_281, %sign3A_284 : i32
        %ne3A_286 = arith.cmpi ne, %sign3A_278, %sign3A_285 : i32
        %rem3A_287 = arith.remsi %add3A_269, %jit3A_270 : i32
        %ne3A_288 = arith.constant 0 : i32
        %ne3A_289 = arith.cmpi ne, %rem3A_287, %ne3A_288 : i32
        %and3A_290 = arith.andi %ne3A_286, %ne3A_289 : i1
        %sub3A_291 = arith.constant 1 : i32
        %sub3A_292 = arith.subi %div3A_271, %sub3A_291 : i32
        %select_n3A_293 = arith.select %and3A_290, %sub3A_292, %div3A_271 : i32
        %mul3A_294 = arith.constant 16 : i32
        %mul3A_295 = arith.muli %select_n3A_293, %mul3A_294 : i32
        %sub3A_296 = arith.subi %add3A_269, %mul3A_295 : i32
        %eq3A_297 = arith.constant 0 : i32
        %eq3A_298 = arith.cmpi eq, %sub3A_296, %eq3A_297 : i32
        %convert_element_type3A_299 = arith.extui %eq3A_298 : i1 to i32
        %cond3A_300 = arith.constant 0 : i32
        %cond3A_301 = arith.cmpi ne, %convert_element_type3A_299, %cond3A_300 : i32
        scf.if %cond3A_301 {
          %dma_wait3A_321 = arith.constant 0 : i32
          %dma_wait3A_322 = arith.constant 0 : i32
          %dma_wait3A_323 = arith.constant 0 : i32
          %dma_wait3A_324 = arith.constant 0 : i32
          %dma_wait3A_325 = tpu.memref_slice %arg7[%dma_wait3A_321, %dma_wait3A_322, %dma_wait3A_323, %dma_wait3A_324] : memref<2x2x16x128xi32, #tpu.memory_space<vmem>> -> memref<1x2x16x128xi32, #tpu.memory_space<vmem>>
          %dma_wait3A_326 = tpu.memref_squeeze %dma_wait3A_325 : memref<1x2x16x128xi32, #tpu.memory_space<vmem>> -> memref<2x16x128xi32, #tpu.memory_space<vmem>>
          %dma_wait3A_327 = arith.constant 0 : i32
          %dma_wait3A_328 = arith.constant 0 : i32
          %dma_wait3A_329 = arith.constant 0 : i32
          %dma_wait3A_330 = tpu.memref_slice %arg3[%dma_wait3A_327, %dma_wait3A_328, %dma_wait3A_329] : memref<2x6266x128xi32, #tpu.memory_space<hbm>> -> memref<2x16x128xi32, #tpu.memory_space<hbm>>
          %dma_wait3A_331 = arith.constant 0 : i32
          %dma_wait3A_332 = arith.constant 0 : i32
          %dma_wait3A_333 = arith.constant 0 : i32
          %dma_wait3A_334 = tpu.memref_slice %arg7[%dma_wait3A_321, %dma_wait3A_331, %dma_wait3A_332, %dma_wait3A_333] : memref<2x2x16x128xi32, #tpu.memory_space<vmem>> -> memref<1x2x16x128xi32, #tpu.memory_space<vmem>>
          %dma_wait3A_335 = tpu.memref_squeeze %dma_wait3A_334 : memref<1x2x16x128xi32, #tpu.memory_space<vmem>> -> memref<2x16x128xi32, #tpu.memory_space<vmem>>
          %dma_wait3A_336 = arith.constant 0 : i32
          %dma_wait3A_337 = arith.constant 0 : i32
          %dma_wait3A_338 = arith.constant 0 : i32
          %dma_wait3A_339 = tpu.memref_slice %arg3[%dma_wait3A_336, %dma_wait3A_337, %dma_wait3A_338] : memref<2x6266x128xi32, #tpu.memory_space<hbm>> -> memref<2x16x128xi32, #tpu.memory_space<hbm>>
          tpu.wait_dma2 semaphore(%arg11 : memref<!tpu.dma_semaphore, #tpu.memory_space<semaphore_mem>>) src(%dma_wait3A_339 : memref<2x16x128xi32, #tpu.memory_space<hbm>>) dst(%dma_wait3A_335 : memref<2x16x128xi32, #tpu.memory_space<vmem>>)
        } else {
        }
        %rem3A_302 = arith.constant 2 : i32
        %rem3A_303 = arith.remsi %select_n3A_293, %rem3A_302 : i32
        %rem3A_304 = arith.constant 5 : i32
        %rem3A_305 = arith.remsi %add3A_269, %rem3A_304 : i32
        %dma_start3A_306 = arith.constant 0 : i32
        %dma_start3A_307 = arith.constant 0 : i32
        %dma_start3A_308 = arith.constant 0 : i32
        %dma_start3A_309 = tpu.memref_slice %arg8[%rem3A_305, %dma_start3A_307, %dma_start3A_308] : memref<5x128x32xf32, #tpu.memory_space<vmem>> -> memref<1x128x32xf32, #tpu.memory_space<vmem>>
        %dma_start3A_310 = tpu.memref_squeeze %dma_start3A_309 : memref<1x128x32xf32, #tpu.memory_space<vmem>> -> memref<128x32xf32, #tpu.memory_space<vmem>>
        %dma_start3A_311 = arith.constant 0 : i32
        %dma_start3A_312 = tpu.memref_slice %arg7[%rem3A_303, %dma_start3A_306, %sub3A_296, %dma_start3A_311] : memref<2x2x16x128xi32, #tpu.memory_space<vmem>> -> memref<1x1x1x128xi32, #tpu.memory_space<vmem>>
        %dma_start3A_313 = tpu.memref_squeeze %dma_start3A_312 : memref<1x1x1x128xi32, #tpu.memory_space<vmem>> -> memref<128xi32, #tpu.memory_space<vmem>>
        %dma_start3A_314 = arith.constant 0 : i32
        %dma_start3A_315 = arith.constant 0 : i32
        %dma_start3A_316 = tpu.memref_slice %arg2[%arg0, %dma_start3A_314, %dma_start3A_315] : memref<2x50000x32xf32, #tpu.memory_space<hbm>> -> memref<1x50000x32xf32, #tpu.memory_space<hbm>>
        %dma_start3A_317 = tpu.memref_squeeze %dma_start3A_316 : memref<1x50000x32xf32, #tpu.memory_space<hbm>> -> memref<50000x32xf32, #tpu.memory_space<hbm>>
        %dma_start3A_318 = arith.constant 0 : i32
        %dma_start3A_319 = arith.constant 0 : i32
        %dma_start3A_320 = tpu.memref_slice %dma_start3A_317[%dma_start3A_318, %dma_start3A_319] : memref<50000x32xf32, #tpu.memory_space<hbm>> -> memref<50000x32xf32, #tpu.memory_space<hbm>>
        tpu.enqueue_indirect_dma source(%dma_start3A_320 : memref<50000x32xf32, #tpu.memory_space<hbm>>) target(%dma_start3A_310 : memref<128x32xf32, #tpu.memory_space<vmem>>) offsets(%dma_start3A_313 : memref<128xi32, #tpu.memory_space<vmem>>) semaphore(%arg9 : memref<!tpu.dma_semaphore, #tpu.memory_space<semaphore_mem>>)
      } else {
      }
    }
    %while3A_71 = arith.constant 1 : i32
    scf.for %while3A_193 = %while3A_69 to %while3A_65 step %while3A_71  : i32 {
      %jit3A_194 = arith.constant 16 : i32
      %div3A = arith.divsi %while3A_193, %jit3A_194 : i32
      %sign3A = arith.constant 0 : i32
      %sign3A_195 = arith.cmpi sgt, %while3A_193, %sign3A : i32
      %sign3A_196 = arith.extui %sign3A_195 : i1 to i32
      %sign3A_197 = arith.constant 0 : i32
      %sign3A_198 = arith.cmpi slt, %while3A_193, %sign3A_197 : i32
      %sign3A_199 = arith.extui %sign3A_198 : i1 to i32
      %sign3A_200 = arith.subi %sign3A_196, %sign3A_199 : i32
      %sign3A_201 = arith.constant 0 : i32
      %sign3A_202 = arith.cmpi sgt, %jit3A_194, %sign3A_201 : i32
      %sign3A_203 = arith.extui %sign3A_202 : i1 to i32
      %sign3A_204 = arith.constant 0 : i32
      %sign3A_205 = arith.cmpi slt, %jit3A_194, %sign3A_204 : i32
      %sign3A_206 = arith.extui %sign3A_205 : i1 to i32
      %sign3A_207 = arith.subi %sign3A_203, %sign3A_206 : i32
      %ne3A = arith.cmpi ne, %sign3A_200, %sign3A_207 : i32
      %rem3A = arith.remsi %while3A_193, %jit3A_194 : i32
      %ne3A_208 = arith.constant 0 : i32
      %ne3A_209 = arith.cmpi ne, %rem3A, %ne3A_208 : i32
      %and3A = arith.andi %ne3A, %ne3A_209 : i1
      %sub3A = arith.constant 1 : i32
      %sub3A_210 = arith.subi %div3A, %sub3A : i32
      %select_n3A_211 = arith.select %and3A, %sub3A_210, %div3A : i32
      %mul3A_212 = arith.constant 16 : i32
      %mul3A_213 = arith.muli %select_n3A_211, %mul3A_212 : i32
      %sub3A_214 = arith.subi %while3A_193, %mul3A_213 : i32
      %rem3A_215 = arith.constant 2 : i32
      %rem3A_216 = arith.remsi %select_n3A_211, %rem3A_215 : i32
      %rem3A_217 = arith.constant 5 : i32
      %rem3A_218 = arith.remsi %while3A_193, %rem3A_217 : i32
      %eq3A_219 = arith.constant 0 : i32
      %eq3A_220 = arith.cmpi eq, %sub3A_214, %eq3A_219 : i32
      %add3A = arith.constant 1 : i32
      %add3A_221 = arith.addi %select_n3A_211, %add3A : i32
      %lt3A = arith.constant 25 : i32
      %lt3A_222 = arith.cmpi slt, %add3A_221, %lt3A : i32
      %and3A_223 = arith.andi %eq3A_220, %lt3A_222 : i1
      %convert_element_type3A = arith.extui %and3A_223 : i1 to i32
      %cond3A = arith.constant 0 : i32
      %cond3A_224 = arith.cmpi ne, %convert_element_type3A, %cond3A : i32
      scf.if %cond3A_224 {
        %add3A_264 = arith.constant 1 : i32
        %add3A_265 = arith.addi %select_n3A_211, %add3A_264 : i32
        %add3A_266 = arith.constant 1 : i32
        %add3A_267 = arith.addi %select_n3A_211, %add3A_266 : i32
        %rem3A_268 = arith.constant 2 : i32
        %rem3A_269 = arith.remsi %add3A_267, %rem3A_268 : i32
        %mul3A_270 = arith.constant 16 : i32
        %mul3A_271 = arith.muli %add3A_265, %mul3A_270 : i32
        %add3A_272 = arith.addi %mul3A_0, %mul3A_271 : i32
        %dma_start3A_273 = arith.constant 0 : i32
        %dma_start3A_274 = arith.constant 0 : i32
        %dma_start3A_275 = arith.constant 0 : i32
        %dma_start3A_276 = arith.constant 0 : i32
        %dma_start3A_277 = tpu.memref_slice %arg7[%rem3A_269, %dma_start3A_274, %dma_start3A_275, %dma_start3A_276] : memref<2x2x16x128xi32, #tpu.memory_space<vmem>> -> memref<1x1x16x128xi32, #tpu.memory_space<vmem>>
        %dma_start3A_278 = tpu.memref_squeeze %dma_start3A_277 : memref<1x1x16x128xi32, #tpu.memory_space<vmem>> -> memref<16x128xi32, #tpu.memory_space<vmem>>
        %dma_start3A_279 = arith.constant 0 : i32
        %dma_start3A_280 = tpu.memref_slice %arg3[%dma_start3A_273, %add3A_272, %dma_start3A_279] : memref<2x6266x128xi32, #tpu.memory_space<hbm>> -> memref<1x16x128xi32, #tpu.memory_space<hbm>>
        %dma_start3A_281 = tpu.memref_squeeze %dma_start3A_280 : memref<1x16x128xi32, #tpu.memory_space<hbm>> -> memref<16x128xi32, #tpu.memory_space<hbm>>
        %dma_start3A_282 = arith.constant 0 : i32
        %dma_start3A_283 = arith.constant 0 : i32
        %dma_start3A_284 = tpu.memref_slice %arg7[%rem3A_269, %dma_start3A_274, %dma_start3A_282, %dma_start3A_283] : memref<2x2x16x128xi32, #tpu.memory_space<vmem>> -> memref<1x1x16x128xi32, #tpu.memory_space<vmem>>
        %dma_start3A_285 = tpu.memref_squeeze %dma_start3A_284 : memref<1x1x16x128xi32, #tpu.memory_space<vmem>> -> memref<16x128xi32, #tpu.memory_space<vmem>>
        %dma_start3A_286 = arith.constant 0 : i32
        %dma_start3A_287 = tpu.memref_slice %arg3[%dma_start3A_273, %add3A_272, %dma_start3A_286] : memref<2x6266x128xi32, #tpu.memory_space<hbm>> -> memref<1x16x128xi32, #tpu.memory_space<hbm>>
        %dma_start3A_288 = tpu.memref_squeeze %dma_start3A_287 : memref<1x16x128xi32, #tpu.memory_space<hbm>> -> memref<16x128xi32, #tpu.memory_space<hbm>>
        tpu.enqueue_dma source(%dma_start3A_288 : memref<16x128xi32, #tpu.memory_space<hbm>>) target(%dma_start3A_285 : memref<16x128xi32, #tpu.memory_space<vmem>>) target_semaphore(%arg11 : memref<!tpu.dma_semaphore, #tpu.memory_space<semaphore_mem>>)
        %dma_start3A_289 = arith.constant 1 : i32
        %dma_start3A_290 = arith.constant 1 : i32
        %dma_start3A_291 = arith.constant 0 : i32
        %dma_start3A_292 = arith.constant 0 : i32
        %dma_start3A_293 = tpu.memref_slice %arg7[%rem3A_269, %dma_start3A_290, %dma_start3A_291, %dma_start3A_292] : memref<2x2x16x128xi32, #tpu.memory_space<vmem>> -> memref<1x1x16x128xi32, #tpu.memory_space<vmem>>
        %dma_start3A_294 = tpu.memref_squeeze %dma_start3A_293 : memref<1x1x16x128xi32, #tpu.memory_space<vmem>> -> memref<16x128xi32, #tpu.memory_space<vmem>>
        %dma_start3A_295 = arith.constant 0 : i32
        %dma_start3A_296 = tpu.memref_slice %arg3[%dma_start3A_289, %add3A_272, %dma_start3A_295] : memref<2x6266x128xi32, #tpu.memory_space<hbm>> -> memref<1x16x128xi32, #tpu.memory_space<hbm>>
        %dma_start3A_297 = tpu.memref_squeeze %dma_start3A_296 : memref<1x16x128xi32, #tpu.memory_space<hbm>> -> memref<16x128xi32, #tpu.memory_space<hbm>>
        %dma_start3A_298 = arith.constant 0 : i32
        %dma_start3A_299 = arith.constant 0 : i32
        %dma_start3A_300 = tpu.memref_slice %arg7[%rem3A_269, %dma_start3A_290, %dma_start3A_298, %dma_start3A_299] : memref<2x2x16x128xi32, #tpu.memory_space<vmem>> -> memref<1x1x16x128xi32, #tpu.memory_space<vmem>>
        %dma_start3A_301 = tpu.memref_squeeze %dma_start3A_300 : memref<1x1x16x128xi32, #tpu.memory_space<vmem>> -> memref<16x128xi32, #tpu.memory_space<vmem>>
        %dma_start3A_302 = arith.constant 0 : i32
        %dma_start3A_303 = tpu.memref_slice %arg3[%dma_start3A_289, %add3A_272, %dma_start3A_302] : memref<2x6266x128xi32, #tpu.memory_space<hbm>> -> memref<1x16x128xi32, #tpu.memory_space<hbm>>
        %dma_start3A_304 = tpu.memref_squeeze %dma_start3A_303 : memref<1x16x128xi32, #tpu.memory_space<hbm>> -> memref<16x128xi32, #tpu.memory_space<hbm>>
        tpu.enqueue_dma source(%dma_start3A_304 : memref<16x128xi32, #tpu.memory_space<hbm>>) target(%dma_start3A_301 : memref<16x128xi32, #tpu.memory_space<vmem>>) target_semaphore(%arg11 : memref<!tpu.dma_semaphore, #tpu.memory_space<semaphore_mem>>)
      } else {
      }
      %dma_wait3A_225 = arith.constant 0 : i32
      %dma_wait3A_226 = arith.constant 0 : i32
      %dma_wait3A_227 = tpu.memref_slice %arg8[%rem3A_218, %dma_wait3A_225, %dma_wait3A_226] : memref<5x128x32xf32, #tpu.memory_space<vmem>> -> memref<1x128x32xf32, #tpu.memory_space<vmem>>
      %dma_wait3A_228 = tpu.memref_squeeze %dma_wait3A_227 : memref<1x128x32xf32, #tpu.memory_space<vmem>> -> memref<128x32xf32, #tpu.memory_space<vmem>>
      %dma_wait3A_229 = arith.constant 0 : i32
      %dma_wait3A_230 = arith.constant 0 : i32
      %dma_wait3A_231 = tpu.memref_slice %arg2[%arg0, %dma_wait3A_229, %dma_wait3A_230] : memref<2x50000x32xf32, #tpu.memory_space<hbm>> -> memref<1x50000x32xf32, #tpu.memory_space<hbm>>
      %dma_wait3A_232 = tpu.memref_squeeze %dma_wait3A_231 : memref<1x50000x32xf32, #tpu.memory_space<hbm>> -> memref<50000x32xf32, #tpu.memory_space<hbm>>
      %dma_wait3A_233 = arith.constant 0 : i32
      %dma_wait3A_234 = arith.constant 0 : i32
      %dma_wait3A_235 = tpu.memref_slice %dma_wait3A_232[%dma_wait3A_233, %dma_wait3A_234] : memref<50000x32xf32, #tpu.memory_space<hbm>> -> memref<128x32xf32, #tpu.memory_space<hbm>>
      %dma_wait3A_236 = arith.constant 0 : i32
      %dma_wait3A_237 = arith.constant 0 : i32
      %dma_wait3A_238 = tpu.memref_slice %arg8[%rem3A_218, %dma_wait3A_236, %dma_wait3A_237] : memref<5x128x32xf32, #tpu.memory_space<vmem>> -> memref<1x128x32xf32, #tpu.memory_space<vmem>>
      %dma_wait3A_239 = tpu.memref_squeeze %dma_wait3A_238 : memref<1x128x32xf32, #tpu.memory_space<vmem>> -> memref<128x32xf32, #tpu.memory_space<vmem>>
      %dma_wait3A_240 = arith.constant 0 : i32
      %dma_wait3A_241 = arith.constant 0 : i32
      %dma_wait3A_242 = tpu.memref_slice %arg2[%arg0, %dma_wait3A_240, %dma_wait3A_241] : memref<2x50000x32xf32, #tpu.memory_space<hbm>> -> memref<1x50000x32xf32, #tpu.memory_space<hbm>>
      %dma_wait3A_243 = tpu.memref_squeeze %dma_wait3A_242 : memref<1x50000x32xf32, #tpu.memory_space<hbm>> -> memref<50000x32xf32, #tpu.memory_space<hbm>>
      %dma_wait3A_244 = arith.constant 0 : i32
      %dma_wait3A_245 = arith.constant 0 : i32
      %dma_wait3A_246 = tpu.memref_slice %dma_wait3A_243[%dma_wait3A_244, %dma_wait3A_245] : memref<50000x32xf32, #tpu.memory_space<hbm>> -> memref<128x32xf32, #tpu.memory_space<hbm>>
      tpu.wait_dma2 semaphore(%arg9 : memref<!tpu.dma_semaphore, #tpu.memory_space<semaphore_mem>>) src(%dma_wait3A_246 : memref<128x32xf32, #tpu.memory_space<hbm>>) dst(%dma_wait3A_239 : memref<128x32xf32, #tpu.memory_space<vmem>>)
      %dma_start3A_247 = arith.constant 1 : i32
      %dma_start3A_248 = arith.constant 0 : i32
      %dma_start3A_249 = arith.constant 0 : i32
      %dma_start3A_250 = tpu.memref_slice %arg8[%rem3A_218, %dma_start3A_248, %dma_start3A_249] : memref<5x128x32xf32, #tpu.memory_space<vmem>> -> memref<1x128x32xf32, #tpu.memory_space<vmem>>
      %dma_start3A_251 = tpu.memref_squeeze %dma_start3A_250 : memref<1x128x32xf32, #tpu.memory_space<vmem>> -> memref<128x32xf32, #tpu.memory_space<vmem>>
      %dma_start3A_252 = arith.constant 0 : i32
      %dma_start3A_253 = tpu.memref_slice %arg7[%rem3A_216, %dma_start3A_247, %sub3A_214, %dma_start3A_252] : memref<2x2x16x128xi32, #tpu.memory_space<vmem>> -> memref<1x1x1x128xi32, #tpu.memory_space<vmem>>
      %dma_start3A_254 = tpu.memref_squeeze %dma_start3A_253 : memref<1x1x1x128xi32, #tpu.memory_space<vmem>> -> memref<128xi32, #tpu.memory_space<vmem>>
      %dma_start3A_255 = arith.constant 0 : i32
      %dma_start3A_256 = arith.constant 0 : i32
      %dma_start3A_257 = tpu.memref_slice %arg6[%dma_start3A_255, %dma_start3A_256] : memref<50048x32xf32, #tpu.memory_space<vmem_shared>> -> memref<50048x32xf32, #tpu.memory_space<vmem_shared>>
      tpu.enqueue_indirect_dma source(%dma_start3A_251 : memref<128x32xf32, #tpu.memory_space<vmem>>) target(%dma_start3A_257 : memref<50048x32xf32, #tpu.memory_space<vmem_shared>>) offsets(%dma_start3A_254 : memref<128xi32, #tpu.memory_space<vmem>>) semaphore(%arg10 : memref<!tpu.dma_semaphore, #tpu.memory_space<semaphore_mem>>) {add = true}
      %add3A_258 = arith.constant 3 : i32
      %add3A_259 = arith.addi %while3A_193, %add3A_258 : i32
      %lt3A_260 = arith.cmpi slt, %add3A_259, %select_n3A : i32
      %convert_element_type3A_261 = arith.extui %lt3A_260 : i1 to i32
      %cond3A_262 = arith.constant 0 : i32
      %cond3A_263 = arith.cmpi ne, %convert_element_type3A_261, %cond3A_262 : i32
      scf.if %cond3A_263 {
        %ge3A = arith.constant 2 : i32
        %ge3A_264 = arith.cmpi sge, %while3A_193, %ge3A : i32
        %convert_element_type3A_265 = arith.extui %ge3A_264 : i1 to i32
        %cond3A_266 = arith.constant 0 : i32
        %cond3A_267 = arith.cmpi ne, %convert_element_type3A_265, %cond3A_266 : i32
        scf.if %cond3A_267 {
          %dma_wait3A_321 = arith.constant 0 : i32
          %dma_wait3A_322 = arith.constant 0 : i32
          %dma_wait3A_323 = arith.constant 0 : i32
          %dma_wait3A_324 = tpu.memref_slice %arg8[%dma_wait3A_321, %dma_wait3A_322, %dma_wait3A_323] : memref<5x128x32xf32, #tpu.memory_space<vmem>> -> memref<1x128x32xf32, #tpu.memory_space<vmem>>
          %dma_wait3A_325 = tpu.memref_squeeze %dma_wait3A_324 : memref<1x128x32xf32, #tpu.memory_space<vmem>> -> memref<128x32xf32, #tpu.memory_space<vmem>>
          %dma_wait3A_326 = arith.constant 0 : i32
          %dma_wait3A_327 = arith.constant 0 : i32
          %dma_wait3A_328 = tpu.memref_slice %arg2[%arg0, %dma_wait3A_326, %dma_wait3A_327] : memref<2x50000x32xf32, #tpu.memory_space<hbm>> -> memref<1x50000x32xf32, #tpu.memory_space<hbm>>
          %dma_wait3A_329 = tpu.memref_squeeze %dma_wait3A_328 : memref<1x50000x32xf32, #tpu.memory_space<hbm>> -> memref<50000x32xf32, #tpu.memory_space<hbm>>
          %dma_wait3A_330 = arith.constant 0 : i32
          %dma_wait3A_331 = arith.constant 0 : i32
          %dma_wait3A_332 = tpu.memref_slice %dma_wait3A_329[%dma_wait3A_330, %dma_wait3A_331] : memref<50000x32xf32, #tpu.memory_space<hbm>> -> memref<128x32xf32, #tpu.memory_space<hbm>>
          %dma_wait3A_333 = arith.constant 0 : i32
          %dma_wait3A_334 = arith.constant 0 : i32
          %dma_wait3A_335 = tpu.memref_slice %arg8[%dma_wait3A_321, %dma_wait3A_333, %dma_wait3A_334] : memref<5x128x32xf32, #tpu.memory_space<vmem>> -> memref<1x128x32xf32, #tpu.memory_space<vmem>>
          %dma_wait3A_336 = tpu.memref_squeeze %dma_wait3A_335 : memref<1x128x32xf32, #tpu.memory_space<vmem>> -> memref<128x32xf32, #tpu.memory_space<vmem>>
          %dma_wait3A_337 = arith.constant 0 : i32
          %dma_wait3A_338 = arith.constant 0 : i32
          %dma_wait3A_339 = tpu.memref_slice %arg2[%arg0, %dma_wait3A_337, %dma_wait3A_338] : memref<2x50000x32xf32, #tpu.memory_space<hbm>> -> memref<1x50000x32xf32, #tpu.memory_space<hbm>>
          %dma_wait3A_340 = tpu.memref_squeeze %dma_wait3A_339 : memref<1x50000x32xf32, #tpu.memory_space<hbm>> -> memref<50000x32xf32, #tpu.memory_space<hbm>>
          %dma_wait3A_341 = arith.constant 0 : i32
          %dma_wait3A_342 = arith.constant 0 : i32
          %dma_wait3A_343 = tpu.memref_slice %dma_wait3A_340[%dma_wait3A_341, %dma_wait3A_342] : memref<50000x32xf32, #tpu.memory_space<hbm>> -> memref<128x32xf32, #tpu.memory_space<hbm>>
          tpu.wait_dma2 semaphore(%arg10 : memref<!tpu.dma_semaphore, #tpu.memory_space<semaphore_mem>>) src(%dma_wait3A_343 : memref<128x32xf32, #tpu.memory_space<hbm>>) dst(%dma_wait3A_336 : memref<128x32xf32, #tpu.memory_space<vmem>>)
        } else {
        }
        %add3A_268 = arith.constant 3 : i32
        %add3A_269 = arith.addi %while3A_193, %add3A_268 : i32
        %jit3A_270 = arith.constant 16 : i32
        %div3A_271 = arith.divsi %add3A_269, %jit3A_270 : i32
        %sign3A_272 = arith.constant 0 : i32
        %sign3A_273 = arith.cmpi sgt, %add3A_269, %sign3A_272 : i32
        %sign3A_274 = arith.extui %sign3A_273 : i1 to i32
        %sign3A_275 = arith.constant 0 : i32
        %sign3A_276 = arith.cmpi slt, %add3A_269, %sign3A_275 : i32
        %sign3A_277 = arith.extui %sign3A_276 : i1 to i32
        %sign3A_278 = arith.subi %sign3A_274, %sign3A_277 : i32
        %sign3A_279 = arith.constant 0 : i32
        %sign3A_280 = arith.cmpi sgt, %jit3A_270, %sign3A_279 : i32
        %sign3A_281 = arith.extui %sign3A_280 : i1 to i32
        %sign3A_282 = arith.constant 0 : i32
        %sign3A_283 = arith.cmpi slt, %jit3A_270, %sign3A_282 : i32
        %sign3A_284 = arith.extui %sign3A_283 : i1 to i32
        %sign3A_285 = arith.subi %sign3A_281, %sign3A_284 : i32
        %ne3A_286 = arith.cmpi ne, %sign3A_278, %sign3A_285 : i32
        %rem3A_287 = arith.remsi %add3A_269, %jit3A_270 : i32
        %ne3A_288 = arith.constant 0 : i32
        %ne3A_289 = arith.cmpi ne, %rem3A_287, %ne3A_288 : i32
        %and3A_290 = arith.andi %ne3A_286, %ne3A_289 : i1
        %sub3A_291 = arith.constant 1 : i32
        %sub3A_292 = arith.subi %div3A_271, %sub3A_291 : i32
        %select_n3A_293 = arith.select %and3A_290, %sub3A_292, %div3A_271 : i32
        %mul3A_294 = arith.constant 16 : i32
        %mul3A_295 = arith.muli %select_n3A_293, %mul3A_294 : i32
        %sub3A_296 = arith.subi %add3A_269, %mul3A_295 : i32
        %eq3A_297 = arith.constant 0 : i32
        %eq3A_298 = arith.cmpi eq, %sub3A_296, %eq3A_297 : i32
        %convert_element_type3A_299 = arith.extui %eq3A_298 : i1 to i32
        %cond3A_300 = arith.constant 0 : i32
        %cond3A_301 = arith.cmpi ne, %convert_element_type3A_299, %cond3A_300 : i32
        scf.if %cond3A_301 {
          %dma_wait3A_321 = arith.constant 0 : i32
          %dma_wait3A_322 = arith.constant 0 : i32
          %dma_wait3A_323 = arith.constant 0 : i32
          %dma_wait3A_324 = arith.constant 0 : i32
          %dma_wait3A_325 = tpu.memref_slice %arg7[%dma_wait3A_321, %dma_wait3A_322, %dma_wait3A_323, %dma_wait3A_324] : memref<2x2x16x128xi32, #tpu.memory_space<vmem>> -> memref<1x2x16x128xi32, #tpu.memory_space<vmem>>
          %dma_wait3A_326 = tpu.memref_squeeze %dma_wait3A_325 : memref<1x2x16x128xi32, #tpu.memory_space<vmem>> -> memref<2x16x128xi32, #tpu.memory_space<vmem>>
          %dma_wait3A_327 = arith.constant 0 : i32
          %dma_wait3A_328 = arith.constant 0 : i32
          %dma_wait3A_329 = arith.constant 0 : i32
          %dma_wait3A_330 = tpu.memref_slice %arg3[%dma_wait3A_327, %dma_wait3A_328, %dma_wait3A_329] : memref<2x6266x128xi32, #tpu.memory_space<hbm>> -> memref<2x16x128xi32, #tpu.memory_space<hbm>>
          %dma_wait3A_331 = arith.constant 0 : i32
          %dma_wait3A_332 = arith.constant 0 : i32
          %dma_wait3A_333 = arith.constant 0 : i32
          %dma_wait3A_334 = tpu.memref_slice %arg7[%dma_wait3A_321, %dma_wait3A_331, %dma_wait3A_332, %dma_wait3A_333] : memref<2x2x16x128xi32, #tpu.memory_space<vmem>> -> memref<1x2x16x128xi32, #tpu.memory_space<vmem>>
          %dma_wait3A_335 = tpu.memref_squeeze %dma_wait3A_334 : memref<1x2x16x128xi32, #tpu.memory_space<vmem>> -> memref<2x16x128xi32, #tpu.memory_space<vmem>>
          %dma_wait3A_336 = arith.constant 0 : i32
          %dma_wait3A_337 = arith.constant 0 : i32
          %dma_wait3A_338 = arith.constant 0 : i32
          %dma_wait3A_339 = tpu.memref_slice %arg3[%dma_wait3A_336, %dma_wait3A_337, %dma_wait3A_338] : memref<2x6266x128xi32, #tpu.memory_space<hbm>> -> memref<2x16x128xi32, #tpu.memory_space<hbm>>
          tpu.wait_dma2 semaphore(%arg11 : memref<!tpu.dma_semaphore, #tpu.memory_space<semaphore_mem>>) src(%dma_wait3A_339 : memref<2x16x128xi32, #tpu.memory_space<hbm>>) dst(%dma_wait3A_335 : memref<2x16x128xi32, #tpu.memory_space<vmem>>)
        } else {
        }
        %rem3A_302 = arith.constant 2 : i32
        %rem3A_303 = arith.remsi %select_n3A_293, %rem3A_302 : i32
        %rem3A_304 = arith.constant 5 : i32
        %rem3A_305 = arith.remsi %add3A_269, %rem3A_304 : i32
        %dma_start3A_306 = arith.constant 0 : i32
        %dma_start3A_307 = arith.constant 0 : i32
        %dma_start3A_308 = arith.constant 0 : i32
        %dma_start3A_309 = tpu.memref_slice %arg8[%rem3A_305, %dma_start3A_307, %dma_start3A_308] : memref<5x128x32xf32, #tpu.memory_space<vmem>> -> memref<1x128x32xf32, #tpu.memory_space<vmem>>
        %dma_start3A_310 = tpu.memref_squeeze %dma_start3A_309 : memref<1x128x32xf32, #tpu.memory_space<vmem>> -> memref<128x32xf32, #tpu.memory_space<vmem>>
        %dma_start3A_311 = arith.constant 0 : i32
        %dma_start3A_312 = tpu.memref_slice %arg7[%rem3A_303, %dma_start3A_306, %sub3A_296, %dma_start3A_311] : memref<2x2x16x128xi32, #tpu.memory_space<vmem>> -> memref<1x1x1x128xi32, #tpu.memory_space<vmem>>
        %dma_start3A_313 = tpu.memref_squeeze %dma_start3A_312 : memref<1x1x1x128xi32, #tpu.memory_space<vmem>> -> memref<128xi32, #tpu.memory_space<vmem>>
        %dma_start3A_314 = arith.constant 0 : i32
        %dma_start3A_315 = arith.constant 0 : i32
        %dma_start3A_316 = tpu.memref_slice %arg2[%arg0, %dma_start3A_314, %dma_start3A_315] : memref<2x50000x32xf32, #tpu.memory_space<hbm>> -> memref<1x50000x32xf32, #tpu.memory_space<hbm>>
        %dma_start3A_317 = tpu.memref_squeeze %dma_start3A_316 : memref<1x50000x32xf32, #tpu.memory_space<hbm>> -> memref<50000x32xf32, #tpu.memory_space<hbm>>
        %dma_start3A_318 = arith.constant 0 : i32
        %dma_start3A_319 = arith.constant 0 : i32
        %dma_start3A_320 = tpu.memref_slice %dma_start3A_317[%dma_start3A_318, %dma_start3A_319] : memref<50000x32xf32, #tpu.memory_space<hbm>> -> memref<50000x32xf32, #tpu.memory_space<hbm>>
        tpu.enqueue_indirect_dma source(%dma_start3A_320 : memref<50000x32xf32, #tpu.memory_space<hbm>>) target(%dma_start3A_310 : memref<128x32xf32, #tpu.memory_space<vmem>>) offsets(%dma_start3A_313 : memref<128xi32, #tpu.memory_space<vmem>>) semaphore(%arg9 : memref<!tpu.dma_semaphore, #tpu.memory_space<semaphore_mem>>)
      } else {
      }
    }
    %dma_wait3A = arith.constant 0 : i32
    %dma_wait3A_72 = arith.constant 0 : i32
    %dma_wait3A_73 = arith.constant 0 : i32
    %dma_wait3A_74 = tpu.memref_slice %arg8[%dma_wait3A, %dma_wait3A_72, %dma_wait3A_73] : memref<5x128x32xf32, #tpu.memory_space<vmem>> -> memref<1x128x32xf32, #tpu.memory_space<vmem>>
    %dma_wait3A_75 = tpu.memref_squeeze %dma_wait3A_74 : memref<1x128x32xf32, #tpu.memory_space<vmem>> -> memref<128x32xf32, #tpu.memory_space<vmem>>
    %dma_wait3A_76 = arith.constant 0 : i32
    %dma_wait3A_77 = arith.constant 0 : i32
    %dma_wait3A_78 = tpu.memref_slice %arg2[%arg0, %dma_wait3A_76, %dma_wait3A_77] : memref<2x50000x32xf32, #tpu.memory_space<hbm>> -> memref<1x50000x32xf32, #tpu.memory_space<hbm>>
    %dma_wait3A_79 = tpu.memref_squeeze %dma_wait3A_78 : memref<1x50000x32xf32, #tpu.memory_space<hbm>> -> memref<50000x32xf32, #tpu.memory_space<hbm>>
    %dma_wait3A_80 = arith.constant 0 : i32
    %dma_wait3A_81 = arith.constant 0 : i32
    %dma_wait3A_82 = tpu.memref_slice %dma_wait3A_79[%dma_wait3A_80, %dma_wait3A_81] : memref<50000x32xf32, #tpu.memory_space<hbm>> -> memref<128x32xf32, #tpu.memory_space<hbm>>
    %dma_wait3A_83 = arith.constant 0 : i32
    %dma_wait3A_84 = arith.constant 0 : i32
    %dma_wait3A_85 = tpu.memref_slice %arg8[%dma_wait3A, %dma_wait3A_83, %dma_wait3A_84] : memref<5x128x32xf32, #tpu.memory_space<vmem>> -> memref<1x128x32xf32, #tpu.memory_space<vmem>>
    %dma_wait3A_86 = tpu.memref_squeeze %dma_wait3A_85 : memref<1x128x32xf32, #tpu.memory_space<vmem>> -> memref<128x32xf32, #tpu.memory_space<vmem>>
    %dma_wait3A_87 = arith.constant 0 : i32
    %dma_wait3A_88 = arith.constant 0 : i32
    %dma_wait3A_89 = tpu.memref_slice %arg2[%arg0, %dma_wait3A_87, %dma_wait3A_88] : memref<2x50000x32xf32, #tpu.memory_space<hbm>> -> memref<1x50000x32xf32, #tpu.memory_space<hbm>>
    %dma_wait3A_90 = tpu.memref_squeeze %dma_wait3A_89 : memref<1x50000x32xf32, #tpu.memory_space<hbm>> -> memref<50000x32xf32, #tpu.memory_space<hbm>>
    %dma_wait3A_91 = arith.constant 0 : i32
    %dma_wait3A_92 = arith.constant 0 : i32
    %dma_wait3A_93 = tpu.memref_slice %dma_wait3A_90[%dma_wait3A_91, %dma_wait3A_92] : memref<50000x32xf32, #tpu.memory_space<hbm>> -> memref<128x32xf32, #tpu.memory_space<hbm>>
    tpu.wait_dma2 semaphore(%arg10 : memref<!tpu.dma_semaphore, #tpu.memory_space<semaphore_mem>>) src(%dma_wait3A_93 : memref<128x32xf32, #tpu.memory_space<hbm>>) dst(%dma_wait3A_86 : memref<128x32xf32, #tpu.memory_space<vmem>>)
    %dma_wait3A_94 = arith.constant 0 : i32
    %dma_wait3A_95 = arith.constant 0 : i32
    %dma_wait3A_96 = arith.constant 0 : i32
    %dma_wait3A_97 = tpu.memref_slice %arg8[%dma_wait3A_94, %dma_wait3A_95, %dma_wait3A_96] : memref<5x128x32xf32, #tpu.memory_space<vmem>> -> memref<1x128x32xf32, #tpu.memory_space<vmem>>
    %dma_wait3A_98 = tpu.memref_squeeze %dma_wait3A_97 : memref<1x128x32xf32, #tpu.memory_space<vmem>> -> memref<128x32xf32, #tpu.memory_space<vmem>>
    %dma_wait3A_99 = arith.constant 0 : i32
    %dma_wait3A_100 = arith.constant 0 : i32
    %dma_wait3A_101 = tpu.memref_slice %arg2[%arg0, %dma_wait3A_99, %dma_wait3A_100] : memref<2x50000x32xf32, #tpu.memory_space<hbm>> -> memref<1x50000x32xf32, #tpu.memory_space<hbm>>
    %dma_wait3A_102 = tpu.memref_squeeze %dma_wait3A_101 : memref<1x50000x32xf32, #tpu.memory_space<hbm>> -> memref<50000x32xf32, #tpu.memory_space<hbm>>
    %dma_wait3A_103 = arith.constant 0 : i32
    %dma_wait3A_104 = arith.constant 0 : i32
    %dma_wait3A_105 = tpu.memref_slice %dma_wait3A_102[%dma_wait3A_103, %dma_wait3A_104] : memref<50000x32xf32, #tpu.memory_space<hbm>> -> memref<128x32xf32, #tpu.memory_space<hbm>>
    %dma_wait3A_106 = arith.constant 0 : i32
    %dma_wait3A_107 = arith.constant 0 : i32
    %dma_wait3A_108 = tpu.memref_slice %arg8[%dma_wait3A_94, %dma_wait3A_106, %dma_wait3A_107] : memref<5x128x32xf32, #tpu.memory_space<vmem>> -> memref<1x128x32xf32, #tpu.memory_space<vmem>>
    %dma_wait3A_109 = tpu.memref_squeeze %dma_wait3A_108 : memref<1x128x32xf32, #tpu.memory_space<vmem>> -> memref<128x32xf32, #tpu.memory_space<vmem>>
    %dma_wait3A_110 = arith.constant 0 : i32
    %dma_wait3A_111 = arith.constant 0 : i32
    %dma_wait3A_112 = tpu.memref_slice %arg2[%arg0, %dma_wait3A_110, %dma_wait3A_111] : memref<2x50000x32xf32, #tpu.memory_space<hbm>> -> memref<1x50000x32xf32, #tpu.memory_space<hbm>>
    %dma_wait3A_113 = tpu.memref_squeeze %dma_wait3A_112 : memref<1x50000x32xf32, #tpu.memory_space<hbm>> -> memref<50000x32xf32, #tpu.memory_space<hbm>>
    %dma_wait3A_114 = arith.constant 0 : i32
    %dma_wait3A_115 = arith.constant 0 : i32
    %dma_wait3A_116 = tpu.memref_slice %dma_wait3A_113[%dma_wait3A_114, %dma_wait3A_115] : memref<50000x32xf32, #tpu.memory_space<hbm>> -> memref<128x32xf32, #tpu.memory_space<hbm>>
    tpu.wait_dma2 semaphore(%arg10 : memref<!tpu.dma_semaphore, #tpu.memory_space<semaphore_mem>>) src(%dma_wait3A_116 : memref<128x32xf32, #tpu.memory_space<hbm>>) dst(%dma_wait3A_109 : memref<128x32xf32, #tpu.memory_space<vmem>>)
    %dma_wait3A_117 = arith.constant 0 : i32
    %dma_wait3A_118 = arith.constant 0 : i32
    %dma_wait3A_119 = arith.constant 0 : i32
    %dma_wait3A_120 = tpu.memref_slice %arg8[%dma_wait3A_117, %dma_wait3A_118, %dma_wait3A_119] : memref<5x128x32xf32, #tpu.memory_space<vmem>> -> memref<1x128x32xf32, #tpu.memory_space<vmem>>
    %dma_wait3A_121 = tpu.memref_squeeze %dma_wait3A_120 : memref<1x128x32xf32, #tpu.memory_space<vmem>> -> memref<128x32xf32, #tpu.memory_space<vmem>>
    %dma_wait3A_122 = arith.constant 0 : i32
    %dma_wait3A_123 = arith.constant 0 : i32
    %dma_wait3A_124 = tpu.memref_slice %arg2[%arg0, %dma_wait3A_122, %dma_wait3A_123] : memref<2x50000x32xf32, #tpu.memory_space<hbm>> -> memref<1x50000x32xf32, #tpu.memory_space<hbm>>
    %dma_wait3A_125 = tpu.memref_squeeze %dma_wait3A_124 : memref<1x50000x32xf32, #tpu.memory_space<hbm>> -> memref<50000x32xf32, #tpu.memory_space<hbm>>
    %dma_wait3A_126 = arith.constant 0 : i32
    %dma_wait3A_127 = arith.constant 0 : i32
    %dma_wait3A_128 = tpu.memref_slice %dma_wait3A_125[%dma_wait3A_126, %dma_wait3A_127] : memref<50000x32xf32, #tpu.memory_space<hbm>> -> memref<128x32xf32, #tpu.memory_space<hbm>>
    %dma_wait3A_129 = arith.constant 0 : i32
    %dma_wait3A_130 = arith.constant 0 : i32
    %dma_wait3A_131 = tpu.memref_slice %arg8[%dma_wait3A_117, %dma_wait3A_129, %dma_wait3A_130] : memref<5x128x32xf32, #tpu.memory_space<vmem>> -> memref<1x128x32xf32, #tpu.memory_space<vmem>>
    %dma_wait3A_132 = tpu.memref_squeeze %dma_wait3A_131 : memref<1x128x32xf32, #tpu.memory_space<vmem>> -> memref<128x32xf32, #tpu.memory_space<vmem>>
    %dma_wait3A_133 = arith.constant 0 : i32
    %dma_wait3A_134 = arith.constant 0 : i32
    %dma_wait3A_135 = tpu.memref_slice %arg2[%arg0, %dma_wait3A_133, %dma_wait3A_134] : memref<2x50000x32xf32, #tpu.memory_space<hbm>> -> memref<1x50000x32xf32, #tpu.memory_space<hbm>>
    %dma_wait3A_136 = tpu.memref_squeeze %dma_wait3A_135 : memref<1x50000x32xf32, #tpu.memory_space<hbm>> -> memref<50000x32xf32, #tpu.memory_space<hbm>>
    %dma_wait3A_137 = arith.constant 0 : i32
    %dma_wait3A_138 = arith.constant 0 : i32
    %dma_wait3A_139 = tpu.memref_slice %dma_wait3A_136[%dma_wait3A_137, %dma_wait3A_138] : memref<50000x32xf32, #tpu.memory_space<hbm>> -> memref<128x32xf32, #tpu.memory_space<hbm>>
    tpu.wait_dma2 semaphore(%arg10 : memref<!tpu.dma_semaphore, #tpu.memory_space<semaphore_mem>>) src(%dma_wait3A_139 : memref<128x32xf32, #tpu.memory_space<hbm>>) dst(%dma_wait3A_132 : memref<128x32xf32, #tpu.memory_space<vmem>>)
    %dma_wait3A_140 = arith.constant 0 : i32
    %dma_wait3A_141 = arith.constant 0 : i32
    %dma_wait3A_142 = arith.constant 0 : i32
    %dma_wait3A_143 = tpu.memref_slice %arg8[%dma_wait3A_140, %dma_wait3A_141, %dma_wait3A_142] : memref<5x128x32xf32, #tpu.memory_space<vmem>> -> memref<1x128x32xf32, #tpu.memory_space<vmem>>
    %dma_wait3A_144 = tpu.memref_squeeze %dma_wait3A_143 : memref<1x128x32xf32, #tpu.memory_space<vmem>> -> memref<128x32xf32, #tpu.memory_space<vmem>>
    %dma_wait3A_145 = arith.constant 0 : i32
    %dma_wait3A_146 = arith.constant 0 : i32
    %dma_wait3A_147 = tpu.memref_slice %arg2[%arg0, %dma_wait3A_145, %dma_wait3A_146] : memref<2x50000x32xf32, #tpu.memory_space<hbm>> -> memref<1x50000x32xf32, #tpu.memory_space<hbm>>
    %dma_wait3A_148 = tpu.memref_squeeze %dma_wait3A_147 : memref<1x50000x32xf32, #tpu.memory_space<hbm>> -> memref<50000x32xf32, #tpu.memory_space<hbm>>
    %dma_wait3A_149 = arith.constant 0 : i32
    %dma_wait3A_150 = arith.constant 0 : i32
    %dma_wait3A_151 = tpu.memref_slice %dma_wait3A_148[%dma_wait3A_149, %dma_wait3A_150] : memref<50000x32xf32, #tpu.memory_space<hbm>> -> memref<128x32xf32, #tpu.memory_space<hbm>>
    %dma_wait3A_152 = arith.constant 0 : i32
    %dma_wait3A_153 = arith.constant 0 : i32
    %dma_wait3A_154 = tpu.memref_slice %arg8[%dma_wait3A_140, %dma_wait3A_152, %dma_wait3A_153] : memref<5x128x32xf32, #tpu.memory_space<vmem>> -> memref<1x128x32xf32, #tpu.memory_space<vmem>>
    %dma_wait3A_155 = tpu.memref_squeeze %dma_wait3A_154 : memref<1x128x32xf32, #tpu.memory_space<vmem>> -> memref<128x32xf32, #tpu.memory_space<vmem>>
    %dma_wait3A_156 = arith.constant 0 : i32
    %dma_wait3A_157 = arith.constant 0 : i32
    %dma_wait3A_158 = tpu.memref_slice %arg2[%arg0, %dma_wait3A_156, %dma_wait3A_157] : memref<2x50000x32xf32, #tpu.memory_space<hbm>> -> memref<1x50000x32xf32, #tpu.memory_space<hbm>>
    %dma_wait3A_159 = tpu.memref_squeeze %dma_wait3A_158 : memref<1x50000x32xf32, #tpu.memory_space<hbm>> -> memref<50000x32xf32, #tpu.memory_space<hbm>>
    %dma_wait3A_160 = arith.constant 0 : i32
    %dma_wait3A_161 = arith.constant 0 : i32
    %dma_wait3A_162 = tpu.memref_slice %dma_wait3A_159[%dma_wait3A_160, %dma_wait3A_161] : memref<50000x32xf32, #tpu.memory_space<hbm>> -> memref<128x32xf32, #tpu.memory_space<hbm>>
    tpu.wait_dma2 semaphore(%arg10 : memref<!tpu.dma_semaphore, #tpu.memory_space<semaphore_mem>>) src(%dma_wait3A_162 : memref<128x32xf32, #tpu.memory_space<hbm>>) dst(%dma_wait3A_155 : memref<128x32xf32, #tpu.memory_space<vmem>>)
    %dma_wait3A_163 = arith.constant 0 : i32
    %dma_wait3A_164 = arith.constant 0 : i32
    %dma_wait3A_165 = arith.constant 0 : i32
    %dma_wait3A_166 = tpu.memref_slice %arg8[%dma_wait3A_163, %dma_wait3A_164, %dma_wait3A_165] : memref<5x128x32xf32, #tpu.memory_space<vmem>> -> memref<1x128x32xf32, #tpu.memory_space<vmem>>
    %dma_wait3A_167 = tpu.memref_squeeze %dma_wait3A_166 : memref<1x128x32xf32, #tpu.memory_space<vmem>> -> memref<128x32xf32, #tpu.memory_space<vmem>>
    %dma_wait3A_168 = arith.constant 0 : i32
    %dma_wait3A_169 = arith.constant 0 : i32
    %dma_wait3A_170 = tpu.memref_slice %arg2[%arg0, %dma_wait3A_168, %dma_wait3A_169] : memref<2x50000x32xf32, #tpu.memory_space<hbm>> -> memref<1x50000x32xf32, #tpu.memory_space<hbm>>
    %dma_wait3A_171 = tpu.memref_squeeze %dma_wait3A_170 : memref<1x50000x32xf32, #tpu.memory_space<hbm>> -> memref<50000x32xf32, #tpu.memory_space<hbm>>
    %dma_wait3A_172 = arith.constant 0 : i32
    %dma_wait3A_173 = arith.constant 0 : i32
    %dma_wait3A_174 = tpu.memref_slice %dma_wait3A_171[%dma_wait3A_172, %dma_wait3A_173] : memref<50000x32xf32, #tpu.memory_space<hbm>> -> memref<128x32xf32, #tpu.memory_space<hbm>>
    %dma_wait3A_175 = arith.constant 0 : i32
    %dma_wait3A_176 = arith.constant 0 : i32
    %dma_wait3A_177 = tpu.memref_slice %arg8[%dma_wait3A_163, %dma_wait3A_175, %dma_wait3A_176] : memref<5x128x32xf32, #tpu.memory_space<vmem>> -> memref<1x128x32xf32, #tpu.memory_space<vmem>>
    %dma_wait3A_178 = tpu.memref_squeeze %dma_wait3A_177 : memref<1x128x32xf32, #tpu.memory_space<vmem>> -> memref<128x32xf32, #tpu.memory_space<vmem>>
    %dma_wait3A_179 = arith.constant 0 : i32
    %dma_wait3A_180 = arith.constant 0 : i32
    %dma_wait3A_181 = tpu.memref_slice %arg2[%arg0, %dma_wait3A_179, %dma_wait3A_180] : memref<2x50000x32xf32, #tpu.memory_space<hbm>> -> memref<1x50000x32xf32, #tpu.memory_space<hbm>>
    %dma_wait3A_182 = tpu.memref_squeeze %dma_wait3A_181 : memref<1x50000x32xf32, #tpu.memory_space<hbm>> -> memref<50000x32xf32, #tpu.memory_space<hbm>>
    %dma_wait3A_183 = arith.constant 0 : i32
    %dma_wait3A_184 = arith.constant 0 : i32
    %dma_wait3A_185 = tpu.memref_slice %dma_wait3A_182[%dma_wait3A_183, %dma_wait3A_184] : memref<50000x32xf32, #tpu.memory_space<hbm>> -> memref<128x32xf32, #tpu.memory_space<hbm>>
    tpu.wait_dma2 semaphore(%arg10 : memref<!tpu.dma_semaphore, #tpu.memory_space<semaphore_mem>>) src(%dma_wait3A_185 : memref<128x32xf32, #tpu.memory_space<hbm>>) dst(%dma_wait3A_178 : memref<128x32xf32, #tpu.memory_space<vmem>>)
    %barrier3A_186 = arith.constant 0 : index
    tpu.barrier barrier_id(%barrier3A_186)
    %mul3A_187 = arith.constant 3128 : i32
    %mul3A_188 = arith.muli %arg1, %mul3A_187 : i32
    %mul3A_189 = arith.constant 3128 : i32
    %mul3A_190 = arith.muli %arg1, %mul3A_189 : i32
    %mul3A_191 = arith.constant 32 : i32
    %mul3A_192 = arith.muli %arg0, %mul3A_191 : i32
    "tpu.region"() ({
      %run_scoped3A_193 = tpu.sem_alloc : memref<!tpu.dma_semaphore, #tpu.memory_space<semaphore_mem>>
      %dma_start3A_194 = tpu.memref_slice %arg5[%mul3A_190, %mul3A_192] : memref<50048x128xf32, #tpu.memory_space<hbm>> -> memref<3128x32xf32, #tpu.memory_space<hbm>>
      %dma_start3A_195 = arith.constant 0 : i32
      %dma_start3A_196 = tpu.memref_slice %arg6[%mul3A_188, %dma_start3A_195] : memref<50048x32xf32, #tpu.memory_space<vmem_shared>> -> memref<3128x32xf32, #tpu.memory_space<vmem_shared>>
      tpu.enqueue_dma source(%dma_start3A_196 : memref<3128x32xf32, #tpu.memory_space<vmem_shared>>) target(%dma_start3A_194 : memref<3128x32xf32, #tpu.memory_space<hbm>>) target_semaphore(%run_scoped3A_193 : memref<!tpu.dma_semaphore, #tpu.memory_space<semaphore_mem>>)
      %dma_wait3A_197 = tpu.memref_slice %arg5[%mul3A_190, %mul3A_192] : memref<50048x128xf32, #tpu.memory_space<hbm>> -> memref<3128x32xf32, #tpu.memory_space<hbm>>
      %dma_wait3A_198 = arith.constant 0 : i32
      %dma_wait3A_199 = tpu.memref_slice %arg6[%mul3A_188, %dma_wait3A_198] : memref<50048x32xf32, #tpu.memory_space<vmem_shared>> -> memref<3128x32xf32, #tpu.memory_space<vmem_shared>>
      tpu.wait_dma2 semaphore(%run_scoped3A_193 : memref<!tpu.dma_semaphore, #tpu.memory_space<semaphore_mem>>) src(%dma_wait3A_199 : memref<3128x32xf32, #tpu.memory_space<vmem_shared>>) dst(%dma_wait3A_197 : memref<3128x32xf32, #tpu.memory_space<hbm>>)
      tpu.yield
    }) : () -> ()
    return
  }
}

#map = affine_map<(d0, d1) -> (0, 0, 0)>
#map1 = affine_map<(d0, d1) -> (0, 0)>
module attributes {stable_mosaic.version = 14 : i64} {
  func.func @_seg_body(%arg0: i32, %arg1: i32, %arg2: memref<2x50000x32xf32, #tpu.memory_space<hbm>>, %arg3: memref<2x6266x128xi32, #tpu.memory_space<hbm>>, %arg4: memref<3128x32xf32, #tpu.memory_space<hbm>>, %arg5: memref<50048x128xf32, #tpu.memory_space<hbm>>, %arg6: memref<50048x32xf32, #tpu.memory_space<vmem_shared>>, %arg7: memref<2x2x16x128xi32, #tpu.memory_space<vmem>>, %arg8: memref<5x128x32xf32, #tpu.memory_space<vmem>>, %arg9: memref<!tpu.dma_semaphore, #tpu.memory_space<semaphore_mem>>, %arg10: memref<!tpu.dma_semaphore, #tpu.memory_space<semaphore_mem>>, %arg11: memref<!tpu.dma_semaphore, #tpu.memory_space<semaphore_mem>>) attributes {dimension_semantics = [#tpu.dimension_semantics<core_parallel>, #tpu.dimension_semantics<subcore_parallel>], iteration_bounds = array<i64: 2, 16>, scalar_prefetch = 0 : i64, scratch_operands = 6 : i64, tpu.core_type = #tpu.core_type<sc_vector_subcore>, window_params = [{transform_indices = #map}, {transform_indices = #map}, {transform_indices = #map1}, {transform_indices = #map1}]} {
    %mul3A = arith.constant 391 : i32
    %mul3A_0 = arith.muli %arg1, %mul3A : i32
    %eq3A = arith.constant 15 : i32
    %eq3A_1 = arith.cmpi eq, %arg1, %eq3A : i32
    %jit3A = arith.constant 385 : i32
    %jit3A_2 = arith.constant 391 : i32
    %select_n3A = arith.select %eq3A_1, %jit3A, %jit3A_2 : i32
    %mul3A_3 = arith.constant 3128 : i32
    %mul3A_4 = arith.muli %arg1, %mul3A_3 : i32
    "tpu.region"() ({
      %run_scoped3A_193 = tpu.sem_alloc : memref<!tpu.dma_semaphore, #tpu.memory_space<semaphore_mem>>
      %dma_start3A_194 = arith.constant 0 : i32
      %dma_start3A_195 = tpu.memref_slice %arg6[%mul3A_4, %dma_start3A_194] : memref<50048x32xf32, #tpu.memory_space<vmem_shared>> -> memref<3128x32xf32, #tpu.memory_space<vmem_shared>>
      tpu.enqueue_dma source(%arg4 : memref<3128x32xf32, #tpu.memory_space<hbm>>) target(%dma_start3A_195 : memref<3128x32xf32, #tpu.memory_space<vmem_shared>>) target_semaphore(%run_scoped3A_193 : memref<!tpu.dma_semaphore, #tpu.memory_space<semaphore_mem>>)
      %dma_wait3A_196 = arith.constant 0 : i32
      %dma_wait3A_197 = tpu.memref_slice %arg6[%mul3A_4, %dma_wait3A_196] : memref<50048x32xf32, #tpu.memory_space<vmem_shared>> -> memref<3128x32xf32, #tpu.memory_space<vmem_shared>>
      tpu.wait_dma2 semaphore(%run_scoped3A_193 : memref<!tpu.dma_semaphore, #tpu.memory_space<semaphore_mem>>) src(%arg4 : memref<3128x32xf32, #tpu.memory_space<hbm>>) dst(%dma_wait3A_197 : memref<3128x32xf32, #tpu.memory_space<vmem_shared>>)
      tpu.yield
    }) : () -> ()
    %run_scoped3A = arith.constant 0 : i32
    %run_scoped3A_5 = arith.constant 0 : i32
    %run_scoped3A_6 = arith.constant 0 : i32
    "tpu.region"() ({
      %run_scoped3A_193 = tpu.sem_alloc : memref<!tpu.dma_semaphore, #tpu.memory_space<semaphore_mem>>
      %dma_start3A_194 = arith.constant 0 : i32
      %dma_start3A_195 = arith.constant 0 : i32
      %dma_start3A_196 = tpu.memref_slice %arg7[%run_scoped3A_5, %run_scoped3A_6, %dma_start3A_194, %dma_start3A_195] : memref<2x2x16x128xi32, #tpu.memory_space<vmem>> -> memref<1x1x16x128xi32, #tpu.memory_space<vmem>>
      %dma_start3A_197 = tpu.memref_squeeze %dma_start3A_196 : memref<1x1x16x128xi32, #tpu.memory_space<vmem>> -> memref<16x128xi32, #tpu.memory_space<vmem>>
      %dma_start3A_198 = arith.constant 0 : i32
      %dma_start3A_199 = tpu.memref_slice %arg3[%run_scoped3A, %mul3A_0, %dma_start3A_198] : memref<2x6266x128xi32, #tpu.memory_space<hbm>> -> memref<1x16x128xi32, #tpu.memory_space<hbm>>
      %dma_start3A_200 = tpu.memref_squeeze %dma_start3A_199 : memref<1x16x128xi32, #tpu.memory_space<hbm>> -> memref<16x128xi32, #tpu.memory_space<hbm>>
      %dma_start3A_201 = arith.constant 0 : i32
      %dma_start3A_202 = arith.constant 0 : i32
      %dma_start3A_203 = tpu.memref_slice %arg7[%run_scoped3A_5, %run_scoped3A_6, %dma_start3A_201, %dma_start3A_202] : memref<2x2x16x128xi32, #tpu.memory_space<vmem>> -> memref<1x1x16x128xi32, #tpu.memory_space<vmem>>
      %dma_start3A_204 = tpu.memref_squeeze %dma_start3A_203 : memref<1x1x16x128xi32, #tpu.memory_space<vmem>> -> memref<16x128xi32, #tpu.memory_space<vmem>>
      %dma_start3A_205 = arith.constant 0 : i32
      %dma_start3A_206 = tpu.memref_slice %arg3[%run_scoped3A, %mul3A_0, %dma_start3A_205] : memref<2x6266x128xi32, #tpu.memory_space<hbm>> -> memref<1x16x128xi32, #tpu.memory_space<hbm>>
      %dma_start3A_207 = tpu.memref_squeeze %dma_start3A_206 : memref<1x16x128xi32, #tpu.memory_space<hbm>> -> memref<16x128xi32, #tpu.memory_space<hbm>>
      tpu.enqueue_dma source(%dma_start3A_207 : memref<16x128xi32, #tpu.memory_space<hbm>>) target(%dma_start3A_204 : memref<16x128xi32, #tpu.memory_space<vmem>>) target_semaphore(%run_scoped3A_193 : memref<!tpu.dma_semaphore, #tpu.memory_space<semaphore_mem>>)
      %dma_wait3A_208 = arith.constant 0 : i32
      %dma_wait3A_209 = arith.constant 0 : i32
      %dma_wait3A_210 = tpu.memref_slice %arg7[%run_scoped3A_5, %run_scoped3A_6, %dma_wait3A_208, %dma_wait3A_209] : memref<2x2x16x128xi32, #tpu.memory_space<vmem>> -> memref<1x1x16x128xi32, #tpu.memory_space<vmem>>
      %dma_wait3A_211 = tpu.memref_squeeze %dma_wait3A_210 : memref<1x1x16x128xi32, #tpu.memory_space<vmem>> -> memref<16x128xi32, #tpu.memory_space<vmem>>
      %dma_wait3A_212 = arith.constant 0 : i32
      %dma_wait3A_213 = tpu.memref_slice %arg3[%run_scoped3A, %mul3A_0, %dma_wait3A_212] : memref<2x6266x128xi32, #tpu.memory_space<hbm>> -> memref<1x16x128xi32, #tpu.memory_space<hbm>>
      %dma_wait3A_214 = tpu.memref_squeeze %dma_wait3A_213 : memref<1x16x128xi32, #tpu.memory_space<hbm>> -> memref<16x128xi32, #tpu.memory_space<hbm>>
      %dma_wait3A_215 = arith.constant 0 : i32
      %dma_wait3A_216 = arith.constant 0 : i32
      %dma_wait3A_217 = tpu.memref_slice %arg7[%run_scoped3A_5, %run_scoped3A_6, %dma_wait3A_215, %dma_wait3A_216] : memref<2x2x16x128xi32, #tpu.memory_space<vmem>> -> memref<1x1x16x128xi32, #tpu.memory_space<vmem>>
      %dma_wait3A_218 = tpu.memref_squeeze %dma_wait3A_217 : memref<1x1x16x128xi32, #tpu.memory_space<vmem>> -> memref<16x128xi32, #tpu.memory_space<vmem>>
      %dma_wait3A_219 = arith.constant 0 : i32
      %dma_wait3A_220 = tpu.memref_slice %arg3[%run_scoped3A, %mul3A_0, %dma_wait3A_219] : memref<2x6266x128xi32, #tpu.memory_space<hbm>> -> memref<1x16x128xi32, #tpu.memory_space<hbm>>
      %dma_wait3A_221 = tpu.memref_squeeze %dma_wait3A_220 : memref<1x16x128xi32, #tpu.memory_space<hbm>> -> memref<16x128xi32, #tpu.memory_space<hbm>>
      tpu.wait_dma2 semaphore(%run_scoped3A_193 : memref<!tpu.dma_semaphore, #tpu.memory_space<semaphore_mem>>) src(%dma_wait3A_221 : memref<16x128xi32, #tpu.memory_space<hbm>>) dst(%dma_wait3A_218 : memref<16x128xi32, #tpu.memory_space<vmem>>)
      tpu.yield
    }) : () -> ()
    %run_scoped3A_7 = arith.constant 1 : i32
    %run_scoped3A_8 = arith.constant 0 : i32
    %run_scoped3A_9 = arith.constant 1 : i32
    "tpu.region"() ({
      %run_scoped3A_193 = tpu.sem_alloc : memref<!tpu.dma_semaphore, #tpu.memory_space<semaphore_mem>>
      %dma_start3A_194 = arith.constant 0 : i32
      %dma_start3A_195 = arith.constant 0 : i32
      %dma_start3A_196 = tpu.memref_slice %arg7[%run_scoped3A_8, %run_scoped3A_9, %dma_start3A_194, %dma_start3A_195] : memref<2x2x16x128xi32, #tpu.memory_space<vmem>> -> memref<1x1x16x128xi32, #tpu.memory_space<vmem>>
      %dma_start3A_197 = tpu.memref_squeeze %dma_start3A_196 : memref<1x1x16x128xi32, #tpu.memory_space<vmem>> -> memref<16x128xi32, #tpu.memory_space<vmem>>
      %dma_start3A_198 = arith.constant 0 : i32
      %dma_start3A_199 = tpu.memref_slice %arg3[%run_scoped3A_7, %mul3A_0, %dma_start3A_198] : memref<2x6266x128xi32, #tpu.memory_space<hbm>> -> memref<1x16x128xi32, #tpu.memory_space<hbm>>
      %dma_start3A_200 = tpu.memref_squeeze %dma_start3A_199 : memref<1x16x128xi32, #tpu.memory_space<hbm>> -> memref<16x128xi32, #tpu.memory_space<hbm>>
      %dma_start3A_201 = arith.constant 0 : i32
      %dma_start3A_202 = arith.constant 0 : i32
      %dma_start3A_203 = tpu.memref_slice %arg7[%run_scoped3A_8, %run_scoped3A_9, %dma_start3A_201, %dma_start3A_202] : memref<2x2x16x128xi32, #tpu.memory_space<vmem>> -> memref<1x1x16x128xi32, #tpu.memory_space<vmem>>
      %dma_start3A_204 = tpu.memref_squeeze %dma_start3A_203 : memref<1x1x16x128xi32, #tpu.memory_space<vmem>> -> memref<16x128xi32, #tpu.memory_space<vmem>>
      %dma_start3A_205 = arith.constant 0 : i32
      %dma_start3A_206 = tpu.memref_slice %arg3[%run_scoped3A_7, %mul3A_0, %dma_start3A_205] : memref<2x6266x128xi32, #tpu.memory_space<hbm>> -> memref<1x16x128xi32, #tpu.memory_space<hbm>>
      %dma_start3A_207 = tpu.memref_squeeze %dma_start3A_206 : memref<1x16x128xi32, #tpu.memory_space<hbm>> -> memref<16x128xi32, #tpu.memory_space<hbm>>
      tpu.enqueue_dma source(%dma_start3A_207 : memref<16x128xi32, #tpu.memory_space<hbm>>) target(%dma_start3A_204 : memref<16x128xi32, #tpu.memory_space<vmem>>) target_semaphore(%run_scoped3A_193 : memref<!tpu.dma_semaphore, #tpu.memory_space<semaphore_mem>>)
      %dma_wait3A_208 = arith.constant 0 : i32
      %dma_wait3A_209 = arith.constant 0 : i32
      %dma_wait3A_210 = tpu.memref_slice %arg7[%run_scoped3A_8, %run_scoped3A_9, %dma_wait3A_208, %dma_wait3A_209] : memref<2x2x16x128xi32, #tpu.memory_space<vmem>> -> memref<1x1x16x128xi32, #tpu.memory_space<vmem>>
      %dma_wait3A_211 = tpu.memref_squeeze %dma_wait3A_210 : memref<1x1x16x128xi32, #tpu.memory_space<vmem>> -> memref<16x128xi32, #tpu.memory_space<vmem>>
      %dma_wait3A_212 = arith.constant 0 : i32
      %dma_wait3A_213 = tpu.memref_slice %arg3[%run_scoped3A_7, %mul3A_0, %dma_wait3A_212] : memref<2x6266x128xi32, #tpu.memory_space<hbm>> -> memref<1x16x128xi32, #tpu.memory_space<hbm>>
      %dma_wait3A_214 = tpu.memref_squeeze %dma_wait3A_213 : memref<1x16x128xi32, #tpu.memory_space<hbm>> -> memref<16x128xi32, #tpu.memory_space<hbm>>
      %dma_wait3A_215 = arith.constant 0 : i32
      %dma_wait3A_216 = arith.constant 0 : i32
      %dma_wait3A_217 = tpu.memref_slice %arg7[%run_scoped3A_8, %run_scoped3A_9, %dma_wait3A_215, %dma_wait3A_216] : memref<2x2x16x128xi32, #tpu.memory_space<vmem>> -> memref<1x1x16x128xi32, #tpu.memory_space<vmem>>
      %dma_wait3A_218 = tpu.memref_squeeze %dma_wait3A_217 : memref<1x1x16x128xi32, #tpu.memory_space<vmem>> -> memref<16x128xi32, #tpu.memory_space<vmem>>
      %dma_wait3A_219 = arith.constant 0 : i32
      %dma_wait3A_220 = tpu.memref_slice %arg3[%run_scoped3A_7, %mul3A_0, %dma_wait3A_219] : memref<2x6266x128xi32, #tpu.memory_space<hbm>> -> memref<1x16x128xi32, #tpu.memory_space<hbm>>
      %dma_wait3A_221 = tpu.memref_squeeze %dma_wait3A_220 : memref<1x16x128xi32, #tpu.memory_space<hbm>> -> memref<16x128xi32, #tpu.memory_space<hbm>>
      tpu.wait_dma2 semaphore(%run_scoped3A_193 : memref<!tpu.dma_semaphore, #tpu.memory_space<semaphore_mem>>) src(%dma_wait3A_221 : memref<16x128xi32, #tpu.memory_space<hbm>>) dst(%dma_wait3A_218 : memref<16x128xi32, #tpu.memory_space<vmem>>)
      tpu.yield
    }) : () -> ()
    %barrier3A = arith.constant 0 : index
    tpu.barrier barrier_id(%barrier3A)
    %dma_start3A = arith.constant 0 : i32
    %dma_start3A_10 = arith.constant 0 : i32
    %dma_start3A_11 = arith.constant 0 : i32
    %dma_start3A_12 = arith.constant 0 : i32
    %dma_start3A_13 = arith.constant 0 : i32
    %dma_start3A_14 = arith.constant 0 : i32
    %dma_start3A_15 = tpu.memref_slice %arg8[%dma_start3A_12, %dma_start3A_13, %dma_start3A_14] : memref<5x128x32xf32, #tpu.memory_space<vmem>> -> memref<1x128x32xf32, #tpu.memory_space<vmem>>
    %dma_start3A_16 = tpu.memref_squeeze %dma_start3A_15 : memref<1x128x32xf32, #tpu.memory_space<vmem>> -> memref<128x32xf32, #tpu.memory_space<vmem>>
    %dma_start3A_17 = arith.constant 0 : i32
    %dma_start3A_18 = tpu.memref_slice %arg7[%dma_start3A, %dma_start3A_10, %dma_start3A_11, %dma_start3A_17] : memref<2x2x16x128xi32, #tpu.memory_space<vmem>> -> memref<1x1x1x128xi32, #tpu.memory_space<vmem>>
    %dma_start3A_19 = tpu.memref_squeeze %dma_start3A_18 : memref<1x1x1x128xi32, #tpu.memory_space<vmem>> -> memref<128xi32, #tpu.memory_space<vmem>>
    %dma_start3A_20 = arith.constant 0 : i32
    %dma_start3A_21 = arith.constant 0 : i32
    %dma_start3A_22 = tpu.memref_slice %arg2[%arg0, %dma_start3A_20, %dma_start3A_21] : memref<2x50000x32xf32, #tpu.memory_space<hbm>> -> memref<1x50000x32xf32, #tpu.memory_space<hbm>>
    %dma_start3A_23 = tpu.memref_squeeze %dma_start3A_22 : memref<1x50000x32xf32, #tpu.memory_space<hbm>> -> memref<50000x32xf32, #tpu.memory_space<hbm>>
    %dma_start3A_24 = arith.constant 0 : i32
    %dma_start3A_25 = arith.constant 0 : i32
    %dma_start3A_26 = tpu.memref_slice %dma_start3A_23[%dma_start3A_24, %dma_start3A_25] : memref<50000x32xf32, #tpu.memory_space<hbm>> -> memref<50000x32xf32, #tpu.memory_space<hbm>>
    tpu.enqueue_indirect_dma source(%dma_start3A_26 : memref<50000x32xf32, #tpu.memory_space<hbm>>) target(%dma_start3A_16 : memref<128x32xf32, #tpu.memory_space<vmem>>) offsets(%dma_start3A_19 : memref<128xi32, #tpu.memory_space<vmem>>) semaphore(%arg9 : memref<!tpu.dma_semaphore, #tpu.memory_space<semaphore_mem>>)
    %dma_start3A_27 = arith.constant 0 : i32
    %dma_start3A_28 = arith.constant 0 : i32
    %dma_start3A_29 = arith.constant 1 : i32
    %dma_start3A_30 = arith.constant 1 : i32
    %dma_start3A_31 = arith.constant 0 : i32
    %dma_start3A_32 = arith.constant 0 : i32
    %dma_start3A_33 = tpu.memref_slice %arg8[%dma_start3A_30, %dma_start3A_31, %dma_start3A_32] : memref<5x128x32xf32, #tpu.memory_space<vmem>> -> memref<1x128x32xf32, #tpu.memory_space<vmem>>
    %dma_start3A_34 = tpu.memref_squeeze %dma_start3A_33 : memref<1x128x32xf32, #tpu.memory_space<vmem>> -> memref<128x32xf32, #tpu.memory_space<vmem>>
    %dma_start3A_35 = arith.constant 0 : i32
    %dma_start3A_36 = tpu.memref_slice %arg7[%dma_start3A_27, %dma_start3A_28, %dma_start3A_29, %dma_start3A_35] : memref<2x2x16x128xi32, #tpu.memory_space<vmem>> -> memref<1x1x1x128xi32, #tpu.memory_space<vmem>>
    %dma_start3A_37 = tpu.memref_squeeze %dma_start3A_36 : memref<1x1x1x128xi32, #tpu.memory_space<vmem>> -> memref<128xi32, #tpu.memory_space<vmem>>
    %dma_start3A_38 = arith.constant 0 : i32
    %dma_start3A_39 = arith.constant 0 : i32
    %dma_start3A_40 = tpu.memref_slice %arg2[%arg0, %dma_start3A_38, %dma_start3A_39] : memref<2x50000x32xf32, #tpu.memory_space<hbm>> -> memref<1x50000x32xf32, #tpu.memory_space<hbm>>
    %dma_start3A_41 = tpu.memref_squeeze %dma_start3A_40 : memref<1x50000x32xf32, #tpu.memory_space<hbm>> -> memref<50000x32xf32, #tpu.memory_space<hbm>>
    %dma_start3A_42 = arith.constant 0 : i32
    %dma_start3A_43 = arith.constant 0 : i32
    %dma_start3A_44 = tpu.memref_slice %dma_start3A_41[%dma_start3A_42, %dma_start3A_43] : memref<50000x32xf32, #tpu.memory_space<hbm>> -> memref<50000x32xf32, #tpu.memory_space<hbm>>
    tpu.enqueue_indirect_dma source(%dma_start3A_44 : memref<50000x32xf32, #tpu.memory_space<hbm>>) target(%dma_start3A_34 : memref<128x32xf32, #tpu.memory_space<vmem>>) offsets(%dma_start3A_37 : memref<128xi32, #tpu.memory_space<vmem>>) semaphore(%arg9 : memref<!tpu.dma_semaphore, #tpu.memory_space<semaphore_mem>>)
    %dma_start3A_45 = arith.constant 0 : i32
    %dma_start3A_46 = arith.constant 0 : i32
    %dma_start3A_47 = arith.constant 2 : i32
    %dma_start3A_48 = arith.constant 2 : i32
    %dma_start3A_49 = arith.constant 0 : i32
    %dma_start3A_50 = arith.constant 0 : i32
    %dma_start3A_51 = tpu.memref_slice %arg8[%dma_start3A_48, %dma_start3A_49, %dma_start3A_50] : memref<5x128x32xf32, #tpu.memory_space<vmem>> -> memref<1x128x32xf32, #tpu.memory_space<vmem>>
    %dma_start3A_52 = tpu.memref_squeeze %dma_start3A_51 : memref<1x128x32xf32, #tpu.memory_space<vmem>> -> memref<128x32xf32, #tpu.memory_space<vmem>>
    %dma_start3A_53 = arith.constant 0 : i32
    %dma_start3A_54 = tpu.memref_slice %arg7[%dma_start3A_45, %dma_start3A_46, %dma_start3A_47, %dma_start3A_53] : memref<2x2x16x128xi32, #tpu.memory_space<vmem>> -> memref<1x1x1x128xi32, #tpu.memory_space<vmem>>
    %dma_start3A_55 = tpu.memref_squeeze %dma_start3A_54 : memref<1x1x1x128xi32, #tpu.memory_space<vmem>> -> memref<128xi32, #tpu.memory_space<vmem>>
    %dma_start3A_56 = arith.constant 0 : i32
    %dma_start3A_57 = arith.constant 0 : i32
    %dma_start3A_58 = tpu.memref_slice %arg2[%arg0, %dma_start3A_56, %dma_start3A_57] : memref<2x50000x32xf32, #tpu.memory_space<hbm>> -> memref<1x50000x32xf32, #tpu.memory_space<hbm>>
    %dma_start3A_59 = tpu.memref_squeeze %dma_start3A_58 : memref<1x50000x32xf32, #tpu.memory_space<hbm>> -> memref<50000x32xf32, #tpu.memory_space<hbm>>
    %dma_start3A_60 = arith.constant 0 : i32
    %dma_start3A_61 = arith.constant 0 : i32
    %dma_start3A_62 = tpu.memref_slice %dma_start3A_59[%dma_start3A_60, %dma_start3A_61] : memref<50000x32xf32, #tpu.memory_space<hbm>> -> memref<50000x32xf32, #tpu.memory_space<hbm>>
    tpu.enqueue_indirect_dma source(%dma_start3A_62 : memref<50000x32xf32, #tpu.memory_space<hbm>>) target(%dma_start3A_52 : memref<128x32xf32, #tpu.memory_space<vmem>>) offsets(%dma_start3A_55 : memref<128xi32, #tpu.memory_space<vmem>>) semaphore(%arg9 : memref<!tpu.dma_semaphore, #tpu.memory_space<semaphore_mem>>)
    %while3A = arith.constant 0 : i32
    %while3A_63 = arith.constant 0 : i32
    %while3A_64 = arith.subi %select_n3A, %while3A_63 : i32
    %while3A_65 = arith.addi %while3A_63, %while3A_64 : i32
    %while3A_66 = arith.constant 1 : i32
    %while3A_67 = arith.divsi %while3A_64, %while3A_66 : i32
    %while3A_68 = arith.muli %while3A_67, %while3A_66 : i32
    %while3A_69 = arith.addi %while3A_63, %while3A_68 : i32
    %while3A_70 = arith.constant 1 : i32
    scf.for %while3A_193 = %while3A_63 to %while3A_69 step %while3A_70  : i32 {
      %jit3A_194 = arith.constant 16 : i32
      %div3A = arith.divsi %while3A_193, %jit3A_194 : i32
      %sign3A = arith.constant 0 : i32
      %sign3A_195 = arith.cmpi sgt, %while3A_193, %sign3A : i32
      %sign3A_196 = arith.extui %sign3A_195 : i1 to i32
      %sign3A_197 = arith.constant 0 : i32
      %sign3A_198 = arith.cmpi slt, %while3A_193, %sign3A_197 : i32
      %sign3A_199 = arith.extui %sign3A_198 : i1 to i32
      %sign3A_200 = arith.subi %sign3A_196, %sign3A_199 : i32
      %sign3A_201 = arith.constant 0 : i32
      %sign3A_202 = arith.cmpi sgt, %jit3A_194, %sign3A_201 : i32
      %sign3A_203 = arith.extui %sign3A_202 : i1 to i32
      %sign3A_204 = arith.constant 0 : i32
      %sign3A_205 = arith.cmpi slt, %jit3A_194, %sign3A_204 : i32
      %sign3A_206 = arith.extui %sign3A_205 : i1 to i32
      %sign3A_207 = arith.subi %sign3A_203, %sign3A_206 : i32
      %ne3A = arith.cmpi ne, %sign3A_200, %sign3A_207 : i32
      %rem3A = arith.remsi %while3A_193, %jit3A_194 : i32
      %ne3A_208 = arith.constant 0 : i32
      %ne3A_209 = arith.cmpi ne, %rem3A, %ne3A_208 : i32
      %and3A = arith.andi %ne3A, %ne3A_209 : i1
      %sub3A = arith.constant 1 : i32
      %sub3A_210 = arith.subi %div3A, %sub3A : i32
      %select_n3A_211 = arith.select %and3A, %sub3A_210, %div3A : i32
      %mul3A_212 = arith.constant 16 : i32
      %mul3A_213 = arith.muli %select_n3A_211, %mul3A_212 : i32
      %sub3A_214 = arith.subi %while3A_193, %mul3A_213 : i32
      %rem3A_215 = arith.constant 2 : i32
      %rem3A_216 = arith.remsi %select_n3A_211, %rem3A_215 : i32
      %rem3A_217 = arith.constant 5 : i32
      %rem3A_218 = arith.remsi %while3A_193, %rem3A_217 : i32
      %eq3A_219 = arith.constant 0 : i32
      %eq3A_220 = arith.cmpi eq, %sub3A_214, %eq3A_219 : i32
      %add3A = arith.constant 1 : i32
      %add3A_221 = arith.addi %select_n3A_211, %add3A : i32
      %lt3A = arith.constant 25 : i32
      %lt3A_222 = arith.cmpi slt, %add3A_221, %lt3A : i32
      %and3A_223 = arith.andi %eq3A_220, %lt3A_222 : i1
      %convert_element_type3A = arith.extui %and3A_223 : i1 to i32
      %cond3A = arith.constant 0 : i32
      %cond3A_224 = arith.cmpi ne, %convert_element_type3A, %cond3A : i32
      scf.if %cond3A_224 {
        %add3A_264 = arith.constant 1 : i32
        %add3A_265 = arith.addi %select_n3A_211, %add3A_264 : i32
        %add3A_266 = arith.constant 1 : i32
        %add3A_267 = arith.addi %select_n3A_211, %add3A_266 : i32
        %rem3A_268 = arith.constant 2 : i32
        %rem3A_269 = arith.remsi %add3A_267, %rem3A_268 : i32
        %mul3A_270 = arith.constant 16 : i32
        %mul3A_271 = arith.muli %add3A_265, %mul3A_270 : i32
        %add3A_272 = arith.addi %mul3A_0, %mul3A_271 : i32
        %dma_start3A_273 = arith.constant 0 : i32
        %dma_start3A_274 = arith.constant 0 : i32
        %dma_start3A_275 = arith.constant 0 : i32
        %dma_start3A_276 = arith.constant 0 : i32
        %dma_start3A_277 = tpu.memref_slice %arg7[%rem3A_269, %dma_start3A_274, %dma_start3A_275, %dma_start3A_276] : memref<2x2x16x128xi32, #tpu.memory_space<vmem>> -> memref<1x1x16x128xi32, #tpu.memory_space<vmem>>
        %dma_start3A_278 = tpu.memref_squeeze %dma_start3A_277 : memref<1x1x16x128xi32, #tpu.memory_space<vmem>> -> memref<16x128xi32, #tpu.memory_space<vmem>>
        %dma_start3A_279 = arith.constant 0 : i32
        %dma_start3A_280 = tpu.memref_slice %arg3[%dma_start3A_273, %add3A_272, %dma_start3A_279] : memref<2x6266x128xi32, #tpu.memory_space<hbm>> -> memref<1x16x128xi32, #tpu.memory_space<hbm>>
        %dma_start3A_281 = tpu.memref_squeeze %dma_start3A_280 : memref<1x16x128xi32, #tpu.memory_space<hbm>> -> memref<16x128xi32, #tpu.memory_space<hbm>>
        %dma_start3A_282 = arith.constant 0 : i32
        %dma_start3A_283 = arith.constant 0 : i32
        %dma_start3A_284 = tpu.memref_slice %arg7[%rem3A_269, %dma_start3A_274, %dma_start3A_282, %dma_start3A_283] : memref<2x2x16x128xi32, #tpu.memory_space<vmem>> -> memref<1x1x16x128xi32, #tpu.memory_space<vmem>>
        %dma_start3A_285 = tpu.memref_squeeze %dma_start3A_284 : memref<1x1x16x128xi32, #tpu.memory_space<vmem>> -> memref<16x128xi32, #tpu.memory_space<vmem>>
        %dma_start3A_286 = arith.constant 0 : i32
        %dma_start3A_287 = tpu.memref_slice %arg3[%dma_start3A_273, %add3A_272, %dma_start3A_286] : memref<2x6266x128xi32, #tpu.memory_space<hbm>> -> memref<1x16x128xi32, #tpu.memory_space<hbm>>
        %dma_start3A_288 = tpu.memref_squeeze %dma_start3A_287 : memref<1x16x128xi32, #tpu.memory_space<hbm>> -> memref<16x128xi32, #tpu.memory_space<hbm>>
        tpu.enqueue_dma source(%dma_start3A_288 : memref<16x128xi32, #tpu.memory_space<hbm>>) target(%dma_start3A_285 : memref<16x128xi32, #tpu.memory_space<vmem>>) target_semaphore(%arg11 : memref<!tpu.dma_semaphore, #tpu.memory_space<semaphore_mem>>)
        %dma_start3A_289 = arith.constant 1 : i32
        %dma_start3A_290 = arith.constant 1 : i32
        %dma_start3A_291 = arith.constant 0 : i32
        %dma_start3A_292 = arith.constant 0 : i32
        %dma_start3A_293 = tpu.memref_slice %arg7[%rem3A_269, %dma_start3A_290, %dma_start3A_291, %dma_start3A_292] : memref<2x2x16x128xi32, #tpu.memory_space<vmem>> -> memref<1x1x16x128xi32, #tpu.memory_space<vmem>>
        %dma_start3A_294 = tpu.memref_squeeze %dma_start3A_293 : memref<1x1x16x128xi32, #tpu.memory_space<vmem>> -> memref<16x128xi32, #tpu.memory_space<vmem>>
        %dma_start3A_295 = arith.constant 0 : i32
        %dma_start3A_296 = tpu.memref_slice %arg3[%dma_start3A_289, %add3A_272, %dma_start3A_295] : memref<2x6266x128xi32, #tpu.memory_space<hbm>> -> memref<1x16x128xi32, #tpu.memory_space<hbm>>
        %dma_start3A_297 = tpu.memref_squeeze %dma_start3A_296 : memref<1x16x128xi32, #tpu.memory_space<hbm>> -> memref<16x128xi32, #tpu.memory_space<hbm>>
        %dma_start3A_298 = arith.constant 0 : i32
        %dma_start3A_299 = arith.constant 0 : i32
        %dma_start3A_300 = tpu.memref_slice %arg7[%rem3A_269, %dma_start3A_290, %dma_start3A_298, %dma_start3A_299] : memref<2x2x16x128xi32, #tpu.memory_space<vmem>> -> memref<1x1x16x128xi32, #tpu.memory_space<vmem>>
        %dma_start3A_301 = tpu.memref_squeeze %dma_start3A_300 : memref<1x1x16x128xi32, #tpu.memory_space<vmem>> -> memref<16x128xi32, #tpu.memory_space<vmem>>
        %dma_start3A_302 = arith.constant 0 : i32
        %dma_start3A_303 = tpu.memref_slice %arg3[%dma_start3A_289, %add3A_272, %dma_start3A_302] : memref<2x6266x128xi32, #tpu.memory_space<hbm>> -> memref<1x16x128xi32, #tpu.memory_space<hbm>>
        %dma_start3A_304 = tpu.memref_squeeze %dma_start3A_303 : memref<1x16x128xi32, #tpu.memory_space<hbm>> -> memref<16x128xi32, #tpu.memory_space<hbm>>
        tpu.enqueue_dma source(%dma_start3A_304 : memref<16x128xi32, #tpu.memory_space<hbm>>) target(%dma_start3A_301 : memref<16x128xi32, #tpu.memory_space<vmem>>) target_semaphore(%arg11 : memref<!tpu.dma_semaphore, #tpu.memory_space<semaphore_mem>>)
      } else {
      }
      %dma_wait3A_225 = arith.constant 0 : i32
      %dma_wait3A_226 = arith.constant 0 : i32
      %dma_wait3A_227 = tpu.memref_slice %arg8[%rem3A_218, %dma_wait3A_225, %dma_wait3A_226] : memref<5x128x32xf32, #tpu.memory_space<vmem>> -> memref<1x128x32xf32, #tpu.memory_space<vmem>>
      %dma_wait3A_228 = tpu.memref_squeeze %dma_wait3A_227 : memref<1x128x32xf32, #tpu.memory_space<vmem>> -> memref<128x32xf32, #tpu.memory_space<vmem>>
      %dma_wait3A_229 = arith.constant 0 : i32
      %dma_wait3A_230 = arith.constant 0 : i32
      %dma_wait3A_231 = tpu.memref_slice %arg2[%arg0, %dma_wait3A_229, %dma_wait3A_230] : memref<2x50000x32xf32, #tpu.memory_space<hbm>> -> memref<1x50000x32xf32, #tpu.memory_space<hbm>>
      %dma_wait3A_232 = tpu.memref_squeeze %dma_wait3A_231 : memref<1x50000x32xf32, #tpu.memory_space<hbm>> -> memref<50000x32xf32, #tpu.memory_space<hbm>>
      %dma_wait3A_233 = arith.constant 0 : i32
      %dma_wait3A_234 = arith.constant 0 : i32
      %dma_wait3A_235 = tpu.memref_slice %dma_wait3A_232[%dma_wait3A_233, %dma_wait3A_234] : memref<50000x32xf32, #tpu.memory_space<hbm>> -> memref<128x32xf32, #tpu.memory_space<hbm>>
      %dma_wait3A_236 = arith.constant 0 : i32
      %dma_wait3A_237 = arith.constant 0 : i32
      %dma_wait3A_238 = tpu.memref_slice %arg8[%rem3A_218, %dma_wait3A_236, %dma_wait3A_237] : memref<5x128x32xf32, #tpu.memory_space<vmem>> -> memref<1x128x32xf32, #tpu.memory_space<vmem>>
      %dma_wait3A_239 = tpu.memref_squeeze %dma_wait3A_238 : memref<1x128x32xf32, #tpu.memory_space<vmem>> -> memref<128x32xf32, #tpu.memory_space<vmem>>
      %dma_wait3A_240 = arith.constant 0 : i32
      %dma_wait3A_241 = arith.constant 0 : i32
      %dma_wait3A_242 = tpu.memref_slice %arg2[%arg0, %dma_wait3A_240, %dma_wait3A_241] : memref<2x50000x32xf32, #tpu.memory_space<hbm>> -> memref<1x50000x32xf32, #tpu.memory_space<hbm>>
      %dma_wait3A_243 = tpu.memref_squeeze %dma_wait3A_242 : memref<1x50000x32xf32, #tpu.memory_space<hbm>> -> memref<50000x32xf32, #tpu.memory_space<hbm>>
      %dma_wait3A_244 = arith.constant 0 : i32
      %dma_wait3A_245 = arith.constant 0 : i32
      %dma_wait3A_246 = tpu.memref_slice %dma_wait3A_243[%dma_wait3A_244, %dma_wait3A_245] : memref<50000x32xf32, #tpu.memory_space<hbm>> -> memref<128x32xf32, #tpu.memory_space<hbm>>
      tpu.wait_dma2 semaphore(%arg9 : memref<!tpu.dma_semaphore, #tpu.memory_space<semaphore_mem>>) src(%dma_wait3A_246 : memref<128x32xf32, #tpu.memory_space<hbm>>) dst(%dma_wait3A_239 : memref<128x32xf32, #tpu.memory_space<vmem>>)
      %dma_start3A_247 = arith.constant 1 : i32
      %dma_start3A_248 = arith.constant 0 : i32
      %dma_start3A_249 = arith.constant 0 : i32
      %dma_start3A_250 = tpu.memref_slice %arg8[%rem3A_218, %dma_start3A_248, %dma_start3A_249] : memref<5x128x32xf32, #tpu.memory_space<vmem>> -> memref<1x128x32xf32, #tpu.memory_space<vmem>>
      %dma_start3A_251 = tpu.memref_squeeze %dma_start3A_250 : memref<1x128x32xf32, #tpu.memory_space<vmem>> -> memref<128x32xf32, #tpu.memory_space<vmem>>
      %dma_start3A_252 = arith.constant 0 : i32
      %dma_start3A_253 = tpu.memref_slice %arg7[%rem3A_216, %dma_start3A_247, %sub3A_214, %dma_start3A_252] : memref<2x2x16x128xi32, #tpu.memory_space<vmem>> -> memref<1x1x1x128xi32, #tpu.memory_space<vmem>>
      %dma_start3A_254 = tpu.memref_squeeze %dma_start3A_253 : memref<1x1x1x128xi32, #tpu.memory_space<vmem>> -> memref<128xi32, #tpu.memory_space<vmem>>
      %dma_start3A_255 = arith.constant 0 : i32
      %dma_start3A_256 = arith.constant 0 : i32
      %dma_start3A_257 = tpu.memref_slice %arg6[%dma_start3A_255, %dma_start3A_256] : memref<50048x32xf32, #tpu.memory_space<vmem_shared>> -> memref<50048x32xf32, #tpu.memory_space<vmem_shared>>
      tpu.enqueue_indirect_dma source(%dma_start3A_251 : memref<128x32xf32, #tpu.memory_space<vmem>>) target(%dma_start3A_257 : memref<50048x32xf32, #tpu.memory_space<vmem_shared>>) offsets(%dma_start3A_254 : memref<128xi32, #tpu.memory_space<vmem>>) semaphore(%arg10 : memref<!tpu.dma_semaphore, #tpu.memory_space<semaphore_mem>>) {add = true}
      %add3A_258 = arith.constant 3 : i32
      %add3A_259 = arith.addi %while3A_193, %add3A_258 : i32
      %lt3A_260 = arith.cmpi slt, %add3A_259, %select_n3A : i32
      %convert_element_type3A_261 = arith.extui %lt3A_260 : i1 to i32
      %cond3A_262 = arith.constant 0 : i32
      %cond3A_263 = arith.cmpi ne, %convert_element_type3A_261, %cond3A_262 : i32
      scf.if %cond3A_263 {
        %ge3A = arith.constant 2 : i32
        %ge3A_264 = arith.cmpi sge, %while3A_193, %ge3A : i32
        %convert_element_type3A_265 = arith.extui %ge3A_264 : i1 to i32
        %cond3A_266 = arith.constant 0 : i32
        %cond3A_267 = arith.cmpi ne, %convert_element_type3A_265, %cond3A_266 : i32
        scf.if %cond3A_267 {
          %dma_wait3A_321 = arith.constant 0 : i32
          %dma_wait3A_322 = arith.constant 0 : i32
          %dma_wait3A_323 = arith.constant 0 : i32
          %dma_wait3A_324 = tpu.memref_slice %arg8[%dma_wait3A_321, %dma_wait3A_322, %dma_wait3A_323] : memref<5x128x32xf32, #tpu.memory_space<vmem>> -> memref<1x128x32xf32, #tpu.memory_space<vmem>>
          %dma_wait3A_325 = tpu.memref_squeeze %dma_wait3A_324 : memref<1x128x32xf32, #tpu.memory_space<vmem>> -> memref<128x32xf32, #tpu.memory_space<vmem>>
          %dma_wait3A_326 = arith.constant 0 : i32
          %dma_wait3A_327 = arith.constant 0 : i32
          %dma_wait3A_328 = tpu.memref_slice %arg2[%arg0, %dma_wait3A_326, %dma_wait3A_327] : memref<2x50000x32xf32, #tpu.memory_space<hbm>> -> memref<1x50000x32xf32, #tpu.memory_space<hbm>>
          %dma_wait3A_329 = tpu.memref_squeeze %dma_wait3A_328 : memref<1x50000x32xf32, #tpu.memory_space<hbm>> -> memref<50000x32xf32, #tpu.memory_space<hbm>>
          %dma_wait3A_330 = arith.constant 0 : i32
          %dma_wait3A_331 = arith.constant 0 : i32
          %dma_wait3A_332 = tpu.memref_slice %dma_wait3A_329[%dma_wait3A_330, %dma_wait3A_331] : memref<50000x32xf32, #tpu.memory_space<hbm>> -> memref<128x32xf32, #tpu.memory_space<hbm>>
          %dma_wait3A_333 = arith.constant 0 : i32
          %dma_wait3A_334 = arith.constant 0 : i32
          %dma_wait3A_335 = tpu.memref_slice %arg8[%dma_wait3A_321, %dma_wait3A_333, %dma_wait3A_334] : memref<5x128x32xf32, #tpu.memory_space<vmem>> -> memref<1x128x32xf32, #tpu.memory_space<vmem>>
          %dma_wait3A_336 = tpu.memref_squeeze %dma_wait3A_335 : memref<1x128x32xf32, #tpu.memory_space<vmem>> -> memref<128x32xf32, #tpu.memory_space<vmem>>
          %dma_wait3A_337 = arith.constant 0 : i32
          %dma_wait3A_338 = arith.constant 0 : i32
          %dma_wait3A_339 = tpu.memref_slice %arg2[%arg0, %dma_wait3A_337, %dma_wait3A_338] : memref<2x50000x32xf32, #tpu.memory_space<hbm>> -> memref<1x50000x32xf32, #tpu.memory_space<hbm>>
          %dma_wait3A_340 = tpu.memref_squeeze %dma_wait3A_339 : memref<1x50000x32xf32, #tpu.memory_space<hbm>> -> memref<50000x32xf32, #tpu.memory_space<hbm>>
          %dma_wait3A_341 = arith.constant 0 : i32
          %dma_wait3A_342 = arith.constant 0 : i32
          %dma_wait3A_343 = tpu.memref_slice %dma_wait3A_340[%dma_wait3A_341, %dma_wait3A_342] : memref<50000x32xf32, #tpu.memory_space<hbm>> -> memref<128x32xf32, #tpu.memory_space<hbm>>
          tpu.wait_dma2 semaphore(%arg10 : memref<!tpu.dma_semaphore, #tpu.memory_space<semaphore_mem>>) src(%dma_wait3A_343 : memref<128x32xf32, #tpu.memory_space<hbm>>) dst(%dma_wait3A_336 : memref<128x32xf32, #tpu.memory_space<vmem>>)
        } else {
        }
        %add3A_268 = arith.constant 3 : i32
        %add3A_269 = arith.addi %while3A_193, %add3A_268 : i32
        %jit3A_270 = arith.constant 16 : i32
        %div3A_271 = arith.divsi %add3A_269, %jit3A_270 : i32
        %sign3A_272 = arith.constant 0 : i32
        %sign3A_273 = arith.cmpi sgt, %add3A_269, %sign3A_272 : i32
        %sign3A_274 = arith.extui %sign3A_273 : i1 to i32
        %sign3A_275 = arith.constant 0 : i32
        %sign3A_276 = arith.cmpi slt, %add3A_269, %sign3A_275 : i32
        %sign3A_277 = arith.extui %sign3A_276 : i1 to i32
        %sign3A_278 = arith.subi %sign3A_274, %sign3A_277 : i32
        %sign3A_279 = arith.constant 0 : i32
        %sign3A_280 = arith.cmpi sgt, %jit3A_270, %sign3A_279 : i32
        %sign3A_281 = arith.extui %sign3A_280 : i1 to i32
        %sign3A_282 = arith.constant 0 : i32
        %sign3A_283 = arith.cmpi slt, %jit3A_270, %sign3A_282 : i32
        %sign3A_284 = arith.extui %sign3A_283 : i1 to i32
        %sign3A_285 = arith.subi %sign3A_281, %sign3A_284 : i32
        %ne3A_286 = arith.cmpi ne, %sign3A_278, %sign3A_285 : i32
        %rem3A_287 = arith.remsi %add3A_269, %jit3A_270 : i32
        %ne3A_288 = arith.constant 0 : i32
        %ne3A_289 = arith.cmpi ne, %rem3A_287, %ne3A_288 : i32
        %and3A_290 = arith.andi %ne3A_286, %ne3A_289 : i1
        %sub3A_291 = arith.constant 1 : i32
        %sub3A_292 = arith.subi %div3A_271, %sub3A_291 : i32
        %select_n3A_293 = arith.select %and3A_290, %sub3A_292, %div3A_271 : i32
        %mul3A_294 = arith.constant 16 : i32
        %mul3A_295 = arith.muli %select_n3A_293, %mul3A_294 : i32
        %sub3A_296 = arith.subi %add3A_269, %mul3A_295 : i32
        %eq3A_297 = arith.constant 0 : i32
        %eq3A_298 = arith.cmpi eq, %sub3A_296, %eq3A_297 : i32
        %convert_element_type3A_299 = arith.extui %eq3A_298 : i1 to i32
        %cond3A_300 = arith.constant 0 : i32
        %cond3A_301 = arith.cmpi ne, %convert_element_type3A_299, %cond3A_300 : i32
        scf.if %cond3A_301 {
          %dma_wait3A_321 = arith.constant 0 : i32
          %dma_wait3A_322 = arith.constant 0 : i32
          %dma_wait3A_323 = arith.constant 0 : i32
          %dma_wait3A_324 = arith.constant 0 : i32
          %dma_wait3A_325 = tpu.memref_slice %arg7[%dma_wait3A_321, %dma_wait3A_322, %dma_wait3A_323, %dma_wait3A_324] : memref<2x2x16x128xi32, #tpu.memory_space<vmem>> -> memref<1x2x16x128xi32, #tpu.memory_space<vmem>>
          %dma_wait3A_326 = tpu.memref_squeeze %dma_wait3A_325 : memref<1x2x16x128xi32, #tpu.memory_space<vmem>> -> memref<2x16x128xi32, #tpu.memory_space<vmem>>
          %dma_wait3A_327 = arith.constant 0 : i32
          %dma_wait3A_328 = arith.constant 0 : i32
          %dma_wait3A_329 = arith.constant 0 : i32
          %dma_wait3A_330 = tpu.memref_slice %arg3[%dma_wait3A_327, %dma_wait3A_328, %dma_wait3A_329] : memref<2x6266x128xi32, #tpu.memory_space<hbm>> -> memref<2x16x128xi32, #tpu.memory_space<hbm>>
          %dma_wait3A_331 = arith.constant 0 : i32
          %dma_wait3A_332 = arith.constant 0 : i32
          %dma_wait3A_333 = arith.constant 0 : i32
          %dma_wait3A_334 = tpu.memref_slice %arg7[%dma_wait3A_321, %dma_wait3A_331, %dma_wait3A_332, %dma_wait3A_333] : memref<2x2x16x128xi32, #tpu.memory_space<vmem>> -> memref<1x2x16x128xi32, #tpu.memory_space<vmem>>
          %dma_wait3A_335 = tpu.memref_squeeze %dma_wait3A_334 : memref<1x2x16x128xi32, #tpu.memory_space<vmem>> -> memref<2x16x128xi32, #tpu.memory_space<vmem>>
          %dma_wait3A_336 = arith.constant 0 : i32
          %dma_wait3A_337 = arith.constant 0 : i32
          %dma_wait3A_338 = arith.constant 0 : i32
          %dma_wait3A_339 = tpu.memref_slice %arg3[%dma_wait3A_336, %dma_wait3A_337, %dma_wait3A_338] : memref<2x6266x128xi32, #tpu.memory_space<hbm>> -> memref<2x16x128xi32, #tpu.memory_space<hbm>>
          tpu.wait_dma2 semaphore(%arg11 : memref<!tpu.dma_semaphore, #tpu.memory_space<semaphore_mem>>) src(%dma_wait3A_339 : memref<2x16x128xi32, #tpu.memory_space<hbm>>) dst(%dma_wait3A_335 : memref<2x16x128xi32, #tpu.memory_space<vmem>>)
        } else {
        }
        %rem3A_302 = arith.constant 2 : i32
        %rem3A_303 = arith.remsi %select_n3A_293, %rem3A_302 : i32
        %rem3A_304 = arith.constant 5 : i32
        %rem3A_305 = arith.remsi %add3A_269, %rem3A_304 : i32
        %dma_start3A_306 = arith.constant 0 : i32
        %dma_start3A_307 = arith.constant 0 : i32
        %dma_start3A_308 = arith.constant 0 : i32
        %dma_start3A_309 = tpu.memref_slice %arg8[%rem3A_305, %dma_start3A_307, %dma_start3A_308] : memref<5x128x32xf32, #tpu.memory_space<vmem>> -> memref<1x128x32xf32, #tpu.memory_space<vmem>>
        %dma_start3A_310 = tpu.memref_squeeze %dma_start3A_309 : memref<1x128x32xf32, #tpu.memory_space<vmem>> -> memref<128x32xf32, #tpu.memory_space<vmem>>
        %dma_start3A_311 = arith.constant 0 : i32
        %dma_start3A_312 = tpu.memref_slice %arg7[%rem3A_303, %dma_start3A_306, %sub3A_296, %dma_start3A_311] : memref<2x2x16x128xi32, #tpu.memory_space<vmem>> -> memref<1x1x1x128xi32, #tpu.memory_space<vmem>>
        %dma_start3A_313 = tpu.memref_squeeze %dma_start3A_312 : memref<1x1x1x128xi32, #tpu.memory_space<vmem>> -> memref<128xi32, #tpu.memory_space<vmem>>
        %dma_start3A_314 = arith.constant 0 : i32
        %dma_start3A_315 = arith.constant 0 : i32
        %dma_start3A_316 = tpu.memref_slice %arg2[%arg0, %dma_start3A_314, %dma_start3A_315] : memref<2x50000x32xf32, #tpu.memory_space<hbm>> -> memref<1x50000x32xf32, #tpu.memory_space<hbm>>
        %dma_start3A_317 = tpu.memref_squeeze %dma_start3A_316 : memref<1x50000x32xf32, #tpu.memory_space<hbm>> -> memref<50000x32xf32, #tpu.memory_space<hbm>>
        %dma_start3A_318 = arith.constant 0 : i32
        %dma_start3A_319 = arith.constant 0 : i32
        %dma_start3A_320 = tpu.memref_slice %dma_start3A_317[%dma_start3A_318, %dma_start3A_319] : memref<50000x32xf32, #tpu.memory_space<hbm>> -> memref<50000x32xf32, #tpu.memory_space<hbm>>
        tpu.enqueue_indirect_dma source(%dma_start3A_320 : memref<50000x32xf32, #tpu.memory_space<hbm>>) target(%dma_start3A_310 : memref<128x32xf32, #tpu.memory_space<vmem>>) offsets(%dma_start3A_313 : memref<128xi32, #tpu.memory_space<vmem>>) semaphore(%arg9 : memref<!tpu.dma_semaphore, #tpu.memory_space<semaphore_mem>>)
      } else {
      }
    }
    %while3A_71 = arith.constant 1 : i32
    scf.for %while3A_193 = %while3A_69 to %while3A_65 step %while3A_71  : i32 {
      %jit3A_194 = arith.constant 16 : i32
      %div3A = arith.divsi %while3A_193, %jit3A_194 : i32
      %sign3A = arith.constant 0 : i32
      %sign3A_195 = arith.cmpi sgt, %while3A_193, %sign3A : i32
      %sign3A_196 = arith.extui %sign3A_195 : i1 to i32
      %sign3A_197 = arith.constant 0 : i32
      %sign3A_198 = arith.cmpi slt, %while3A_193, %sign3A_197 : i32
      %sign3A_199 = arith.extui %sign3A_198 : i1 to i32
      %sign3A_200 = arith.subi %sign3A_196, %sign3A_199 : i32
      %sign3A_201 = arith.constant 0 : i32
      %sign3A_202 = arith.cmpi sgt, %jit3A_194, %sign3A_201 : i32
      %sign3A_203 = arith.extui %sign3A_202 : i1 to i32
      %sign3A_204 = arith.constant 0 : i32
      %sign3A_205 = arith.cmpi slt, %jit3A_194, %sign3A_204 : i32
      %sign3A_206 = arith.extui %sign3A_205 : i1 to i32
      %sign3A_207 = arith.subi %sign3A_203, %sign3A_206 : i32
      %ne3A = arith.cmpi ne, %sign3A_200, %sign3A_207 : i32
      %rem3A = arith.remsi %while3A_193, %jit3A_194 : i32
      %ne3A_208 = arith.constant 0 : i32
      %ne3A_209 = arith.cmpi ne, %rem3A, %ne3A_208 : i32
      %and3A = arith.andi %ne3A, %ne3A_209 : i1
      %sub3A = arith.constant 1 : i32
      %sub3A_210 = arith.subi %div3A, %sub3A : i32
      %select_n3A_211 = arith.select %and3A, %sub3A_210, %div3A : i32
      %mul3A_212 = arith.constant 16 : i32
      %mul3A_213 = arith.muli %select_n3A_211, %mul3A_212 : i32
      %sub3A_214 = arith.subi %while3A_193, %mul3A_213 : i32
      %rem3A_215 = arith.constant 2 : i32
      %rem3A_216 = arith.remsi %select_n3A_211, %rem3A_215 : i32
      %rem3A_217 = arith.constant 5 : i32
      %rem3A_218 = arith.remsi %while3A_193, %rem3A_217 : i32
      %eq3A_219 = arith.constant 0 : i32
      %eq3A_220 = arith.cmpi eq, %sub3A_214, %eq3A_219 : i32
      %add3A = arith.constant 1 : i32
      %add3A_221 = arith.addi %select_n3A_211, %add3A : i32
      %lt3A = arith.constant 25 : i32
      %lt3A_222 = arith.cmpi slt, %add3A_221, %lt3A : i32
      %and3A_223 = arith.andi %eq3A_220, %lt3A_222 : i1
      %convert_element_type3A = arith.extui %and3A_223 : i1 to i32
      %cond3A = arith.constant 0 : i32
      %cond3A_224 = arith.cmpi ne, %convert_element_type3A, %cond3A : i32
      scf.if %cond3A_224 {
        %add3A_264 = arith.constant 1 : i32
        %add3A_265 = arith.addi %select_n3A_211, %add3A_264 : i32
        %add3A_266 = arith.constant 1 : i32
        %add3A_267 = arith.addi %select_n3A_211, %add3A_266 : i32
        %rem3A_268 = arith.constant 2 : i32
        %rem3A_269 = arith.remsi %add3A_267, %rem3A_268 : i32
        %mul3A_270 = arith.constant 16 : i32
        %mul3A_271 = arith.muli %add3A_265, %mul3A_270 : i32
        %add3A_272 = arith.addi %mul3A_0, %mul3A_271 : i32
        %dma_start3A_273 = arith.constant 0 : i32
        %dma_start3A_274 = arith.constant 0 : i32
        %dma_start3A_275 = arith.constant 0 : i32
        %dma_start3A_276 = arith.constant 0 : i32
        %dma_start3A_277 = tpu.memref_slice %arg7[%rem3A_269, %dma_start3A_274, %dma_start3A_275, %dma_start3A_276] : memref<2x2x16x128xi32, #tpu.memory_space<vmem>> -> memref<1x1x16x128xi32, #tpu.memory_space<vmem>>
        %dma_start3A_278 = tpu.memref_squeeze %dma_start3A_277 : memref<1x1x16x128xi32, #tpu.memory_space<vmem>> -> memref<16x128xi32, #tpu.memory_space<vmem>>
        %dma_start3A_279 = arith.constant 0 : i32
        %dma_start3A_280 = tpu.memref_slice %arg3[%dma_start3A_273, %add3A_272, %dma_start3A_279] : memref<2x6266x128xi32, #tpu.memory_space<hbm>> -> memref<1x16x128xi32, #tpu.memory_space<hbm>>
        %dma_start3A_281 = tpu.memref_squeeze %dma_start3A_280 : memref<1x16x128xi32, #tpu.memory_space<hbm>> -> memref<16x128xi32, #tpu.memory_space<hbm>>
        %dma_start3A_282 = arith.constant 0 : i32
        %dma_start3A_283 = arith.constant 0 : i32
        %dma_start3A_284 = tpu.memref_slice %arg7[%rem3A_269, %dma_start3A_274, %dma_start3A_282, %dma_start3A_283] : memref<2x2x16x128xi32, #tpu.memory_space<vmem>> -> memref<1x1x16x128xi32, #tpu.memory_space<vmem>>
        %dma_start3A_285 = tpu.memref_squeeze %dma_start3A_284 : memref<1x1x16x128xi32, #tpu.memory_space<vmem>> -> memref<16x128xi32, #tpu.memory_space<vmem>>
        %dma_start3A_286 = arith.constant 0 : i32
        %dma_start3A_287 = tpu.memref_slice %arg3[%dma_start3A_273, %add3A_272, %dma_start3A_286] : memref<2x6266x128xi32, #tpu.memory_space<hbm>> -> memref<1x16x128xi32, #tpu.memory_space<hbm>>
        %dma_start3A_288 = tpu.memref_squeeze %dma_start3A_287 : memref<1x16x128xi32, #tpu.memory_space<hbm>> -> memref<16x128xi32, #tpu.memory_space<hbm>>
        tpu.enqueue_dma source(%dma_start3A_288 : memref<16x128xi32, #tpu.memory_space<hbm>>) target(%dma_start3A_285 : memref<16x128xi32, #tpu.memory_space<vmem>>) target_semaphore(%arg11 : memref<!tpu.dma_semaphore, #tpu.memory_space<semaphore_mem>>)
        %dma_start3A_289 = arith.constant 1 : i32
        %dma_start3A_290 = arith.constant 1 : i32
        %dma_start3A_291 = arith.constant 0 : i32
        %dma_start3A_292 = arith.constant 0 : i32
        %dma_start3A_293 = tpu.memref_slice %arg7[%rem3A_269, %dma_start3A_290, %dma_start3A_291, %dma_start3A_292] : memref<2x2x16x128xi32, #tpu.memory_space<vmem>> -> memref<1x1x16x128xi32, #tpu.memory_space<vmem>>
        %dma_start3A_294 = tpu.memref_squeeze %dma_start3A_293 : memref<1x1x16x128xi32, #tpu.memory_space<vmem>> -> memref<16x128xi32, #tpu.memory_space<vmem>>
        %dma_start3A_295 = arith.constant 0 : i32
        %dma_start3A_296 = tpu.memref_slice %arg3[%dma_start3A_289, %add3A_272, %dma_start3A_295] : memref<2x6266x128xi32, #tpu.memory_space<hbm>> -> memref<1x16x128xi32, #tpu.memory_space<hbm>>
        %dma_start3A_297 = tpu.memref_squeeze %dma_start3A_296 : memref<1x16x128xi32, #tpu.memory_space<hbm>> -> memref<16x128xi32, #tpu.memory_space<hbm>>
        %dma_start3A_298 = arith.constant 0 : i32
        %dma_start3A_299 = arith.constant 0 : i32
        %dma_start3A_300 = tpu.memref_slice %arg7[%rem3A_269, %dma_start3A_290, %dma_start3A_298, %dma_start3A_299] : memref<2x2x16x128xi32, #tpu.memory_space<vmem>> -> memref<1x1x16x128xi32, #tpu.memory_space<vmem>>
        %dma_start3A_301 = tpu.memref_squeeze %dma_start3A_300 : memref<1x1x16x128xi32, #tpu.memory_space<vmem>> -> memref<16x128xi32, #tpu.memory_space<vmem>>
        %dma_start3A_302 = arith.constant 0 : i32
        %dma_start3A_303 = tpu.memref_slice %arg3[%dma_start3A_289, %add3A_272, %dma_start3A_302] : memref<2x6266x128xi32, #tpu.memory_space<hbm>> -> memref<1x16x128xi32, #tpu.memory_space<hbm>>
        %dma_start3A_304 = tpu.memref_squeeze %dma_start3A_303 : memref<1x16x128xi32, #tpu.memory_space<hbm>> -> memref<16x128xi32, #tpu.memory_space<hbm>>
        tpu.enqueue_dma source(%dma_start3A_304 : memref<16x128xi32, #tpu.memory_space<hbm>>) target(%dma_start3A_301 : memref<16x128xi32, #tpu.memory_space<vmem>>) target_semaphore(%arg11 : memref<!tpu.dma_semaphore, #tpu.memory_space<semaphore_mem>>)
      } else {
      }
      %dma_wait3A_225 = arith.constant 0 : i32
      %dma_wait3A_226 = arith.constant 0 : i32
      %dma_wait3A_227 = tpu.memref_slice %arg8[%rem3A_218, %dma_wait3A_225, %dma_wait3A_226] : memref<5x128x32xf32, #tpu.memory_space<vmem>> -> memref<1x128x32xf32, #tpu.memory_space<vmem>>
      %dma_wait3A_228 = tpu.memref_squeeze %dma_wait3A_227 : memref<1x128x32xf32, #tpu.memory_space<vmem>> -> memref<128x32xf32, #tpu.memory_space<vmem>>
      %dma_wait3A_229 = arith.constant 0 : i32
      %dma_wait3A_230 = arith.constant 0 : i32
      %dma_wait3A_231 = tpu.memref_slice %arg2[%arg0, %dma_wait3A_229, %dma_wait3A_230] : memref<2x50000x32xf32, #tpu.memory_space<hbm>> -> memref<1x50000x32xf32, #tpu.memory_space<hbm>>
      %dma_wait3A_232 = tpu.memref_squeeze %dma_wait3A_231 : memref<1x50000x32xf32, #tpu.memory_space<hbm>> -> memref<50000x32xf32, #tpu.memory_space<hbm>>
      %dma_wait3A_233 = arith.constant 0 : i32
      %dma_wait3A_234 = arith.constant 0 : i32
      %dma_wait3A_235 = tpu.memref_slice %dma_wait3A_232[%dma_wait3A_233, %dma_wait3A_234] : memref<50000x32xf32, #tpu.memory_space<hbm>> -> memref<128x32xf32, #tpu.memory_space<hbm>>
      %dma_wait3A_236 = arith.constant 0 : i32
      %dma_wait3A_237 = arith.constant 0 : i32
      %dma_wait3A_238 = tpu.memref_slice %arg8[%rem3A_218, %dma_wait3A_236, %dma_wait3A_237] : memref<5x128x32xf32, #tpu.memory_space<vmem>> -> memref<1x128x32xf32, #tpu.memory_space<vmem>>
      %dma_wait3A_239 = tpu.memref_squeeze %dma_wait3A_238 : memref<1x128x32xf32, #tpu.memory_space<vmem>> -> memref<128x32xf32, #tpu.memory_space<vmem>>
      %dma_wait3A_240 = arith.constant 0 : i32
      %dma_wait3A_241 = arith.constant 0 : i32
      %dma_wait3A_242 = tpu.memref_slice %arg2[%arg0, %dma_wait3A_240, %dma_wait3A_241] : memref<2x50000x32xf32, #tpu.memory_space<hbm>> -> memref<1x50000x32xf32, #tpu.memory_space<hbm>>
      %dma_wait3A_243 = tpu.memref_squeeze %dma_wait3A_242 : memref<1x50000x32xf32, #tpu.memory_space<hbm>> -> memref<50000x32xf32, #tpu.memory_space<hbm>>
      %dma_wait3A_244 = arith.constant 0 : i32
      %dma_wait3A_245 = arith.constant 0 : i32
      %dma_wait3A_246 = tpu.memref_slice %dma_wait3A_243[%dma_wait3A_244, %dma_wait3A_245] : memref<50000x32xf32, #tpu.memory_space<hbm>> -> memref<128x32xf32, #tpu.memory_space<hbm>>
      tpu.wait_dma2 semaphore(%arg9 : memref<!tpu.dma_semaphore, #tpu.memory_space<semaphore_mem>>) src(%dma_wait3A_246 : memref<128x32xf32, #tpu.memory_space<hbm>>) dst(%dma_wait3A_239 : memref<128x32xf32, #tpu.memory_space<vmem>>)
      %dma_start3A_247 = arith.constant 1 : i32
      %dma_start3A_248 = arith.constant 0 : i32
      %dma_start3A_249 = arith.constant 0 : i32
      %dma_start3A_250 = tpu.memref_slice %arg8[%rem3A_218, %dma_start3A_248, %dma_start3A_249] : memref<5x128x32xf32, #tpu.memory_space<vmem>> -> memref<1x128x32xf32, #tpu.memory_space<vmem>>
      %dma_start3A_251 = tpu.memref_squeeze %dma_start3A_250 : memref<1x128x32xf32, #tpu.memory_space<vmem>> -> memref<128x32xf32, #tpu.memory_space<vmem>>
      %dma_start3A_252 = arith.constant 0 : i32
      %dma_start3A_253 = tpu.memref_slice %arg7[%rem3A_216, %dma_start3A_247, %sub3A_214, %dma_start3A_252] : memref<2x2x16x128xi32, #tpu.memory_space<vmem>> -> memref<1x1x1x128xi32, #tpu.memory_space<vmem>>
      %dma_start3A_254 = tpu.memref_squeeze %dma_start3A_253 : memref<1x1x1x128xi32, #tpu.memory_space<vmem>> -> memref<128xi32, #tpu.memory_space<vmem>>
      %dma_start3A_255 = arith.constant 0 : i32
      %dma_start3A_256 = arith.constant 0 : i32
      %dma_start3A_257 = tpu.memref_slice %arg6[%dma_start3A_255, %dma_start3A_256] : memref<50048x32xf32, #tpu.memory_space<vmem_shared>> -> memref<50048x32xf32, #tpu.memory_space<vmem_shared>>
      tpu.enqueue_indirect_dma source(%dma_start3A_251 : memref<128x32xf32, #tpu.memory_space<vmem>>) target(%dma_start3A_257 : memref<50048x32xf32, #tpu.memory_space<vmem_shared>>) offsets(%dma_start3A_254 : memref<128xi32, #tpu.memory_space<vmem>>) semaphore(%arg10 : memref<!tpu.dma_semaphore, #tpu.memory_space<semaphore_mem>>) {add = true}
      %add3A_258 = arith.constant 3 : i32
      %add3A_259 = arith.addi %while3A_193, %add3A_258 : i32
      %lt3A_260 = arith.cmpi slt, %add3A_259, %select_n3A : i32
      %convert_element_type3A_261 = arith.extui %lt3A_260 : i1 to i32
      %cond3A_262 = arith.constant 0 : i32
      %cond3A_263 = arith.cmpi ne, %convert_element_type3A_261, %cond3A_262 : i32
      scf.if %cond3A_263 {
        %ge3A = arith.constant 2 : i32
        %ge3A_264 = arith.cmpi sge, %while3A_193, %ge3A : i32
        %convert_element_type3A_265 = arith.extui %ge3A_264 : i1 to i32
        %cond3A_266 = arith.constant 0 : i32
        %cond3A_267 = arith.cmpi ne, %convert_element_type3A_265, %cond3A_266 : i32
        scf.if %cond3A_267 {
          %dma_wait3A_321 = arith.constant 0 : i32
          %dma_wait3A_322 = arith.constant 0 : i32
          %dma_wait3A_323 = arith.constant 0 : i32
          %dma_wait3A_324 = tpu.memref_slice %arg8[%dma_wait3A_321, %dma_wait3A_322, %dma_wait3A_323] : memref<5x128x32xf32, #tpu.memory_space<vmem>> -> memref<1x128x32xf32, #tpu.memory_space<vmem>>
          %dma_wait3A_325 = tpu.memref_squeeze %dma_wait3A_324 : memref<1x128x32xf32, #tpu.memory_space<vmem>> -> memref<128x32xf32, #tpu.memory_space<vmem>>
          %dma_wait3A_326 = arith.constant 0 : i32
          %dma_wait3A_327 = arith.constant 0 : i32
          %dma_wait3A_328 = tpu.memref_slice %arg2[%arg0, %dma_wait3A_326, %dma_wait3A_327] : memref<2x50000x32xf32, #tpu.memory_space<hbm>> -> memref<1x50000x32xf32, #tpu.memory_space<hbm>>
          %dma_wait3A_329 = tpu.memref_squeeze %dma_wait3A_328 : memref<1x50000x32xf32, #tpu.memory_space<hbm>> -> memref<50000x32xf32, #tpu.memory_space<hbm>>
          %dma_wait3A_330 = arith.constant 0 : i32
          %dma_wait3A_331 = arith.constant 0 : i32
          %dma_wait3A_332 = tpu.memref_slice %dma_wait3A_329[%dma_wait3A_330, %dma_wait3A_331] : memref<50000x32xf32, #tpu.memory_space<hbm>> -> memref<128x32xf32, #tpu.memory_space<hbm>>
          %dma_wait3A_333 = arith.constant 0 : i32
          %dma_wait3A_334 = arith.constant 0 : i32
          %dma_wait3A_335 = tpu.memref_slice %arg8[%dma_wait3A_321, %dma_wait3A_333, %dma_wait3A_334] : memref<5x128x32xf32, #tpu.memory_space<vmem>> -> memref<1x128x32xf32, #tpu.memory_space<vmem>>
          %dma_wait3A_336 = tpu.memref_squeeze %dma_wait3A_335 : memref<1x128x32xf32, #tpu.memory_space<vmem>> -> memref<128x32xf32, #tpu.memory_space<vmem>>
          %dma_wait3A_337 = arith.constant 0 : i32
          %dma_wait3A_338 = arith.constant 0 : i32
          %dma_wait3A_339 = tpu.memref_slice %arg2[%arg0, %dma_wait3A_337, %dma_wait3A_338] : memref<2x50000x32xf32, #tpu.memory_space<hbm>> -> memref<1x50000x32xf32, #tpu.memory_space<hbm>>
          %dma_wait3A_340 = tpu.memref_squeeze %dma_wait3A_339 : memref<1x50000x32xf32, #tpu.memory_space<hbm>> -> memref<50000x32xf32, #tpu.memory_space<hbm>>
          %dma_wait3A_341 = arith.constant 0 : i32
          %dma_wait3A_342 = arith.constant 0 : i32
          %dma_wait3A_343 = tpu.memref_slice %dma_wait3A_340[%dma_wait3A_341, %dma_wait3A_342] : memref<50000x32xf32, #tpu.memory_space<hbm>> -> memref<128x32xf32, #tpu.memory_space<hbm>>
          tpu.wait_dma2 semaphore(%arg10 : memref<!tpu.dma_semaphore, #tpu.memory_space<semaphore_mem>>) src(%dma_wait3A_343 : memref<128x32xf32, #tpu.memory_space<hbm>>) dst(%dma_wait3A_336 : memref<128x32xf32, #tpu.memory_space<vmem>>)
        } else {
        }
        %add3A_268 = arith.constant 3 : i32
        %add3A_269 = arith.addi %while3A_193, %add3A_268 : i32
        %jit3A_270 = arith.constant 16 : i32
        %div3A_271 = arith.divsi %add3A_269, %jit3A_270 : i32
        %sign3A_272 = arith.constant 0 : i32
        %sign3A_273 = arith.cmpi sgt, %add3A_269, %sign3A_272 : i32
        %sign3A_274 = arith.extui %sign3A_273 : i1 to i32
        %sign3A_275 = arith.constant 0 : i32
        %sign3A_276 = arith.cmpi slt, %add3A_269, %sign3A_275 : i32
        %sign3A_277 = arith.extui %sign3A_276 : i1 to i32
        %sign3A_278 = arith.subi %sign3A_274, %sign3A_277 : i32
        %sign3A_279 = arith.constant 0 : i32
        %sign3A_280 = arith.cmpi sgt, %jit3A_270, %sign3A_279 : i32
        %sign3A_281 = arith.extui %sign3A_280 : i1 to i32
        %sign3A_282 = arith.constant 0 : i32
        %sign3A_283 = arith.cmpi slt, %jit3A_270, %sign3A_282 : i32
        %sign3A_284 = arith.extui %sign3A_283 : i1 to i32
        %sign3A_285 = arith.subi %sign3A_281, %sign3A_284 : i32
        %ne3A_286 = arith.cmpi ne, %sign3A_278, %sign3A_285 : i32
        %rem3A_287 = arith.remsi %add3A_269, %jit3A_270 : i32
        %ne3A_288 = arith.constant 0 : i32
        %ne3A_289 = arith.cmpi ne, %rem3A_287, %ne3A_288 : i32
        %and3A_290 = arith.andi %ne3A_286, %ne3A_289 : i1
        %sub3A_291 = arith.constant 1 : i32
        %sub3A_292 = arith.subi %div3A_271, %sub3A_291 : i32
        %select_n3A_293 = arith.select %and3A_290, %sub3A_292, %div3A_271 : i32
        %mul3A_294 = arith.constant 16 : i32
        %mul3A_295 = arith.muli %select_n3A_293, %mul3A_294 : i32
        %sub3A_296 = arith.subi %add3A_269, %mul3A_295 : i32
        %eq3A_297 = arith.constant 0 : i32
        %eq3A_298 = arith.cmpi eq, %sub3A_296, %eq3A_297 : i32
        %convert_element_type3A_299 = arith.extui %eq3A_298 : i1 to i32
        %cond3A_300 = arith.constant 0 : i32
        %cond3A_301 = arith.cmpi ne, %convert_element_type3A_299, %cond3A_300 : i32
        scf.if %cond3A_301 {
          %dma_wait3A_321 = arith.constant 0 : i32
          %dma_wait3A_322 = arith.constant 0 : i32
          %dma_wait3A_323 = arith.constant 0 : i32
          %dma_wait3A_324 = arith.constant 0 : i32
          %dma_wait3A_325 = tpu.memref_slice %arg7[%dma_wait3A_321, %dma_wait3A_322, %dma_wait3A_323, %dma_wait3A_324] : memref<2x2x16x128xi32, #tpu.memory_space<vmem>> -> memref<1x2x16x128xi32, #tpu.memory_space<vmem>>
          %dma_wait3A_326 = tpu.memref_squeeze %dma_wait3A_325 : memref<1x2x16x128xi32, #tpu.memory_space<vmem>> -> memref<2x16x128xi32, #tpu.memory_space<vmem>>
          %dma_wait3A_327 = arith.constant 0 : i32
          %dma_wait3A_328 = arith.constant 0 : i32
          %dma_wait3A_329 = arith.constant 0 : i32
          %dma_wait3A_330 = tpu.memref_slice %arg3[%dma_wait3A_327, %dma_wait3A_328, %dma_wait3A_329] : memref<2x6266x128xi32, #tpu.memory_space<hbm>> -> memref<2x16x128xi32, #tpu.memory_space<hbm>>
          %dma_wait3A_331 = arith.constant 0 : i32
          %dma_wait3A_332 = arith.constant 0 : i32
          %dma_wait3A_333 = arith.constant 0 : i32
          %dma_wait3A_334 = tpu.memref_slice %arg7[%dma_wait3A_321, %dma_wait3A_331, %dma_wait3A_332, %dma_wait3A_333] : memref<2x2x16x128xi32, #tpu.memory_space<vmem>> -> memref<1x2x16x128xi32, #tpu.memory_space<vmem>>
          %dma_wait3A_335 = tpu.memref_squeeze %dma_wait3A_334 : memref<1x2x16x128xi32, #tpu.memory_space<vmem>> -> memref<2x16x128xi32, #tpu.memory_space<vmem>>
          %dma_wait3A_336 = arith.constant 0 : i32
          %dma_wait3A_337 = arith.constant 0 : i32
          %dma_wait3A_338 = arith.constant 0 : i32
          %dma_wait3A_339 = tpu.memref_slice %arg3[%dma_wait3A_336, %dma_wait3A_337, %dma_wait3A_338] : memref<2x6266x128xi32, #tpu.memory_space<hbm>> -> memref<2x16x128xi32, #tpu.memory_space<hbm>>
          tpu.wait_dma2 semaphore(%arg11 : memref<!tpu.dma_semaphore, #tpu.memory_space<semaphore_mem>>) src(%dma_wait3A_339 : memref<2x16x128xi32, #tpu.memory_space<hbm>>) dst(%dma_wait3A_335 : memref<2x16x128xi32, #tpu.memory_space<vmem>>)
        } else {
        }
        %rem3A_302 = arith.constant 2 : i32
        %rem3A_303 = arith.remsi %select_n3A_293, %rem3A_302 : i32
        %rem3A_304 = arith.constant 5 : i32
        %rem3A_305 = arith.remsi %add3A_269, %rem3A_304 : i32
        %dma_start3A_306 = arith.constant 0 : i32
        %dma_start3A_307 = arith.constant 0 : i32
        %dma_start3A_308 = arith.constant 0 : i32
        %dma_start3A_309 = tpu.memref_slice %arg8[%rem3A_305, %dma_start3A_307, %dma_start3A_308] : memref<5x128x32xf32, #tpu.memory_space<vmem>> -> memref<1x128x32xf32, #tpu.memory_space<vmem>>
        %dma_start3A_310 = tpu.memref_squeeze %dma_start3A_309 : memref<1x128x32xf32, #tpu.memory_space<vmem>> -> memref<128x32xf32, #tpu.memory_space<vmem>>
        %dma_start3A_311 = arith.constant 0 : i32
        %dma_start3A_312 = tpu.memref_slice %arg7[%rem3A_303, %dma_start3A_306, %sub3A_296, %dma_start3A_311] : memref<2x2x16x128xi32, #tpu.memory_space<vmem>> -> memref<1x1x1x128xi32, #tpu.memory_space<vmem>>
        %dma_start3A_313 = tpu.memref_squeeze %dma_start3A_312 : memref<1x1x1x128xi32, #tpu.memory_space<vmem>> -> memref<128xi32, #tpu.memory_space<vmem>>
        %dma_start3A_314 = arith.constant 0 : i32
        %dma_start3A_315 = arith.constant 0 : i32
        %dma_start3A_316 = tpu.memref_slice %arg2[%arg0, %dma_start3A_314, %dma_start3A_315] : memref<2x50000x32xf32, #tpu.memory_space<hbm>> -> memref<1x50000x32xf32, #tpu.memory_space<hbm>>
        %dma_start3A_317 = tpu.memref_squeeze %dma_start3A_316 : memref<1x50000x32xf32, #tpu.memory_space<hbm>> -> memref<50000x32xf32, #tpu.memory_space<hbm>>
        %dma_start3A_318 = arith.constant 0 : i32
        %dma_start3A_319 = arith.constant 0 : i32
        %dma_start3A_320 = tpu.memref_slice %dma_start3A_317[%dma_start3A_318, %dma_start3A_319] : memref<50000x32xf32, #tpu.memory_space<hbm>> -> memref<50000x32xf32, #tpu.memory_space<hbm>>
        tpu.enqueue_indirect_dma source(%dma_start3A_320 : memref<50000x32xf32, #tpu.memory_space<hbm>>) target(%dma_start3A_310 : memref<128x32xf32, #tpu.memory_space<vmem>>) offsets(%dma_start3A_313 : memref<128xi32, #tpu.memory_space<vmem>>) semaphore(%arg9 : memref<!tpu.dma_semaphore, #tpu.memory_space<semaphore_mem>>)
      } else {
      }
    }
    %dma_wait3A = arith.constant 0 : i32
    %dma_wait3A_72 = arith.constant 0 : i32
    %dma_wait3A_73 = arith.constant 0 : i32
    %dma_wait3A_74 = tpu.memref_slice %arg8[%dma_wait3A, %dma_wait3A_72, %dma_wait3A_73] : memref<5x128x32xf32, #tpu.memory_space<vmem>> -> memref<1x128x32xf32, #tpu.memory_space<vmem>>
    %dma_wait3A_75 = tpu.memref_squeeze %dma_wait3A_74 : memref<1x128x32xf32, #tpu.memory_space<vmem>> -> memref<128x32xf32, #tpu.memory_space<vmem>>
    %dma_wait3A_76 = arith.constant 0 : i32
    %dma_wait3A_77 = arith.constant 0 : i32
    %dma_wait3A_78 = tpu.memref_slice %arg2[%arg0, %dma_wait3A_76, %dma_wait3A_77] : memref<2x50000x32xf32, #tpu.memory_space<hbm>> -> memref<1x50000x32xf32, #tpu.memory_space<hbm>>
    %dma_wait3A_79 = tpu.memref_squeeze %dma_wait3A_78 : memref<1x50000x32xf32, #tpu.memory_space<hbm>> -> memref<50000x32xf32, #tpu.memory_space<hbm>>
    %dma_wait3A_80 = arith.constant 0 : i32
    %dma_wait3A_81 = arith.constant 0 : i32
    %dma_wait3A_82 = tpu.memref_slice %dma_wait3A_79[%dma_wait3A_80, %dma_wait3A_81] : memref<50000x32xf32, #tpu.memory_space<hbm>> -> memref<128x32xf32, #tpu.memory_space<hbm>>
    %dma_wait3A_83 = arith.constant 0 : i32
    %dma_wait3A_84 = arith.constant 0 : i32
    %dma_wait3A_85 = tpu.memref_slice %arg8[%dma_wait3A, %dma_wait3A_83, %dma_wait3A_84] : memref<5x128x32xf32, #tpu.memory_space<vmem>> -> memref<1x128x32xf32, #tpu.memory_space<vmem>>
    %dma_wait3A_86 = tpu.memref_squeeze %dma_wait3A_85 : memref<1x128x32xf32, #tpu.memory_space<vmem>> -> memref<128x32xf32, #tpu.memory_space<vmem>>
    %dma_wait3A_87 = arith.constant 0 : i32
    %dma_wait3A_88 = arith.constant 0 : i32
    %dma_wait3A_89 = tpu.memref_slice %arg2[%arg0, %dma_wait3A_87, %dma_wait3A_88] : memref<2x50000x32xf32, #tpu.memory_space<hbm>> -> memref<1x50000x32xf32, #tpu.memory_space<hbm>>
    %dma_wait3A_90 = tpu.memref_squeeze %dma_wait3A_89 : memref<1x50000x32xf32, #tpu.memory_space<hbm>> -> memref<50000x32xf32, #tpu.memory_space<hbm>>
    %dma_wait3A_91 = arith.constant 0 : i32
    %dma_wait3A_92 = arith.constant 0 : i32
    %dma_wait3A_93 = tpu.memref_slice %dma_wait3A_90[%dma_wait3A_91, %dma_wait3A_92] : memref<50000x32xf32, #tpu.memory_space<hbm>> -> memref<128x32xf32, #tpu.memory_space<hbm>>
    tpu.wait_dma2 semaphore(%arg10 : memref<!tpu.dma_semaphore, #tpu.memory_space<semaphore_mem>>) src(%dma_wait3A_93 : memref<128x32xf32, #tpu.memory_space<hbm>>) dst(%dma_wait3A_86 : memref<128x32xf32, #tpu.memory_space<vmem>>)
    %dma_wait3A_94 = arith.constant 0 : i32
    %dma_wait3A_95 = arith.constant 0 : i32
    %dma_wait3A_96 = arith.constant 0 : i32
    %dma_wait3A_97 = tpu.memref_slice %arg8[%dma_wait3A_94, %dma_wait3A_95, %dma_wait3A_96] : memref<5x128x32xf32, #tpu.memory_space<vmem>> -> memref<1x128x32xf32, #tpu.memory_space<vmem>>
    %dma_wait3A_98 = tpu.memref_squeeze %dma_wait3A_97 : memref<1x128x32xf32, #tpu.memory_space<vmem>> -> memref<128x32xf32, #tpu.memory_space<vmem>>
    %dma_wait3A_99 = arith.constant 0 : i32
    %dma_wait3A_100 = arith.constant 0 : i32
    %dma_wait3A_101 = tpu.memref_slice %arg2[%arg0, %dma_wait3A_99, %dma_wait3A_100] : memref<2x50000x32xf32, #tpu.memory_space<hbm>> -> memref<1x50000x32xf32, #tpu.memory_space<hbm>>
    %dma_wait3A_102 = tpu.memref_squeeze %dma_wait3A_101 : memref<1x50000x32xf32, #tpu.memory_space<hbm>> -> memref<50000x32xf32, #tpu.memory_space<hbm>>
    %dma_wait3A_103 = arith.constant 0 : i32
    %dma_wait3A_104 = arith.constant 0 : i32
    %dma_wait3A_105 = tpu.memref_slice %dma_wait3A_102[%dma_wait3A_103, %dma_wait3A_104] : memref<50000x32xf32, #tpu.memory_space<hbm>> -> memref<128x32xf32, #tpu.memory_space<hbm>>
    %dma_wait3A_106 = arith.constant 0 : i32
    %dma_wait3A_107 = arith.constant 0 : i32
    %dma_wait3A_108 = tpu.memref_slice %arg8[%dma_wait3A_94, %dma_wait3A_106, %dma_wait3A_107] : memref<5x128x32xf32, #tpu.memory_space<vmem>> -> memref<1x128x32xf32, #tpu.memory_space<vmem>>
    %dma_wait3A_109 = tpu.memref_squeeze %dma_wait3A_108 : memref<1x128x32xf32, #tpu.memory_space<vmem>> -> memref<128x32xf32, #tpu.memory_space<vmem>>
    %dma_wait3A_110 = arith.constant 0 : i32
    %dma_wait3A_111 = arith.constant 0 : i32
    %dma_wait3A_112 = tpu.memref_slice %arg2[%arg0, %dma_wait3A_110, %dma_wait3A_111] : memref<2x50000x32xf32, #tpu.memory_space<hbm>> -> memref<1x50000x32xf32, #tpu.memory_space<hbm>>
    %dma_wait3A_113 = tpu.memref_squeeze %dma_wait3A_112 : memref<1x50000x32xf32, #tpu.memory_space<hbm>> -> memref<50000x32xf32, #tpu.memory_space<hbm>>
    %dma_wait3A_114 = arith.constant 0 : i32
    %dma_wait3A_115 = arith.constant 0 : i32
    %dma_wait3A_116 = tpu.memref_slice %dma_wait3A_113[%dma_wait3A_114, %dma_wait3A_115] : memref<50000x32xf32, #tpu.memory_space<hbm>> -> memref<128x32xf32, #tpu.memory_space<hbm>>
    tpu.wait_dma2 semaphore(%arg10 : memref<!tpu.dma_semaphore, #tpu.memory_space<semaphore_mem>>) src(%dma_wait3A_116 : memref<128x32xf32, #tpu.memory_space<hbm>>) dst(%dma_wait3A_109 : memref<128x32xf32, #tpu.memory_space<vmem>>)
    %dma_wait3A_117 = arith.constant 0 : i32
    %dma_wait3A_118 = arith.constant 0 : i32
    %dma_wait3A_119 = arith.constant 0 : i32
    %dma_wait3A_120 = tpu.memref_slice %arg8[%dma_wait3A_117, %dma_wait3A_118, %dma_wait3A_119] : memref<5x128x32xf32, #tpu.memory_space<vmem>> -> memref<1x128x32xf32, #tpu.memory_space<vmem>>
    %dma_wait3A_121 = tpu.memref_squeeze %dma_wait3A_120 : memref<1x128x32xf32, #tpu.memory_space<vmem>> -> memref<128x32xf32, #tpu.memory_space<vmem>>
    %dma_wait3A_122 = arith.constant 0 : i32
    %dma_wait3A_123 = arith.constant 0 : i32
    %dma_wait3A_124 = tpu.memref_slice %arg2[%arg0, %dma_wait3A_122, %dma_wait3A_123] : memref<2x50000x32xf32, #tpu.memory_space<hbm>> -> memref<1x50000x32xf32, #tpu.memory_space<hbm>>
    %dma_wait3A_125 = tpu.memref_squeeze %dma_wait3A_124 : memref<1x50000x32xf32, #tpu.memory_space<hbm>> -> memref<50000x32xf32, #tpu.memory_space<hbm>>
    %dma_wait3A_126 = arith.constant 0 : i32
    %dma_wait3A_127 = arith.constant 0 : i32
    %dma_wait3A_128 = tpu.memref_slice %dma_wait3A_125[%dma_wait3A_126, %dma_wait3A_127] : memref<50000x32xf32, #tpu.memory_space<hbm>> -> memref<128x32xf32, #tpu.memory_space<hbm>>
    %dma_wait3A_129 = arith.constant 0 : i32
    %dma_wait3A_130 = arith.constant 0 : i32
    %dma_wait3A_131 = tpu.memref_slice %arg8[%dma_wait3A_117, %dma_wait3A_129, %dma_wait3A_130] : memref<5x128x32xf32, #tpu.memory_space<vmem>> -> memref<1x128x32xf32, #tpu.memory_space<vmem>>
    %dma_wait3A_132 = tpu.memref_squeeze %dma_wait3A_131 : memref<1x128x32xf32, #tpu.memory_space<vmem>> -> memref<128x32xf32, #tpu.memory_space<vmem>>
    %dma_wait3A_133 = arith.constant 0 : i32
    %dma_wait3A_134 = arith.constant 0 : i32
    %dma_wait3A_135 = tpu.memref_slice %arg2[%arg0, %dma_wait3A_133, %dma_wait3A_134] : memref<2x50000x32xf32, #tpu.memory_space<hbm>> -> memref<1x50000x32xf32, #tpu.memory_space<hbm>>
    %dma_wait3A_136 = tpu.memref_squeeze %dma_wait3A_135 : memref<1x50000x32xf32, #tpu.memory_space<hbm>> -> memref<50000x32xf32, #tpu.memory_space<hbm>>
    %dma_wait3A_137 = arith.constant 0 : i32
    %dma_wait3A_138 = arith.constant 0 : i32
    %dma_wait3A_139 = tpu.memref_slice %dma_wait3A_136[%dma_wait3A_137, %dma_wait3A_138] : memref<50000x32xf32, #tpu.memory_space<hbm>> -> memref<128x32xf32, #tpu.memory_space<hbm>>
    tpu.wait_dma2 semaphore(%arg10 : memref<!tpu.dma_semaphore, #tpu.memory_space<semaphore_mem>>) src(%dma_wait3A_139 : memref<128x32xf32, #tpu.memory_space<hbm>>) dst(%dma_wait3A_132 : memref<128x32xf32, #tpu.memory_space<vmem>>)
    %dma_wait3A_140 = arith.constant 0 : i32
    %dma_wait3A_141 = arith.constant 0 : i32
    %dma_wait3A_142 = arith.constant 0 : i32
    %dma_wait3A_143 = tpu.memref_slice %arg8[%dma_wait3A_140, %dma_wait3A_141, %dma_wait3A_142] : memref<5x128x32xf32, #tpu.memory_space<vmem>> -> memref<1x128x32xf32, #tpu.memory_space<vmem>>
    %dma_wait3A_144 = tpu.memref_squeeze %dma_wait3A_143 : memref<1x128x32xf32, #tpu.memory_space<vmem>> -> memref<128x32xf32, #tpu.memory_space<vmem>>
    %dma_wait3A_145 = arith.constant 0 : i32
    %dma_wait3A_146 = arith.constant 0 : i32
    %dma_wait3A_147 = tpu.memref_slice %arg2[%arg0, %dma_wait3A_145, %dma_wait3A_146] : memref<2x50000x32xf32, #tpu.memory_space<hbm>> -> memref<1x50000x32xf32, #tpu.memory_space<hbm>>
    %dma_wait3A_148 = tpu.memref_squeeze %dma_wait3A_147 : memref<1x50000x32xf32, #tpu.memory_space<hbm>> -> memref<50000x32xf32, #tpu.memory_space<hbm>>
    %dma_wait3A_149 = arith.constant 0 : i32
    %dma_wait3A_150 = arith.constant 0 : i32
    %dma_wait3A_151 = tpu.memref_slice %dma_wait3A_148[%dma_wait3A_149, %dma_wait3A_150] : memref<50000x32xf32, #tpu.memory_space<hbm>> -> memref<128x32xf32, #tpu.memory_space<hbm>>
    %dma_wait3A_152 = arith.constant 0 : i32
    %dma_wait3A_153 = arith.constant 0 : i32
    %dma_wait3A_154 = tpu.memref_slice %arg8[%dma_wait3A_140, %dma_wait3A_152, %dma_wait3A_153] : memref<5x128x32xf32, #tpu.memory_space<vmem>> -> memref<1x128x32xf32, #tpu.memory_space<vmem>>
    %dma_wait3A_155 = tpu.memref_squeeze %dma_wait3A_154 : memref<1x128x32xf32, #tpu.memory_space<vmem>> -> memref<128x32xf32, #tpu.memory_space<vmem>>
    %dma_wait3A_156 = arith.constant 0 : i32
    %dma_wait3A_157 = arith.constant 0 : i32
    %dma_wait3A_158 = tpu.memref_slice %arg2[%arg0, %dma_wait3A_156, %dma_wait3A_157] : memref<2x50000x32xf32, #tpu.memory_space<hbm>> -> memref<1x50000x32xf32, #tpu.memory_space<hbm>>
    %dma_wait3A_159 = tpu.memref_squeeze %dma_wait3A_158 : memref<1x50000x32xf32, #tpu.memory_space<hbm>> -> memref<50000x32xf32, #tpu.memory_space<hbm>>
    %dma_wait3A_160 = arith.constant 0 : i32
    %dma_wait3A_161 = arith.constant 0 : i32
    %dma_wait3A_162 = tpu.memref_slice %dma_wait3A_159[%dma_wait3A_160, %dma_wait3A_161] : memref<50000x32xf32, #tpu.memory_space<hbm>> -> memref<128x32xf32, #tpu.memory_space<hbm>>
    tpu.wait_dma2 semaphore(%arg10 : memref<!tpu.dma_semaphore, #tpu.memory_space<semaphore_mem>>) src(%dma_wait3A_162 : memref<128x32xf32, #tpu.memory_space<hbm>>) dst(%dma_wait3A_155 : memref<128x32xf32, #tpu.memory_space<vmem>>)
    %dma_wait3A_163 = arith.constant 0 : i32
    %dma_wait3A_164 = arith.constant 0 : i32
    %dma_wait3A_165 = arith.constant 0 : i32
    %dma_wait3A_166 = tpu.memref_slice %arg8[%dma_wait3A_163, %dma_wait3A_164, %dma_wait3A_165] : memref<5x128x32xf32, #tpu.memory_space<vmem>> -> memref<1x128x32xf32, #tpu.memory_space<vmem>>
    %dma_wait3A_167 = tpu.memref_squeeze %dma_wait3A_166 : memref<1x128x32xf32, #tpu.memory_space<vmem>> -> memref<128x32xf32, #tpu.memory_space<vmem>>
    %dma_wait3A_168 = arith.constant 0 : i32
    %dma_wait3A_169 = arith.constant 0 : i32
    %dma_wait3A_170 = tpu.memref_slice %arg2[%arg0, %dma_wait3A_168, %dma_wait3A_169] : memref<2x50000x32xf32, #tpu.memory_space<hbm>> -> memref<1x50000x32xf32, #tpu.memory_space<hbm>>
    %dma_wait3A_171 = tpu.memref_squeeze %dma_wait3A_170 : memref<1x50000x32xf32, #tpu.memory_space<hbm>> -> memref<50000x32xf32, #tpu.memory_space<hbm>>
    %dma_wait3A_172 = arith.constant 0 : i32
    %dma_wait3A_173 = arith.constant 0 : i32
    %dma_wait3A_174 = tpu.memref_slice %dma_wait3A_171[%dma_wait3A_172, %dma_wait3A_173] : memref<50000x32xf32, #tpu.memory_space<hbm>> -> memref<128x32xf32, #tpu.memory_space<hbm>>
    %dma_wait3A_175 = arith.constant 0 : i32
    %dma_wait3A_176 = arith.constant 0 : i32
    %dma_wait3A_177 = tpu.memref_slice %arg8[%dma_wait3A_163, %dma_wait3A_175, %dma_wait3A_176] : memref<5x128x32xf32, #tpu.memory_space<vmem>> -> memref<1x128x32xf32, #tpu.memory_space<vmem>>
    %dma_wait3A_178 = tpu.memref_squeeze %dma_wait3A_177 : memref<1x128x32xf32, #tpu.memory_space<vmem>> -> memref<128x32xf32, #tpu.memory_space<vmem>>
    %dma_wait3A_179 = arith.constant 0 : i32
    %dma_wait3A_180 = arith.constant 0 : i32
    %dma_wait3A_181 = tpu.memref_slice %arg2[%arg0, %dma_wait3A_179, %dma_wait3A_180] : memref<2x50000x32xf32, #tpu.memory_space<hbm>> -> memref<1x50000x32xf32, #tpu.memory_space<hbm>>
    %dma_wait3A_182 = tpu.memref_squeeze %dma_wait3A_181 : memref<1x50000x32xf32, #tpu.memory_space<hbm>> -> memref<50000x32xf32, #tpu.memory_space<hbm>>
    %dma_wait3A_183 = arith.constant 0 : i32
    %dma_wait3A_184 = arith.constant 0 : i32
    %dma_wait3A_185 = tpu.memref_slice %dma_wait3A_182[%dma_wait3A_183, %dma_wait3A_184] : memref<50000x32xf32, #tpu.memory_space<hbm>> -> memref<128x32xf32, #tpu.memory_space<hbm>>
    tpu.wait_dma2 semaphore(%arg10 : memref<!tpu.dma_semaphore, #tpu.memory_space<semaphore_mem>>) src(%dma_wait3A_185 : memref<128x32xf32, #tpu.memory_space<hbm>>) dst(%dma_wait3A_178 : memref<128x32xf32, #tpu.memory_space<vmem>>)
    %barrier3A_186 = arith.constant 0 : index
    tpu.barrier barrier_id(%barrier3A_186)
    %mul3A_187 = arith.constant 3128 : i32
    %mul3A_188 = arith.muli %arg1, %mul3A_187 : i32
    %mul3A_189 = arith.constant 3128 : i32
    %mul3A_190 = arith.muli %arg1, %mul3A_189 : i32
    %mul3A_191 = arith.constant 32 : i32
    %mul3A_192 = arith.muli %arg0, %mul3A_191 : i32
    "tpu.region"() ({
      %run_scoped3A_193 = tpu.sem_alloc : memref<!tpu.dma_semaphore, #tpu.memory_space<semaphore_mem>>
      %dma_start3A_194 = tpu.memref_slice %arg5[%mul3A_190, %mul3A_192] : memref<50048x128xf32, #tpu.memory_space<hbm>> -> memref<3128x32xf32, #tpu.memory_space<hbm>>
      %dma_start3A_195 = arith.constant 0 : i32
      %dma_start3A_196 = tpu.memref_slice %arg6[%mul3A_188, %dma_start3A_195] : memref<50048x32xf32, #tpu.memory_space<vmem_shared>> -> memref<3128x32xf32, #tpu.memory_space<vmem_shared>>
      tpu.enqueue_dma source(%dma_start3A_196 : memref<3128x32xf32, #tpu.memory_space<vmem_shared>>) target(%dma_start3A_194 : memref<3128x32xf32, #tpu.memory_space<hbm>>) target_semaphore(%run_scoped3A_193 : memref<!tpu.dma_semaphore, #tpu.memory_space<semaphore_mem>>)
      %dma_wait3A_197 = tpu.memref_slice %arg5[%mul3A_190, %mul3A_192] : memref<50048x128xf32, #tpu.memory_space<hbm>> -> memref<3128x32xf32, #tpu.memory_space<hbm>>
      %dma_wait3A_198 = arith.constant 0 : i32
      %dma_wait3A_199 = tpu.memref_slice %arg6[%mul3A_188, %dma_wait3A_198] : memref<50048x32xf32, #tpu.memory_space<vmem_shared>> -> memref<3128x32xf32, #tpu.memory_space<vmem_shared>>
      tpu.wait_dma2 semaphore(%run_scoped3A_193 : memref<!tpu.dma_semaphore, #tpu.memory_space<semaphore_mem>>) src(%dma_wait3A_199 : memref<3128x32xf32, #tpu.memory_space<vmem_shared>>) dst(%dma_wait3A_197 : memref<3128x32xf32, #tpu.memory_space<hbm>>)
      tpu.yield
    }) : () -> ()
    return
  }
}

module attributes {stable_mosaic.version = 14 : i64} {
  func.func @_pre_body(%arg0: i32, %arg1: memref<5000x128xf32, #tpu.memory_space<vmem>>, %arg2: memref<128x64xf32, #tpu.memory_space<vmem>>, %arg3: memref<2x5000x32xf32, #tpu.memory_space<vmem>>) attributes {dimension_semantics = [#tpu.dimension_semantics<arbitrary>], iteration_bounds = array<i64: 10>, scalar_prefetch = 0 : i64, scratch_operands = 0 : i64, tpu.core_type = #tpu.core_type<tc>, window_params = [{transform_indices = @transform_0, window_bounds = array<i64: 5000, 128>}, {pipeline_mode = #tpu.pipeline_mode<synchronous>, transform_indices = @transform_1, window_bounds = array<i64: 128, 64>}, {transform_indices = @transform_2, window_bounds = array<i64: 2, 5000, 32>}]} {
    %get3A = arith.constant 0 : index
    %get3A_0 = arith.constant 0 : index
    %get3A_1 = vector.load %arg1[%get3A, %get3A_0] : memref<5000x128xf32, #tpu.memory_space<vmem>>, vector<5000x128xf32>
    %get3A_2 = arith.constant 0 : index
    %get3A_3 = arith.constant 0 : index
    %get3A_4 = vector.load %arg2[%get3A_2, %get3A_3] : memref<128x64xf32, #tpu.memory_space<vmem>>, vector<128x64xf32>
    %dot_general3A = arith.constant dense<0.000000e+00> : vector<5000x64xf32>
    %dot_general3A_5 = tpu.matmul %get3A_1, %get3A_4, %dot_general3A {dimension_numbers = #tpu.dot_dimension_numbers<[1], [0], [0], [1], [0, 0, 1, 1], [], []>, transpose_lhs_hint = false} : vector<5000x128xf32>, vector<128x64xf32>, vector<5000x64xf32> -> vector<5000x64xf32>
    %slice3A = vector.extract_strided_slice %dot_general3A_5 {offsets = [0, 0], sizes = [5000, 32], strides = [1, 1]} : vector<5000x64xf32> to vector<5000x32xf32>
    %swap3A = arith.constant 0 : index
    %swap3A_6 = arith.constant 0 : index
    %swap3A_7 = arith.constant 0 : index
    %swap3A_8 = vector.load %arg3[%swap3A, %swap3A_6, %swap3A_7] : memref<2x5000x32xf32, #tpu.memory_space<vmem>>, vector<1x5000x32xf32>
    %swap3A_9 = vector.shape_cast %swap3A_8 : vector<1x5000x32xf32> to vector<5000x32xf32>
    %swap3A_10 = vector.shape_cast %slice3A : vector<5000x32xf32> to vector<1x5000x32xf32>
    tpu.vector_store %arg3[%swap3A, %swap3A_6, %swap3A_7], %swap3A_10 {strides = array<i32>} : memref<2x5000x32xf32, #tpu.memory_space<vmem>>, vector<1x5000x32xf32>,
    %slice3A_11 = vector.extract_strided_slice %dot_general3A_5 {offsets = [0, 32], sizes = [5000, 32], strides = [1, 1]} : vector<5000x64xf32> to vector<5000x32xf32>
    %swap3A_12 = arith.constant 1 : index
    %swap3A_13 = arith.constant 0 : index
    %swap3A_14 = arith.constant 0 : index
    %swap3A_15 = vector.load %arg3[%swap3A_12, %swap3A_13, %swap3A_14] : memref<2x5000x32xf32, #tpu.memory_space<vmem>>, vector<1x5000x32xf32>
    %swap3A_16 = vector.shape_cast %swap3A_15 : vector<1x5000x32xf32> to vector<5000x32xf32>
    %swap3A_17 = vector.shape_cast %slice3A_11 : vector<5000x32xf32> to vector<1x5000x32xf32>
    tpu.vector_store %arg3[%swap3A_12, %swap3A_13, %swap3A_14], %swap3A_17 {strides = array<i32>} : memref<2x5000x32xf32, #tpu.memory_space<vmem>>, vector<1x5000x32xf32>,
    return
  }
  func.func @transform_0(%arg0: i32) -> (i32, i32) {
    %c0_i32 = arith.constant 0 : i32
    %c0_i32_0 = arith.constant 0 : i32
    return %arg0, %c0_i32 : i32, i32
  }
  func.func @transform_1(%arg0: i32) -> (i32, i32) {
    %c0_i32 = arith.constant 0 : i32
    %c0_i32_0 = arith.constant 0 : i32
    %c0_i32_1 = arith.constant 0 : i32
    return %c0_i32, %c0_i32_0 : i32, i32
  }
  func.func @transform_2(%arg0: i32) -> (i32, i32, i32) {
    %c0_i32 = arith.constant 0 : i32
    %c0_i32_0 = arith.constant 0 : i32
    %c0_i32_1 = arith.constant 0 : i32
    return %c0_i32, %arg0, %c0_i32_0 : i32, i32, i32
  }
}

module attributes {stable_mosaic.version = 14 : i64} {
  func.func @_res1_body(%arg0: i32, %arg1: memref<5000x128xf32, #tpu.memory_space<vmem>>, %arg2: memref<128x64xf32, #tpu.memory_space<vmem>>, %arg3: memref<1x64xf32, #tpu.memory_space<vmem>>, %arg4: memref<5000x64xf32, #tpu.memory_space<vmem>>) attributes {dimension_semantics = [#tpu.dimension_semantics<arbitrary>], iteration_bounds = array<i64: 10>, scalar_prefetch = 0 : i64, scratch_operands = 0 : i64, tpu.core_type = #tpu.core_type<tc>, window_params = [{transform_indices = @transform_0, window_bounds = array<i64: 5000, 128>}, {pipeline_mode = #tpu.pipeline_mode<synchronous>, transform_indices = @transform_1, window_bounds = array<i64: 128, 64>}, {pipeline_mode = #tpu.pipeline_mode<synchronous>, transform_indices = @transform_2, window_bounds = array<i64: 1, 64>}, {transform_indices = @transform_3, window_bounds = array<i64: 5000, 64>}]} {
    %get3A = arith.constant 0 : index
    %get3A_0 = arith.constant 0 : index
    %get3A_1 = vector.load %arg1[%get3A, %get3A_0] : memref<5000x128xf32, #tpu.memory_space<vmem>>, vector<5000x128xf32>
    %get3A_2 = arith.constant 0 : index
    %get3A_3 = arith.constant 0 : index
    %get3A_4 = vector.load %arg2[%get3A_2, %get3A_3] : memref<128x64xf32, #tpu.memory_space<vmem>>, vector<128x64xf32>
    %dot_general3A = arith.constant dense<0.000000e+00> : vector<5000x64xf32>
    %dot_general3A_5 = tpu.matmul %get3A_1, %get3A_4, %dot_general3A {dimension_numbers = #tpu.dot_dimension_numbers<[1], [0], [0], [1], [0, 0, 1, 1], [], []>, transpose_lhs_hint = false} : vector<5000x128xf32>, vector<128x64xf32>, vector<5000x64xf32> -> vector<5000x64xf32>
    %get3A_6 = arith.constant 0 : index
    %get3A_7 = arith.constant 0 : index
    %get3A_8 = vector.load %arg3[%get3A_6, %get3A_7] : memref<1x64xf32, #tpu.memory_space<vmem>>, vector<1x64xf32>
    %add3A = vector.broadcast %get3A_8 : vector<1x64xf32> to vector<5000x64xf32>
    %add3A_9 = arith.addf %dot_general3A_5, %add3A : vector<5000x64xf32>
    %max3A = arith.constant 0.000000e+00 : f32
    %max3A_10 = vector.broadcast %max3A : f32 to vector<5000x64xf32>
    %max3A_11 = arith.maximumf %add3A_9, %max3A_10 : vector<5000x64xf32>
    %swap3A = arith.constant 0 : index
    %swap3A_12 = arith.constant 0 : index
    %swap3A_13 = vector.load %arg4[%swap3A, %swap3A_12] : memref<5000x64xf32, #tpu.memory_space<vmem>>, vector<5000x64xf32>
    tpu.vector_store %arg4[%swap3A, %swap3A_12], %max3A_11 {strides = array<i32>} : memref<5000x64xf32, #tpu.memory_space<vmem>>, vector<5000x64xf32>,
    return
  }
  func.func @transform_0(%arg0: i32) -> (i32, i32) {
    %c0_i32 = arith.constant 0 : i32
    %c0_i32_0 = arith.constant 0 : i32
    return %arg0, %c0_i32 : i32, i32
  }
  func.func @transform_1(%arg0: i32) -> (i32, i32) {
    %c0_i32 = arith.constant 0 : i32
    %c0_i32_0 = arith.constant 0 : i32
    %c0_i32_1 = arith.constant 0 : i32
    return %c0_i32, %c0_i32_0 : i32, i32
  }
  func.func @transform_2(%arg0: i32) -> (i32, i32) {
    %c0_i32 = arith.constant 0 : i32
    %c0_i32_0 = arith.constant 0 : i32
    %c0_i32_1 = arith.constant 0 : i32
    return %c0_i32, %c0_i32_0 : i32, i32
  }
  func.func @transform_3(%arg0: i32) -> (i32, i32) {
    %c0_i32 = arith.constant 0 : i32
    %c0_i32_0 = arith.constant 0 : i32
    return %arg0, %c0_i32 : i32, i32
  }
}

module attributes {stable_mosaic.version = 14 : i64} {
  func.func @_post1_body(%arg0: i32, %arg1: memref<5000x128xf32, #tpu.memory_space<vmem>>, %arg2: memref<1x64xf32, #tpu.memory_space<vmem>>, %arg3: memref<5000x64xf32, #tpu.memory_space<vmem>>, %arg4: memref<8x64xf32, #tpu.memory_space<vmem>>, %arg5: memref<8x64xf32, #tpu.memory_space<vmem>>, %arg6: memref<5000x64xf32, #tpu.memory_space<vmem>>, %arg7: memref<8x64xf32, #tpu.memory_space<vmem>>, %arg8: memref<8x64xf32, #tpu.memory_space<vmem>>, %arg9: memref<8x64xf32, #tpu.memory_space<vmem>>, %arg10: memref<8x64xf32, #tpu.memory_space<vmem>>) attributes {dimension_semantics = [#tpu.dimension_semantics<arbitrary>], iteration_bounds = array<i64: 10>, scalar_prefetch = 0 : i64, scratch_operands = 2 : i64, tpu.core_type = #tpu.core_type<tc>, window_params = [{transform_indices = @transform_0, window_bounds = array<i64: 5000, 128>}, {pipeline_mode = #tpu.pipeline_mode<synchronous>, transform_indices = @transform_1, window_bounds = array<i64: 1, 64>}, {transform_indices = @transform_2, window_bounds = array<i64: 5000, 64>}, {pipeline_mode = #tpu.pipeline_mode<synchronous>, transform_indices = @transform_3, window_bounds = array<i64: 8, 64>}, {pipeline_mode = #tpu.pipeline_mode<synchronous>, transform_indices = @transform_4, window_bounds = array<i64: 8, 64>}, {transform_indices = @transform_5, window_bounds = array<i64: 5000, 64>}, {pipeline_mode = #tpu.pipeline_mode<synchronous>, transform_indices = @transform_6, window_bounds = array<i64: 8, 64>}, {pipeline_mode = #tpu.pipeline_mode<synchronous>, transform_indices = @transform_7, window_bounds = array<i64: 8, 64>}]} {
    %get3A = arith.constant 0 : index
    %get3A_0 = arith.constant 0 : index
    %get3A_1 = vector.load %arg1[%get3A, %get3A_0] : memref<5000x128xf32, #tpu.memory_space<vmem>>, vector<5000x64xf32>
    %get3A_2 = arith.constant 0 : index
    %get3A_3 = arith.constant 0 : index
    %get3A_4 = vector.load %arg2[%get3A_2, %get3A_3] : memref<1x64xf32, #tpu.memory_space<vmem>>, vector<1x64xf32>
    %add3A = vector.broadcast %get3A_4 : vector<1x64xf32> to vector<5000x64xf32>
    %add3A_5 = arith.addf %get3A_1, %add3A : vector<5000x64xf32>
    %max3A = arith.constant 0.000000e+00 : f32
    %max3A_6 = vector.broadcast %max3A : f32 to vector<5000x64xf32>
    %max3A_7 = arith.maximumf %add3A_5, %max3A_6 : vector<5000x64xf32>
    %get3A_8 = arith.constant 0 : index
    %get3A_9 = arith.constant 0 : index
    %get3A_10 = vector.load %arg3[%get3A_8, %get3A_9] : memref<5000x64xf32, #tpu.memory_space<vmem>>, vector<5000x64xf32>
    %add3A_11 = arith.addf %max3A_7, %get3A_10 : vector<5000x64xf32>
    %swap3A = arith.constant 0 : index
    %swap3A_12 = arith.constant 0 : index
    %swap3A_13 = vector.load %arg6[%swap3A, %swap3A_12] : memref<5000x64xf32, #tpu.memory_space<vmem>>, vector<5000x64xf32>
    tpu.vector_store %arg6[%swap3A, %swap3A_12], %add3A_11 {strides = array<i32>} : memref<5000x64xf32, #tpu.memory_space<vmem>>, vector<5000x64xf32>,
    %eq3A = arith.constant 0 : i32
    %eq3A_14 = arith.cmpi eq, %arg0, %eq3A : i32
    %convert_element_type3A = arith.extui %eq3A_14 : i1 to i32
    %cond3A = arith.constant 0 : i32
    %cond3A_15 = arith.cmpi ne, %convert_element_type3A, %cond3A : i32
    scf.if %cond3A_15 {
      %broadcast_in_dim3A_43 = arith.constant 0.000000e+00 : f32
      %broadcast_in_dim3A_44 = vector.broadcast %broadcast_in_dim3A_43 : f32 to vector<8x64xf32>
      %swap3A_45 = arith.constant 0 : index
      %swap3A_46 = arith.constant 0 : index
      %swap3A_47 = vector.load %arg9[%swap3A_45, %swap3A_46] : memref<8x64xf32, #tpu.memory_space<vmem>>, vector<8x64xf32>
      tpu.vector_store %arg9[%swap3A_45, %swap3A_46], %broadcast_in_dim3A_44 {strides = array<i32>} : memref<8x64xf32, #tpu.memory_space<vmem>>, vector<8x64xf32>,
      %broadcast_in_dim3A_48 = arith.constant 0.000000e+00 : f32
      %broadcast_in_dim3A_49 = vector.broadcast %broadcast_in_dim3A_48 : f32 to vector<8x64xf32>
      %swap3A_50 = arith.constant 0 : index
      %swap3A_51 = arith.constant 0 : index
      %swap3A_52 = vector.load %arg10[%swap3A_50, %swap3A_51] : memref<8x64xf32, #tpu.memory_space<vmem>>, vector<8x64xf32>
      tpu.vector_store %arg10[%swap3A_50, %swap3A_51], %broadcast_in_dim3A_49 {strides = array<i32>} : memref<8x64xf32, #tpu.memory_space<vmem>>, vector<8x64xf32>,
    } else {
    }
    %get3A_16 = arith.constant 0 : index
    %get3A_17 = arith.constant 0 : index
    %get3A_18 = vector.load %arg9[%get3A_16, %get3A_17] : memref<8x64xf32, #tpu.memory_space<vmem>>, vector<8x64xf32>
    %reduce_sum3A = arith.constant dense<0.000000e+00> : vector<64xf32>
    %reduce_sum3A_19 = vector.multi_reduction <add>, %add3A_11, %reduce_sum3A [0] : vector<5000x64xf32> to vector<64xf32>
    %broadcast_in_dim3A = vector.shape_cast %reduce_sum3A_19 : vector<64xf32> to vector<1x64xf32>
    %broadcast_in_dim3A_20 = vector.shape_cast %broadcast_in_dim3A : vector<1x64xf32> to vector<1x64xf32>
    %broadcast_in_dim3A_21 = vector.broadcast %broadcast_in_dim3A_20 : vector<1x64xf32> to vector<8x64xf32>
    %add3A_22 = arith.addf %get3A_18, %broadcast_in_dim3A_21 : vector<8x64xf32>
    %swap3A_23 = arith.constant 0 : index
    %swap3A_24 = arith.constant 0 : index
    %swap3A_25 = vector.load %arg9[%swap3A_23, %swap3A_24] : memref<8x64xf32, #tpu.memory_space<vmem>>, vector<8x64xf32>
    tpu.vector_store %arg9[%swap3A_23, %swap3A_24], %add3A_22 {strides = array<i32>} : memref<8x64xf32, #tpu.memory_space<vmem>>, vector<8x64xf32>,
    %get3A_26 = arith.constant 0 : index
    %get3A_27 = arith.constant 0 : index
    %get3A_28 = vector.load %arg10[%get3A_26, %get3A_27] : memref<8x64xf32, #tpu.memory_space<vmem>>, vector<8x64xf32>
    %mul3A = arith.mulf %add3A_11, %add3A_11 : vector<5000x64xf32>
    %reduce_sum3A_29 = arith.constant dense<0.000000e+00> : vector<64xf32>
    %reduce_sum3A_30 = vector.multi_reduction <add>, %mul3A, %reduce_sum3A_29 [0] : vector<5000x64xf32> to vector<64xf32>
    %broadcast_in_dim3A_31 = vector.shape_cast %reduce_sum3A_30 : vector<64xf32> to vector<1x64xf32>
    %broadcast_in_dim3A_32 = vector.shape_cast %broadcast_in_dim3A_31 : vector<1x64xf32> to vector<1x64xf32>
    %broadcast_in_dim3A_33 = vector.broadcast %broadcast_in_dim3A_32 : vector<1x64xf32> to vector<8x64xf32>
    %add3A_34 = arith.addf %get3A_28, %broadcast_in_dim3A_33 : vector<8x64xf32>
    %swap3A_35 = arith.constant 0 : index
    %swap3A_36 = arith.constant 0 : index
    %swap3A_37 = vector.load %arg10[%swap3A_35, %swap3A_36] : memref<8x64xf32, #tpu.memory_space<vmem>>, vector<8x64xf32>
    tpu.vector_store %arg10[%swap3A_35, %swap3A_36], %add3A_34 {strides = array<i32>} : memref<8x64xf32, #tpu.memory_space<vmem>>, vector<8x64xf32>,
    %eq3A_38 = arith.constant 9 : i32
    %eq3A_39 = arith.cmpi eq, %arg0, %eq3A_38 : i32
    %convert_element_type3A_40 = arith.extui %eq3A_39 : i1 to i32
    %cond3A_41 = arith.constant 0 : i32
    %cond3A_42 = arith.cmpi ne, %convert_element_type3A_40, %cond3A_41 : i32
    scf.if %cond3A_42 {
      %get3A_43 = arith.constant 0 : index
      %get3A_44 = arith.constant 0 : index
      %get3A_45 = vector.load %arg9[%get3A_43, %get3A_44] : memref<8x64xf32, #tpu.memory_space<vmem>>, vector<8x64xf32>
      %mul3A_46 = arith.constant 2.000000e-05 : f32
      %mul3A_47 = vector.broadcast %mul3A_46 : f32 to vector<8x64xf32>
      %mul3A_48 = arith.mulf %get3A_45, %mul3A_47 : vector<8x64xf32>
      %get3A_49 = arith.constant 0 : index
      %get3A_50 = arith.constant 0 : index
      %get3A_51 = vector.load %arg10[%get3A_49, %get3A_50] : memref<8x64xf32, #tpu.memory_space<vmem>>, vector<8x64xf32>
      %mul3A_52 = arith.constant 2.000000e-05 : f32
      %mul3A_53 = vector.broadcast %mul3A_52 : f32 to vector<8x64xf32>
      %mul3A_54 = arith.mulf %get3A_51, %mul3A_53 : vector<8x64xf32>
      %mul3A_55 = arith.mulf %mul3A_48, %mul3A_48 : vector<8x64xf32>
      %sub3A = arith.subf %mul3A_54, %mul3A_55 : vector<8x64xf32>
      %get3A_56 = arith.constant 0 : index
      %get3A_57 = arith.constant 0 : index
      %get3A_58 = vector.load %arg4[%get3A_56, %get3A_57] : memref<8x64xf32, #tpu.memory_space<vmem>>, vector<8x64xf32>
      %add3A_59 = arith.constant 9.99999974E-6 : f32
      %add3A_60 = vector.broadcast %add3A_59 : f32 to vector<8x64xf32>
      %add3A_61 = arith.addf %sub3A, %add3A_60 : vector<8x64xf32>
      %rsqrt3A = math.rsqrt %add3A_61 : vector<8x64xf32>
      %mul3A_62 = arith.mulf %get3A_58, %rsqrt3A : vector<8x64xf32>
      %swap3A_63 = arith.constant 0 : index
      %swap3A_64 = arith.constant 0 : index
      %swap3A_65 = vector.load %arg7[%swap3A_63, %swap3A_64] : memref<8x64xf32, #tpu.memory_space<vmem>>, vector<8x64xf32>
      tpu.vector_store %arg7[%swap3A_63, %swap3A_64], %mul3A_62 {strides = array<i32>} : memref<8x64xf32, #tpu.memory_space<vmem>>, vector<8x64xf32>,
      %get3A_66 = arith.constant 0 : index
      %get3A_67 = arith.constant 0 : index
      %get3A_68 = vector.load %arg5[%get3A_66, %get3A_67] : memref<8x64xf32, #tpu.memory_space<vmem>>, vector<8x64xf32>
      %mul3A_69 = arith.mulf %mul3A_48, %mul3A_62 : vector<8x64xf32>
      %sub3A_70 = arith.subf %get3A_68, %mul3A_69 : vector<8x64xf32>
      %swap3A_71 = arith.constant 0 : index
      %swap3A_72 = arith.constant 0 : index
      %swap3A_73 = vector.load %arg8[%swap3A_71, %swap3A_72] : memref<8x64xf32, #tpu.memory_space<vmem>>, vector<8x64xf32>
      tpu.vector_store %arg8[%swap3A_71, %swap3A_72], %sub3A_70 {strides = array<i32>} : memref<8x64xf32, #tpu.memory_space<vmem>>, vector<8x64xf32>,
    } else {
    }
    return
  }
  func.func @transform_0(%arg0: i32) -> (i32, i32) {
    %c0_i32 = arith.constant 0 : i32
    %c0_i32_0 = arith.constant 0 : i32
    return %arg0, %c0_i32 : i32, i32
  }
  func.func @transform_1(%arg0: i32) -> (i32, i32) {
    %c0_i32 = arith.constant 0 : i32
    %c0_i32_0 = arith.constant 0 : i32
    %c0_i32_1 = arith.constant 0 : i32
    return %c0_i32, %c0_i32_0 : i32, i32
  }
  func.func @transform_2(%arg0: i32) -> (i32, i32) {
    %c0_i32 = arith.constant 0 : i32
    %c0_i32_0 = arith.constant 0 : i32
    return %arg0, %c0_i32 : i32, i32
  }
  func.func @transform_3(%arg0: i32) -> (i32, i32) {
    %c0_i32 = arith.constant 0 : i32
    %c0_i32_0 = arith.constant 0 : i32
    %c0_i32_1 = arith.constant 0 : i32
    return %c0_i32, %c0_i32_0 : i32, i32
  }
  func.func @transform_4(%arg0: i32) -> (i32, i32) {
    %c0_i32 = arith.constant 0 : i32
    %c0_i32_0 = arith.constant 0 : i32
    %c0_i32_1 = arith.constant 0 : i32
    return %c0_i32, %c0_i32_0 : i32, i32
  }
  func.func @transform_5(%arg0: i32) -> (i32, i32) {
    %c0_i32 = arith.constant 0 : i32
    %c0_i32_0 = arith.constant 0 : i32
    return %arg0, %c0_i32 : i32, i32
  }
  func.func @transform_6(%arg0: i32) -> (i32, i32) {
    %c0_i32 = arith.constant 0 : i32
    %c0_i32_0 = arith.constant 0 : i32
    %c0_i32_1 = arith.constant 0 : i32
    return %c0_i32, %c0_i32_0 : i32, i32
  }
  func.func @transform_7(%arg0: i32) -> (i32, i32) {
    %c0_i32 = arith.constant 0 : i32
    %c0_i32_0 = arith.constant 0 : i32
    %c0_i32_1 = arith.constant 0 : i32
    return %c0_i32, %c0_i32_0 : i32, i32
  }
}

module attributes {stable_mosaic.version = 14 : i64} {
  func.func @_norm_split_body(%arg0: i32, %arg1: memref<5000x64xf32, #tpu.memory_space<vmem>>, %arg2: memref<8x64xf32, #tpu.memory_space<vmem>>, %arg3: memref<8x64xf32, #tpu.memory_space<vmem>>, %arg4: memref<2x5000x32xf32, #tpu.memory_space<vmem>>) attributes {dimension_semantics = [#tpu.dimension_semantics<arbitrary>], iteration_bounds = array<i64: 10>, scalar_prefetch = 0 : i64, scratch_operands = 0 : i64, tpu.core_type = #tpu.core_type<tc>, window_params = [{transform_indices = @transform_0, window_bounds = array<i64: 5000, 64>}, {pipeline_mode = #tpu.pipeline_mode<synchronous>, transform_indices = @transform_1, window_bounds = array<i64: 8, 64>}, {pipeline_mode = #tpu.pipeline_mode<synchronous>, transform_indices = @transform_2, window_bounds = array<i64: 8, 64>}, {transform_indices = @transform_3, window_bounds = array<i64: 2, 5000, 32>}]} {
    %get3A = arith.constant 0 : index
    %get3A_0 = arith.constant 0 : index
    %get3A_1 = vector.load %arg1[%get3A, %get3A_0] : memref<5000x64xf32, #tpu.memory_space<vmem>>, vector<5000x64xf32>
    %get3A_2 = arith.constant 0 : index
    %get3A_3 = arith.constant 0 : index
    %get3A_4 = vector.load %arg2[%get3A_2, %get3A_3] : memref<8x64xf32, #tpu.memory_space<vmem>>, vector<1x64xf32>
    %mul3A = vector.broadcast %get3A_4 : vector<1x64xf32> to vector<5000x64xf32>
    %mul3A_5 = arith.mulf %get3A_1, %mul3A : vector<5000x64xf32>
    %get3A_6 = arith.constant 0 : index
    %get3A_7 = arith.constant 0 : index
    %get3A_8 = vector.load %arg3[%get3A_6, %get3A_7] : memref<8x64xf32, #tpu.memory_space<vmem>>, vector<1x64xf32>
    %add3A = vector.broadcast %get3A_8 : vector<1x64xf32> to vector<5000x64xf32>
    %add3A_9 = arith.addf %mul3A_5, %add3A : vector<5000x64xf32>
    %slice3A = vector.extract_strided_slice %add3A_9 {offsets = [0, 0], sizes = [5000, 32], strides = [1, 1]} : vector<5000x64xf32> to vector<5000x32xf32>
    %swap3A = arith.constant 0 : index
    %swap3A_10 = arith.constant 0 : index
    %swap3A_11 = arith.constant 0 : index
    %swap3A_12 = vector.load %arg4[%swap3A, %swap3A_10, %swap3A_11] : memref<2x5000x32xf32, #tpu.memory_space<vmem>>, vector<1x5000x32xf32>
    %swap3A_13 = vector.shape_cast %swap3A_12 : vector<1x5000x32xf32> to vector<5000x32xf32>
    %swap3A_14 = vector.shape_cast %slice3A : vector<5000x32xf32> to vector<1x5000x32xf32>
    tpu.vector_store %arg4[%swap3A, %swap3A_10, %swap3A_11], %swap3A_14 {strides = array<i32>} : memref<2x5000x32xf32, #tpu.memory_space<vmem>>, vector<1x5000x32xf32>,
    %slice3A_15 = vector.extract_strided_slice %add3A_9 {offsets = [0, 32], sizes = [5000, 32], strides = [1, 1]} : vector<5000x64xf32> to vector<5000x32xf32>
    %swap3A_16 = arith.constant 1 : index
    %swap3A_17 = arith.constant 0 : index
    %swap3A_18 = arith.constant 0 : index
    %swap3A_19 = vector.load %arg4[%swap3A_16, %swap3A_17, %swap3A_18] : memref<2x5000x32xf32, #tpu.memory_space<vmem>>, vector<1x5000x32xf32>
    %swap3A_20 = vector.shape_cast %swap3A_19 : vector<1x5000x32xf32> to vector<5000x32xf32>
    %swap3A_21 = vector.shape_cast %slice3A_15 : vector<5000x32xf32> to vector<1x5000x32xf32>
    tpu.vector_store %arg4[%swap3A_16, %swap3A_17, %swap3A_18], %swap3A_21 {strides = array<i32>} : memref<2x5000x32xf32, #tpu.memory_space<vmem>>, vector<1x5000x32xf32>,
    return
  }
  func.func @transform_0(%arg0: i32) -> (i32, i32) {
    %c0_i32 = arith.constant 0 : i32
    %c0_i32_0 = arith.constant 0 : i32
    return %arg0, %c0_i32 : i32, i32
  }
  func.func @transform_1(%arg0: i32) -> (i32, i32) {
    %c0_i32 = arith.constant 0 : i32
    %c0_i32_0 = arith.constant 0 : i32
    %c0_i32_1 = arith.constant 0 : i32
    return %c0_i32, %c0_i32_0 : i32, i32
  }
  func.func @transform_2(%arg0: i32) -> (i32, i32) {
    %c0_i32 = arith.constant 0 : i32
    %c0_i32_0 = arith.constant 0 : i32
    %c0_i32_1 = arith.constant 0 : i32
    return %c0_i32, %c0_i32_0 : i32, i32
  }
  func.func @transform_3(%arg0: i32) -> (i32, i32, i32) {
    %c0_i32 = arith.constant 0 : i32
    %c0_i32_0 = arith.constant 0 : i32
    %c0_i32_1 = arith.constant 0 : i32
    return %c0_i32, %arg0, %c0_i32_0 : i32, i32, i32
  }
}

module attributes {stable_mosaic.version = 14 : i64} {
  func.func @_res2_body(%arg0: i32, %arg1: memref<5000x64xf32, #tpu.memory_space<vmem>>, %arg2: memref<8x64xf32, #tpu.memory_space<vmem>>, %arg3: memref<8x64xf32, #tpu.memory_space<vmem>>, %arg4: memref<64x64xf32, #tpu.memory_space<vmem>>, %arg5: memref<1x64xf32, #tpu.memory_space<vmem>>, %arg6: memref<5000x64xf32, #tpu.memory_space<vmem>>) attributes {dimension_semantics = [#tpu.dimension_semantics<arbitrary>], iteration_bounds = array<i64: 10>, scalar_prefetch = 0 : i64, scratch_operands = 0 : i64, tpu.core_type = #tpu.core_type<tc>, window_params = [{transform_indices = @transform_0, window_bounds = array<i64: 5000, 64>}, {pipeline_mode = #tpu.pipeline_mode<synchronous>, transform_indices = @transform_1, window_bounds = array<i64: 8, 64>}, {pipeline_mode = #tpu.pipeline_mode<synchronous>, transform_indices = @transform_2, window_bounds = array<i64: 8, 64>}, {pipeline_mode = #tpu.pipeline_mode<synchronous>, transform_indices = @transform_3, window_bounds = array<i64: 64, 64>}, {pipeline_mode = #tpu.pipeline_mode<synchronous>, transform_indices = @transform_4, window_bounds = array<i64: 1, 64>}, {transform_indices = @transform_5, window_bounds = array<i64: 5000, 64>}]} {
    %get3A = arith.constant 0 : index
    %get3A_0 = arith.constant 0 : index
    %get3A_1 = vector.load %arg1[%get3A, %get3A_0] : memref<5000x64xf32, #tpu.memory_space<vmem>>, vector<5000x64xf32>
    %get3A_2 = arith.constant 0 : index
    %get3A_3 = arith.constant 0 : index
    %get3A_4 = vector.load %arg2[%get3A_2, %get3A_3] : memref<8x64xf32, #tpu.memory_space<vmem>>, vector<1x64xf32>
    %mul3A = vector.broadcast %get3A_4 : vector<1x64xf32> to vector<5000x64xf32>
    %mul3A_5 = arith.mulf %get3A_1, %mul3A : vector<5000x64xf32>
    %get3A_6 = arith.constant 0 : index
    %get3A_7 = arith.constant 0 : index
    %get3A_8 = vector.load %arg3[%get3A_6, %get3A_7] : memref<8x64xf32, #tpu.memory_space<vmem>>, vector<1x64xf32>
    %add3A = vector.broadcast %get3A_8 : vector<1x64xf32> to vector<5000x64xf32>
    %add3A_9 = arith.addf %mul3A_5, %add3A : vector<5000x64xf32>
    %get3A_10 = arith.constant 0 : index
    %get3A_11 = arith.constant 0 : index
    %get3A_12 = vector.load %arg4[%get3A_10, %get3A_11] : memref<64x64xf32, #tpu.memory_space<vmem>>, vector<64x64xf32>
    %dot_general3A = arith.constant dense<0.000000e+00> : vector<5000x64xf32>
    %dot_general3A_13 = tpu.matmul %add3A_9, %get3A_12, %dot_general3A {dimension_numbers = #tpu.dot_dimension_numbers<[1], [0], [0], [1], [0, 0, 1, 1], [], []>, transpose_lhs_hint = false} : vector<5000x64xf32>, vector<64x64xf32>, vector<5000x64xf32> -> vector<5000x64xf32>
    %get3A_14 = arith.constant 0 : index
    %get3A_15 = arith.constant 0 : index
    %get3A_16 = vector.load %arg5[%get3A_14, %get3A_15] : memref<1x64xf32, #tpu.memory_space<vmem>>, vector<1x64xf32>
    %add3A_17 = vector.broadcast %get3A_16 : vector<1x64xf32> to vector<5000x64xf32>
    %add3A_18 = arith.addf %dot_general3A_13, %add3A_17 : vector<5000x64xf32>
    %max3A = arith.constant 0.000000e+00 : f32
    %max3A_19 = vector.broadcast %max3A : f32 to vector<5000x64xf32>
    %max3A_20 = arith.maximumf %add3A_18, %max3A_19 : vector<5000x64xf32>
    %swap3A = arith.constant 0 : index
    %swap3A_21 = arith.constant 0 : index
    %swap3A_22 = vector.load %arg6[%swap3A, %swap3A_21] : memref<5000x64xf32, #tpu.memory_space<vmem>>, vector<5000x64xf32>
    tpu.vector_store %arg6[%swap3A, %swap3A_21], %max3A_20 {strides = array<i32>} : memref<5000x64xf32, #tpu.memory_space<vmem>>, vector<5000x64xf32>,
    return
  }
  func.func @transform_0(%arg0: i32) -> (i32, i32) {
    %c0_i32 = arith.constant 0 : i32
    %c0_i32_0 = arith.constant 0 : i32
    return %arg0, %c0_i32 : i32, i32
  }
  func.func @transform_1(%arg0: i32) -> (i32, i32) {
    %c0_i32 = arith.constant 0 : i32
    %c0_i32_0 = arith.constant 0 : i32
    %c0_i32_1 = arith.constant 0 : i32
    return %c0_i32, %c0_i32_0 : i32, i32
  }
  func.func @transform_2(%arg0: i32) -> (i32, i32) {
    %c0_i32 = arith.constant 0 : i32
    %c0_i32_0 = arith.constant 0 : i32
    %c0_i32_1 = arith.constant 0 : i32
    return %c0_i32, %c0_i32_0 : i32, i32
  }
  func.func @transform_3(%arg0: i32) -> (i32, i32) {
    %c0_i32 = arith.constant 0 : i32
    %c0_i32_0 = arith.constant 0 : i32
    %c0_i32_1 = arith.constant 0 : i32
    return %c0_i32, %c0_i32_0 : i32, i32
  }
  func.func @transform_4(%arg0: i32) -> (i32, i32) {
    %c0_i32 = arith.constant 0 : i32
    %c0_i32_0 = arith.constant 0 : i32
    %c0_i32_1 = arith.constant 0 : i32
    return %c0_i32, %c0_i32_0 : i32, i32
  }
  func.func @transform_5(%arg0: i32) -> (i32, i32) {
    %c0_i32 = arith.constant 0 : i32
    %c0_i32_0 = arith.constant 0 : i32
    return %arg0, %c0_i32 : i32, i32
  }
}

module attributes {stable_mosaic.version = 14 : i64} {
  func.func @_post2_body(%arg0: i32, %arg1: memref<5000x128xf32, #tpu.memory_space<vmem>>, %arg2: memref<64x64xf32, #tpu.memory_space<vmem>>, %arg3: memref<1x64xf32, #tpu.memory_space<vmem>>, %arg4: memref<5000x64xf32, #tpu.memory_space<vmem>>, %arg5: memref<8x64xf32, #tpu.memory_space<vmem>>, %arg6: memref<8x64xf32, #tpu.memory_space<vmem>>, %arg7: memref<5000x64xf32, #tpu.memory_space<vmem>>, %arg8: memref<8x64xf32, #tpu.memory_space<vmem>>, %arg9: memref<8x64xf32, #tpu.memory_space<vmem>>, %arg10: memref<8x64xf32, #tpu.memory_space<vmem>>, %arg11: memref<8x64xf32, #tpu.memory_space<vmem>>) attributes {dimension_semantics = [#tpu.dimension_semantics<arbitrary>], iteration_bounds = array<i64: 10>, scalar_prefetch = 0 : i64, scratch_operands = 2 : i64, tpu.core_type = #tpu.core_type<tc>, window_params = [{transform_indices = @transform_0, window_bounds = array<i64: 5000, 128>}, {pipeline_mode = #tpu.pipeline_mode<synchronous>, transform_indices = @transform_1, window_bounds = array<i64: 64, 64>}, {pipeline_mode = #tpu.pipeline_mode<synchronous>, transform_indices = @transform_2, window_bounds = array<i64: 1, 64>}, {transform_indices = @transform_3, window_bounds = array<i64: 5000, 64>}, {pipeline_mode = #tpu.pipeline_mode<synchronous>, transform_indices = @transform_4, window_bounds = array<i64: 8, 64>}, {pipeline_mode = #tpu.pipeline_mode<synchronous>, transform_indices = @transform_5, window_bounds = array<i64: 8, 64>}, {transform_indices = @transform_6, window_bounds = array<i64: 5000, 64>}, {pipeline_mode = #tpu.pipeline_mode<synchronous>, transform_indices = @transform_7, window_bounds = array<i64: 8, 64>}, {pipeline_mode = #tpu.pipeline_mode<synchronous>, transform_indices = @transform_8, window_bounds = array<i64: 8, 64>}]} {
    %get3A = arith.constant 0 : index
    %get3A_0 = arith.constant 0 : index
    %get3A_1 = vector.load %arg1[%get3A, %get3A_0] : memref<5000x128xf32, #tpu.memory_space<vmem>>, vector<5000x64xf32>
    %get3A_2 = arith.constant 0 : index
    %get3A_3 = arith.constant 0 : index
    %get3A_4 = vector.load %arg2[%get3A_2, %get3A_3] : memref<64x64xf32, #tpu.memory_space<vmem>>, vector<64x64xf32>
    %dot_general3A = arith.constant dense<0.000000e+00> : vector<5000x64xf32>
    %dot_general3A_5 = tpu.matmul %get3A_1, %get3A_4, %dot_general3A {dimension_numbers = #tpu.dot_dimension_numbers<[1], [0], [0], [1], [0, 0, 1, 1], [], []>, transpose_lhs_hint = false} : vector<5000x64xf32>, vector<64x64xf32>, vector<5000x64xf32> -> vector<5000x64xf32>
    %get3A_6 = arith.constant 0 : index
    %get3A_7 = arith.constant 0 : index
    %get3A_8 = vector.load %arg3[%get3A_6, %get3A_7] : memref<1x64xf32, #tpu.memory_space<vmem>>, vector<1x64xf32>
    %add3A = vector.broadcast %get3A_8 : vector<1x64xf32> to vector<5000x64xf32>
    %add3A_9 = arith.addf %dot_general3A_5, %add3A : vector<5000x64xf32>
    %max3A = arith.constant 0.000000e+00 : f32
    %max3A_10 = vector.broadcast %max3A : f32 to vector<5000x64xf32>
    %max3A_11 = arith.maximumf %add3A_9, %max3A_10 : vector<5000x64xf32>
    %get3A_12 = arith.constant 0 : index
    %get3A_13 = arith.constant 0 : index
    %get3A_14 = vector.load %arg4[%get3A_12, %get3A_13] : memref<5000x64xf32, #tpu.memory_space<vmem>>, vector<5000x64xf32>
    %add3A_15 = arith.addf %max3A_11, %get3A_14 : vector<5000x64xf32>
    %swap3A = arith.constant 0 : index
    %swap3A_16 = arith.constant 0 : index
    %swap3A_17 = vector.load %arg7[%swap3A, %swap3A_16] : memref<5000x64xf32, #tpu.memory_space<vmem>>, vector<5000x64xf32>
    tpu.vector_store %arg7[%swap3A, %swap3A_16], %add3A_15 {strides = array<i32>} : memref<5000x64xf32, #tpu.memory_space<vmem>>, vector<5000x64xf32>,
    %eq3A = arith.constant 0 : i32
    %eq3A_18 = arith.cmpi eq, %arg0, %eq3A : i32
    %convert_element_type3A = arith.extui %eq3A_18 : i1 to i32
    %cond3A = arith.constant 0 : i32
    %cond3A_19 = arith.cmpi ne, %convert_element_type3A, %cond3A : i32
    scf.if %cond3A_19 {
      %broadcast_in_dim3A_47 = arith.constant 0.000000e+00 : f32
      %broadcast_in_dim3A_48 = vector.broadcast %broadcast_in_dim3A_47 : f32 to vector<8x64xf32>
      %swap3A_49 = arith.constant 0 : index
      %swap3A_50 = arith.constant 0 : index
      %swap3A_51 = vector.load %arg10[%swap3A_49, %swap3A_50] : memref<8x64xf32, #tpu.memory_space<vmem>>, vector<8x64xf32>
      tpu.vector_store %arg10[%swap3A_49, %swap3A_50], %broadcast_in_dim3A_48 {strides = array<i32>} : memref<8x64xf32, #tpu.memory_space<vmem>>, vector<8x64xf32>,
      %broadcast_in_dim3A_52 = arith.constant 0.000000e+00 : f32
      %broadcast_in_dim3A_53 = vector.broadcast %broadcast_in_dim3A_52 : f32 to vector<8x64xf32>
      %swap3A_54 = arith.constant 0 : index
      %swap3A_55 = arith.constant 0 : index
      %swap3A_56 = vector.load %arg11[%swap3A_54, %swap3A_55] : memref<8x64xf32, #tpu.memory_space<vmem>>, vector<8x64xf32>
      tpu.vector_store %arg11[%swap3A_54, %swap3A_55], %broadcast_in_dim3A_53 {strides = array<i32>} : memref<8x64xf32, #tpu.memory_space<vmem>>, vector<8x64xf32>,
    } else {
    }
    %get3A_20 = arith.constant 0 : index
    %get3A_21 = arith.constant 0 : index
    %get3A_22 = vector.load %arg10[%get3A_20, %get3A_21] : memref<8x64xf32, #tpu.memory_space<vmem>>, vector<8x64xf32>
    %reduce_sum3A = arith.constant dense<0.000000e+00> : vector<64xf32>
    %reduce_sum3A_23 = vector.multi_reduction <add>, %add3A_15, %reduce_sum3A [0] : vector<5000x64xf32> to vector<64xf32>
    %broadcast_in_dim3A = vector.shape_cast %reduce_sum3A_23 : vector<64xf32> to vector<1x64xf32>
    %broadcast_in_dim3A_24 = vector.shape_cast %broadcast_in_dim3A : vector<1x64xf32> to vector<1x64xf32>
    %broadcast_in_dim3A_25 = vector.broadcast %broadcast_in_dim3A_24 : vector<1x64xf32> to vector<8x64xf32>
    %add3A_26 = arith.addf %get3A_22, %broadcast_in_dim3A_25 : vector<8x64xf32>
    %swap3A_27 = arith.constant 0 : index
    %swap3A_28 = arith.constant 0 : index
    %swap3A_29 = vector.load %arg10[%swap3A_27, %swap3A_28] : memref<8x64xf32, #tpu.memory_space<vmem>>, vector<8x64xf32>
    tpu.vector_store %arg10[%swap3A_27, %swap3A_28], %add3A_26 {strides = array<i32>} : memref<8x64xf32, #tpu.memory_space<vmem>>, vector<8x64xf32>,
    %get3A_30 = arith.constant 0 : index
    %get3A_31 = arith.constant 0 : index
    %get3A_32 = vector.load %arg11[%get3A_30, %get3A_31] : memref<8x64xf32, #tpu.memory_space<vmem>>, vector<8x64xf32>
    %mul3A = arith.mulf %add3A_15, %add3A_15 : vector<5000x64xf32>
    %reduce_sum3A_33 = arith.constant dense<0.000000e+00> : vector<64xf32>
    %reduce_sum3A_34 = vector.multi_reduction <add>, %mul3A, %reduce_sum3A_33 [0] : vector<5000x64xf32> to vector<64xf32>
    %broadcast_in_dim3A_35 = vector.shape_cast %reduce_sum3A_34 : vector<64xf32> to vector<1x64xf32>
    %broadcast_in_dim3A_36 = vector.shape_cast %broadcast_in_dim3A_35 : vector<1x64xf32> to vector<1x64xf32>
    %broadcast_in_dim3A_37 = vector.broadcast %broadcast_in_dim3A_36 : vector<1x64xf32> to vector<8x64xf32>
    %add3A_38 = arith.addf %get3A_32, %broadcast_in_dim3A_37 : vector<8x64xf32>
    %swap3A_39 = arith.constant 0 : index
    %swap3A_40 = arith.constant 0 : index
    %swap3A_41 = vector.load %arg11[%swap3A_39, %swap3A_40] : memref<8x64xf32, #tpu.memory_space<vmem>>, vector<8x64xf32>
    tpu.vector_store %arg11[%swap3A_39, %swap3A_40], %add3A_38 {strides = array<i32>} : memref<8x64xf32, #tpu.memory_space<vmem>>, vector<8x64xf32>,
    %eq3A_42 = arith.constant 9 : i32
    %eq3A_43 = arith.cmpi eq, %arg0, %eq3A_42 : i32
    %convert_element_type3A_44 = arith.extui %eq3A_43 : i1 to i32
    %cond3A_45 = arith.constant 0 : i32
    %cond3A_46 = arith.cmpi ne, %convert_element_type3A_44, %cond3A_45 : i32
    scf.if %cond3A_46 {
      %get3A_47 = arith.constant 0 : index
      %get3A_48 = arith.constant 0 : index
      %get3A_49 = vector.load %arg10[%get3A_47, %get3A_48] : memref<8x64xf32, #tpu.memory_space<vmem>>, vector<8x64xf32>
      %mul3A_50 = arith.constant 2.000000e-05 : f32
      %mul3A_51 = vector.broadcast %mul3A_50 : f32 to vector<8x64xf32>
      %mul3A_52 = arith.mulf %get3A_49, %mul3A_51 : vector<8x64xf32>
      %get3A_53 = arith.constant 0 : index
      %get3A_54 = arith.constant 0 : index
      %get3A_55 = vector.load %arg11[%get3A_53, %get3A_54] : memref<8x64xf32, #tpu.memory_space<vmem>>, vector<8x64xf32>
      %mul3A_56 = arith.constant 2.000000e-05 : f32
      %mul3A_57 = vector.broadcast %mul3A_56 : f32 to vector<8x64xf32>
      %mul3A_58 = arith.mulf %get3A_55, %mul3A_57 : vector<8x64xf32>
      %mul3A_59 = arith.mulf %mul3A_52, %mul3A_52 : vector<8x64xf32>
      %sub3A = arith.subf %mul3A_58, %mul3A_59 : vector<8x64xf32>
      %get3A_60 = arith.constant 0 : index
      %get3A_61 = arith.constant 0 : index
      %get3A_62 = vector.load %arg5[%get3A_60, %get3A_61] : memref<8x64xf32, #tpu.memory_space<vmem>>, vector<8x64xf32>
      %add3A_63 = arith.constant 9.99999974E-6 : f32
      %add3A_64 = vector.broadcast %add3A_63 : f32 to vector<8x64xf32>
      %add3A_65 = arith.addf %sub3A, %add3A_64 : vector<8x64xf32>
      %rsqrt3A = math.rsqrt %add3A_65 : vector<8x64xf32>
      %mul3A_66 = arith.mulf %get3A_62, %rsqrt3A : vector<8x64xf32>
      %swap3A_67 = arith.constant 0 : index
      %swap3A_68 = arith.constant 0 : index
      %swap3A_69 = vector.load %arg8[%swap3A_67, %swap3A_68] : memref<8x64xf32, #tpu.memory_space<vmem>>, vector<8x64xf32>
      tpu.vector_store %arg8[%swap3A_67, %swap3A_68], %mul3A_66 {strides = array<i32>} : memref<8x64xf32, #tpu.memory_space<vmem>>, vector<8x64xf32>,
      %get3A_70 = arith.constant 0 : index
      %get3A_71 = arith.constant 0 : index
      %get3A_72 = vector.load %arg6[%get3A_70, %get3A_71] : memref<8x64xf32, #tpu.memory_space<vmem>>, vector<8x64xf32>
      %mul3A_73 = arith.mulf %mul3A_52, %mul3A_66 : vector<8x64xf32>
      %sub3A_74 = arith.subf %get3A_72, %mul3A_73 : vector<8x64xf32>
      %swap3A_75 = arith.constant 0 : index
      %swap3A_76 = arith.constant 0 : index
      %swap3A_77 = vector.load %arg9[%swap3A_75, %swap3A_76] : memref<8x64xf32, #tpu.memory_space<vmem>>, vector<8x64xf32>
      tpu.vector_store %arg9[%swap3A_75, %swap3A_76], %sub3A_74 {strides = array<i32>} : memref<8x64xf32, #tpu.memory_space<vmem>>, vector<8x64xf32>,
    } else {
    }
    return
  }
  func.func @transform_0(%arg0: i32) -> (i32, i32) {
    %c0_i32 = arith.constant 0 : i32
    %c0_i32_0 = arith.constant 0 : i32
    return %arg0, %c0_i32 : i32, i32
  }
  func.func @transform_1(%arg0: i32) -> (i32, i32) {
    %c0_i32 = arith.constant 0 : i32
    %c0_i32_0 = arith.constant 0 : i32
    %c0_i32_1 = arith.constant 0 : i32
    return %c0_i32, %c0_i32_0 : i32, i32
  }
  func.func @transform_2(%arg0: i32) -> (i32, i32) {
    %c0_i32 = arith.constant 0 : i32
    %c0_i32_0 = arith.constant 0 : i32
    %c0_i32_1 = arith.constant 0 : i32
    return %c0_i32, %c0_i32_0 : i32, i32
  }
  func.func @transform_3(%arg0: i32) -> (i32, i32) {
    %c0_i32 = arith.constant 0 : i32
    %c0_i32_0 = arith.constant 0 : i32
    return %arg0, %c0_i32 : i32, i32
  }
  func.func @transform_4(%arg0: i32) -> (i32, i32) {
    %c0_i32 = arith.constant 0 : i32
    %c0_i32_0 = arith.constant 0 : i32
    %c0_i32_1 = arith.constant 0 : i32
    return %c0_i32, %c0_i32_0 : i32, i32
  }
  func.func @transform_5(%arg0: i32) -> (i32, i32) {
    %c0_i32 = arith.constant 0 : i32
    %c0_i32_0 = arith.constant 0 : i32
    %c0_i32_1 = arith.constant 0 : i32
    return %c0_i32, %c0_i32_0 : i32, i32
  }
  func.func @transform_6(%arg0: i32) -> (i32, i32) {
    %c0_i32 = arith.constant 0 : i32
    %c0_i32_0 = arith.constant 0 : i32
    return %arg0, %c0_i32 : i32, i32
  }
  func.func @transform_7(%arg0: i32) -> (i32, i32) {
    %c0_i32 = arith.constant 0 : i32
    %c0_i32_0 = arith.constant 0 : i32
    %c0_i32_1 = arith.constant 0 : i32
    return %c0_i32, %c0_i32_0 : i32, i32
  }
  func.func @transform_8(%arg0: i32) -> (i32, i32) {
    %c0_i32 = arith.constant 0 : i32
    %c0_i32_0 = arith.constant 0 : i32
    %c0_i32_1 = arith.constant 0 : i32
    return %c0_i32, %c0_i32_0 : i32, i32
  }
}

module attributes {stable_mosaic.version = 14 : i64} {
  func.func @_norm_body(%arg0: i32, %arg1: memref<5000x64xf32, #tpu.memory_space<vmem>>, %arg2: memref<8x64xf32, #tpu.memory_space<vmem>>, %arg3: memref<8x64xf32, #tpu.memory_space<vmem>>, %arg4: memref<5000x64xf32, #tpu.memory_space<vmem>>) attributes {dimension_semantics = [#tpu.dimension_semantics<arbitrary>], iteration_bounds = array<i64: 10>, scalar_prefetch = 0 : i64, scratch_operands = 0 : i64, tpu.core_type = #tpu.core_type<tc>, window_params = [{transform_indices = @transform_0, window_bounds = array<i64: 5000, 64>}, {pipeline_mode = #tpu.pipeline_mode<synchronous>, transform_indices = @transform_1, window_bounds = array<i64: 8, 64>}, {pipeline_mode = #tpu.pipeline_mode<synchronous>, transform_indices = @transform_2, window_bounds = array<i64: 8, 64>}, {transform_indices = @transform_3, window_bounds = array<i64: 5000, 64>}]} {
    %get3A = arith.constant 0 : index
    %get3A_0 = arith.constant 0 : index
    %get3A_1 = vector.load %arg1[%get3A, %get3A_0] : memref<5000x64xf32, #tpu.memory_space<vmem>>, vector<5000x64xf32>
    %get3A_2 = arith.constant 0 : index
    %get3A_3 = arith.constant 0 : index
    %get3A_4 = vector.load %arg2[%get3A_2, %get3A_3] : memref<8x64xf32, #tpu.memory_space<vmem>>, vector<1x64xf32>
    %mul3A = vector.broadcast %get3A_4 : vector<1x64xf32> to vector<5000x64xf32>
    %mul3A_5 = arith.mulf %get3A_1, %mul3A : vector<5000x64xf32>
    %get3A_6 = arith.constant 0 : index
    %get3A_7 = arith.constant 0 : index
    %get3A_8 = vector.load %arg3[%get3A_6, %get3A_7] : memref<8x64xf32, #tpu.memory_space<vmem>>, vector<1x64xf32>
    %add3A = vector.broadcast %get3A_8 : vector<1x64xf32> to vector<5000x64xf32>
    %add3A_9 = arith.addf %mul3A_5, %add3A : vector<5000x64xf32>
    %swap3A = arith.constant 0 : index
    %swap3A_10 = arith.constant 0 : index
    %swap3A_11 = vector.load %arg4[%swap3A, %swap3A_10] : memref<5000x64xf32, #tpu.memory_space<vmem>>, vector<5000x64xf32>
    tpu.vector_store %arg4[%swap3A, %swap3A_10], %add3A_9 {strides = array<i32>} : memref<5000x64xf32, #tpu.memory_space<vmem>>, vector<5000x64xf32>,
    return
  }
  func.func @transform_0(%arg0: i32) -> (i32, i32) {
    %c0_i32 = arith.constant 0 : i32
    %c0_i32_0 = arith.constant 0 : i32
    return %arg0, %c0_i32 : i32, i32
  }
  func.func @transform_1(%arg0: i32) -> (i32, i32) {
    %c0_i32 = arith.constant 0 : i32
    %c0_i32_0 = arith.constant 0 : i32
    %c0_i32_1 = arith.constant 0 : i32
    return %c0_i32, %c0_i32_0 : i32, i32
  }
  func.func @transform_2(%arg0: i32) -> (i32, i32) {
    %c0_i32 = arith.constant 0 : i32
    %c0_i32_0 = arith.constant 0 : i32
    %c0_i32_1 = arith.constant 0 : i32
    return %c0_i32, %c0_i32_0 : i32, i32
  }
  func.func @transform_3(%arg0: i32) -> (i32, i32) {
    %c0_i32 = arith.constant 0 : i32
    %c0_i32_0 = arith.constant 0 : i32
    return %arg0, %c0_i32 : i32, i32
  }
}

</mosaic_0001>

<sc_bundles>
// kernel: kernel.11.cloned.1.call-start
scs
__scs_entry_jumppad:
0x0: {  	(pc) =	sbr.rel $0x88, $3  }
0x1: {  	(tag) =	ssettag $0x0;
	lr =	simm.s32 $0x1  }
0x2: {  	[smem:$0x3F93] =	sst lr;
	_ =	strace $0xD0000000  }
0x3: {  	_ = 	snop  }
0x4: {  	_ = 	snop  }
0x5: {  	_ = 	snop  }
0x6: {  	_ = 	snop  }
0x7: {  	_ = 	snop  }
__scs_overlays_trampoline_lowered:
0x8: {  	[smem:$0x3FA2] =	sst s0  }
0x9: {  	[smem:$0x3FA3] =	sst s1  }
0xa: {  	[smem:$0x3FA4] =	sst s2  }
0xb: {  	[smem:$0x3FA5] =	sst s3  }
0xc: {  	[smem:$0x3FA6] =	sst s4  }
0xd: {  	[smem:$0x3FA7] =	sst s5  }
0xe: {  	[smem:$0x3FA8] =	sst s6  }
0xf: {  	[smem:$0x3FA9] =	sst s7  }
0x10: {  	[smem:$0x3FAA] =	sst s8  }
0x11: {  	[smem:$0x3FAB] =	sst s9;
	s0 =	simm.s32 @!p0 $0x0  }
0x12: {  	s1 =	sld [smem:$0x3F91];
	s0 =	simm.s32 @p0 $0x1  }
0x13: {  	[smem:$0x3FAC] =	sst s0;
	s0 =	simm.s32 @!p1 $0x0  }
0x14: {  	s2 =	sld [smem:$0x3F90];
	s0 =	simm.s32 @p1 $0x1  }
0x15: {  	[smem:$0x3FAD] =	sst s0;
	s0 =	simm.s32 @!p2 $0x0  }
0x16: {  	s3 =	sld [smem:$0x3FDB];
	s0 =	simm.s32 @p2 $0x1  }
0x17: {  	s4 =	simm.s32 $0x1BF5;
	[smem:$0x3FAF] =	sst s0  }
0x18: {  	s0 =	sld [smem:$0x3F92];
	_ =	swait.ge [sflag:s4], $0x0  }
0x19: {  	s7 =	sld [smem:$0x3F93]  }
0x1a: {  	s8 =	sadd.s32 $0xFFFFE003, lr  }
0x1b: {  	s9 =	sadd.s32 $0xFFFFFEF7, lr;
	s5 =	simm.s32 $0xFFFFFFFF;
	p2 =	slt.u32 s8, $0xFFFFF086  }
0x1c: {  	p1 =	slt.u32 s9, $0xF7A;
	s5 =	simm.s32 @!p2 $0x0  }
0x1d: {  	s5 =	simm.s32 @p1 $0x1;
	p0 =	seq.s32 s7, s2  }
0x1e: {  	s7 =	smul.u32 @!p0 $0xF7A, s2;
	p2 =	seq.s32 @!p0 s5, $0x0  }
0x1f: {  	s9 =	smul.u32 $0xF7A, s1;
	s8 =	simm.s32 @!p0 $0x1BF5;
	p2 =	por !p2, p0  }
0x20: {  	[sflag:s8] =	ssyncset.s32 @!p0 $0xFFFFF086;
	s6 =	sadd.s32 @!p0 s3, s7;
	s7 =	simm.s32 @!p0 $0x108  }
0x21: {  	s3 =	sadd.s32 s3, s9;
	s6 =	sadd.s32 @!p0 $0x88, s6;
	s7 =	simm.s32 @p2 $0x1082  }
0x22: {  	[simem:s7], [sflag:s8] =	dma.local @!p0 [hbm:s6], $0xF7A  }
0x23: {  	s9 =	sor.u32 $0xD0000000, s2;
	s6 =	simm.s32 $0x108;
	_ =	swait.ge @!p0 [sflag:s8], $0x0  }
0x24: {  	s3 =	sadd.s32 $0x88, s3;
	s6 =	simm.s32 @!p1 $0x1082;
	[sflag:s4] =	ssyncset.s32 $0xFFFFF086  }
0x25: {  	[simem:s6], [sflag:s4] =	dma.local [hbm:s3], $0xF7A  }
0x26: {  	[smem:$0x3F93] =	sst s1;
	(tag) =	ssettag s2;
	_ =	strace s9  }
0x27: {  	s1 =	sld [smem:$0x3FA3]  }
0x28: {  	s2 =	sld [smem:$0x3FA4]  }
0x29: {  	s4 =	sld [smem:$0x3FA6]  }
0x2a: {  	p0 =	seq.s32 s5, $0x0;
	s5 =	sld [smem:$0x3FA7]  }
0x2b: {  	s6 =	sld [smem:$0x3FA8]  }
0x2c: {  	s7 =	sld [smem:$0x3FA9]  }
0x2d: {  	s3 =	simm.s32 $0x108;
	s8 =	sld [smem:$0x3FAA]  }
0x2e: {  	s3 =	simm.s32 @!p0 $0x1082;
	s9 =	sld [smem:$0x3FAB]  }
0x2f: {  	lr =	sadd.s32 s0, s3;
	s0 =	sld [smem:$0x3FA2]  }
0x30: {  	s3 =	sld [smem:$0x3FA5]  }
0x31: {  	[smem:$0x3FAE] =	sst s10  }
0x32: {  	s10 =	sld [smem:$0x3FAC];
	_ =	sdelay $0x3  }
0x33: {  	p0 =	seq.s32 s10, $0x1;
	s10 =	sld [smem:$0x3FAE];
	_ =	sdelay $0x3  }
0x34: {  	[smem:$0x3FAE] =	sst s10  }
0x35: {  	s10 =	sld [smem:$0x3FAD];
	_ =	sdelay $0x3  }
0x36: {  	p1 =	seq.s32 s10, $0x1;
	s10 =	sld [smem:$0x3FAE];
	_ =	sdelay $0x3  }
0x37: {  	[smem:$0x3FAE] =	sst s10  }
0x38: {  	s10 =	sld [smem:$0x3FAF]  }
0x39: {  	_ = 	snop;
	(pc) =	sbr.ind lr, $3  }
0x3a: {  	_ = 	snop  }
0x3b: {  	_ = 	snop  }
0x3c: {  	p2 =	seq.s32 s10, $0x1;
	s10 =	sld [smem:$0x3FAE]  }
0x3d: {  	_ =	shalt  }
0x3e: {  	_ =	shalt  }
0x3f: {  	_ =	shalt  }
0x40: {  	_ =	shalt  }
0x41: {  	_ =	shalt  }
0x42: {  	_ =	shalt  }
0x43: {  	_ =	shalt  }
0x44: {  	_ =	shalt  }
0x45: {  	_ =	shalt  }
0x46: {  	_ =	shalt  }
0x47: {  	_ =	shalt  }
0x48: {  	_ =	shalt  }
0x49: {  	_ =	shalt  }
0x4a: {  	_ =	shalt  }
0x4b: {  	_ =	shalt  }
0x4c: {  	_ =	shalt  }
0x4d: {  	_ =	shalt  }
0x4e: {  	_ =	shalt  }
0x4f: {  	_ =	shalt  }
0x50: {  	_ =	shalt  }
0x51: {  	_ =	shalt  }
0x52: {  	_ =	shalt  }
0x53: {  	_ =	shalt  }
0x54: {  	_ =	shalt  }
0x55: {  	_ =	shalt  }
0x56: {  	_ =	shalt  }
0x57: {  	_ =	shalt  }
0x58: {  	_ =	shalt  }
0x59: {  	_ =	shalt  }
0x5a: {  	_ =	shalt  }
0x5b: {  	_ =	shalt  }
0x5c: {  	_ =	shalt  }
0x5d: {  	_ =	shalt  }
0x5e: {  	_ =	shalt  }
0x5f: {  	_ =	shalt  }
0x60: {  	_ =	shalt  }
0x61: {  	_ =	shalt  }
0x62: {  	_ =	shalt  }
0x63: {  	_ =	shalt  }
0x64: {  	_ =	shalt  }
0x65: {  	_ =	shalt  }
0x66: {  	_ =	shalt  }
0x67: {  	_ =	shalt  }
0x68: {  	_ =	shalt  }
0x69: {  	_ =	shalt  }
0x6a: {  	_ =	shalt  }
0x6b: {  	_ =	shalt  }
0x6c: {  	_ =	shalt  }
0x6d: {  	_ =	shalt  }
0x6e: {  	_ =	shalt  }
0x6f: {  	_ =	shalt  }
0x70: {  	_ =	shalt  }
0x71: {  	_ =	shalt  }
0x72: {  	_ =	shalt  }
0x73: {  	_ =	shalt  }
0x74: {  	_ =	shalt  }
0x75: {  	_ =	shalt  }
0x76: {  	_ =	shalt  }
0x77: {  	_ =	shalt  }
0x78: {  	_ =	shalt  }
0x79: {  	_ =	shalt  }
0x7a: {  	_ =	shalt  }
0x7b: {  	_ =	shalt  }
0x7c: {  	_ =	shalt  }
0x7d: {  	_ =	shalt  }
0x7e: {  	_ =	shalt  }
0x7f: {  	_ =	shalt  }
0x80: {  	_ =	shalt  }
0x81: {  	_ =	shalt  }
0x82: {  	_ =	shalt  }
0x83: {  	_ =	shalt  }
0x84: {  	_ =	shalt  }
0x85: {  	_ =	shalt  }
0x86: {  	_ =	shalt  }
0x87: {  	_ =	shalt  }
.Lfunc_end0:
.L_simem_size_0:
called_computation_lowered:
.L_overlay_start_0:
0x88: {  	s2 =	sld [smem:$0x3FD9]  }
0x89: {  	s3 =	sld [smem:$0x3FFE];
	_ =	sdelay $0x1  }
0x8a: {  	s1 =	srdreg.scid  }
0x8b: {  	s0 =	sand.u32 $0x1, s1  }
0x8c: {  	s17 =	sshll.u32 s0, $0xA;
	s2 =	sadd.s32 s3, s2  }
0x8d: {  	s2 =	sadd.s32 s2, s17  }
0x8e: {  	[smem:$0x3FBA] =	sst s2  }
0x8f: {  	_ = 	snop  }
0x90: {  	s2 =	sld [smem:$0x3FD0];
	(tm) =	ssettm $0x1  }
0x91: {  	s18 =	sld [smem:$0x3FFB];
	_ =	sdelay $0x3  }
0x92: {  	_ =	strace s18  }
0x93: {  	s3 =	sld [smem:$0x3FFC];
	_ =	sdelay $0x3  }
0x94: {  	_ =	strace s3  }
0x95: {  	s3 =	sld [smem:$0x3FFD];
	_ =	sdelay $0x3  }
0x96: {  	_ =	strace s3  }
0x97: {  	_ =	strace $0x8FFFFFFF  }
0x98: {  	s19 =	sld [smem:$0x3FDB];
	_ =	sdelay $0x1  }
0x99: {  	s4 =	simm.s32 $_scs_section_size  }
0x9a: {  	s5 =	simm.s32 $_size__tile_overlayer_lowered;
	s6 =	simm.s32 $_tile_overlayer_lowered  }
0x9b: {  	s22 =	simm.s32 $0x1BFF;
	s21 =	sshll.u32 s6, $0x1;
	s3 =	sadd.s32 s4, s19  }
0x9c: {  	s7 =	simm.s32 $0x0;
	s20 =	sshll.u32 s5, $0x1;
	s5 =	sadd.s32 s21, s3  }
0x9d: {  	[timem:s7], [sflag:s22] =	dma.local [hbm:s5], s20  }
0x9e: {  	_ =	swait.ge [sflag:s22], s20  }
0x9f: {  	s4 =	ssub.s32 $0x0, s20;
	[sflag:s22] =	ssyncset.done $0x0  }
0xa0: {  	[sflag:s22] =	ssyncadd.s32 s4;
	_ =	sdelay $0x1  }
0xa1: {  	s23 =	simm.s32 $0x1B8B  }
0xa2: {  	_ =	swait.ge [sflag:s23], $0x1  }
0xa3: {  	[sflag:s23] =	ssyncset.done $0x0  }
0xa4: {  	s25 =	simm.s32 $0x1B8E;
	s24 =	sld [smem:$0x3FFE];
	[sflag:s23] =	ssyncadd.s32 $0xFFFFFFFF  }
0xa5: {  	s26 =	simm.s32 $execute0_lowered;
	[smem:$0x3FD2] =	sst s25  }
0xa6: {  	s5 =	sshll.u32 s26, $0x1;
	_ =	strace $0x80000046;
	[dreg:$0x1] =	wrdreg $0xFFFFFFFF  }
0xa7: {  	s28 =	simm.s32 $_size_execute0_lowered;
	s3 =	sadd.s32 s3, s5;
	[dreg:$0x0] =	wrdreg $0x0  }
0xa8: {  	s5 =	sshll.u32 s28, $0x1;
	[dreg:$0x2] =	wrdreg s3  }
0xa9: {  	[dreg:$0x3] =	wrdreg s5  }
0xaa: {  	[dreg:$0x4] =	wrdreg $0xC0  }
0xab: {  	_ =	task [dreg:s7], $0x5FFFF  }
0xac: {  	[dreg:$0x1] =	wrdreg $0xFFFFFFFF  }
0xad: {  	[dreg:$0x0] =	wrdreg $0x60  }
0xae: {  	[dreg:$0x2] =	wrdreg s2  }
0xaf: {  	[dreg:$0x3] =	wrdreg s24  }
0xb0: {  	[dreg:$0x4] =	wrdreg $0x0  }
0xb1: {  	[dreg:$0x5] =	wrdreg $0x9  }
0xb2: {  	_ =	task.clear_ibuf [dreg:s7], $0x6FFFF;
	_ =	strace $0x90000046  }
0xb3: {  	s29 =	simm.s32 $0x9;
	_ =	strace $0x80000048  }
0xb4: {  	_ =	swait.ge [sflag:s29], $0x1  }
0xb5: {  	[sflag:s29] =	ssyncadd.s32 $0xFFFFFFFF  }
0xb6: {  	_ =	strace $0x90000048  }
0xb7: {  	_ =	sfence  }
0xb8: {  	s30 =	sld [smem:$0x0];
	_ =	sdelay $0x2  }
0xb9: {  	s31 =	sshll.u32 s1, $0xD;
	s1 =	sshrl.u32 s1, $0x2  }
0xba: {  	s3 =	sand.u32 $0x4000, s31;
	s1 =	sadd.s32 s1, s30  }
0xbb: {  	s0 =	sor.u32 s3, s0;
	s1 =	sshll.u32 s1, $0x11  }
0xbc: {  	s0 =	sor.u32 s1, s0  }
0xbd: {  	s0 =	sadd.s32 $0x8F2B, s0  }
0xbe: {  	[sflag:s0] =	ssyncadd.remote.s32 $0x1  }
0xbf: {  	_ =	sfence.sel $0xFFFF  }
0xc0: {  	[dreg:$0x0] =	wrdreg $0xFFFFFFFF;
	(pc) =	sbr.abs _section_cstart, $3  }
0xc1: {  	[dreg:$0x1] =	wrdreg $0xFFFFFFFF  }
0xc2: {  	_ =	task.clear_ibuf [dreg:s7], $0x2FFFF;
	_ =	strace $0x9FFFFFFF  }
0xc3: {  	(tm) =	ssettm $0x7FFFFFFF  }
tec
execute0_lowered:
.L_overlay_start_1:
0x0: {  	(tag) =	ssettag $0x1  }
0x1: {  	s0 =	rddreg [dreg:$0x0]  }
0x2: {  	s1 =	rddreg [dreg:$0x1]  }
0x3: {  	s2 =	rddreg [dreg:$0x2];
	s4 =	srdreg.scid  }
0x4: {  	s11 =	stileid.u32;
	s3 =	simm.s32 $0x0;
	s15 =	simm.s32 $0x4  }
0x5: {  	s16 =	simm.s32 $0x18700;
	s18 =	simm.s32 $0x80;
	s23 =	simm.s32 $0x1  }
0x6: {  	s24 =	simm.s32 $0x2;
	s26 =	simm.s32 $0x0;
	s9 =	sand.u32 $0x1, s4  }
0x7: {  	s8 =	smul.u32 $0x61C00, s11;
	[smem:$0x7FF] =	sst s3;
	s4 =	sadd.s32 $0x2400, s1  }
0x8: {  	p0 =	seq.s32 s11, $0xF;
	s5 =	sshll.u32 s9, $0x5;
	_ =	strace $0x80000047  }
0x9: {  	s7 =	ssub.s32 $0x2, s9;
	s12 =	smul.u32 $0x30D40, s9;
	s6 =	sor.u32 s5, s8  }
0xa: {  	s5 =	sadd.s32 $0x33400, s1;
	s10 =	sshrl.u32 s7, $0x1;
	s29 =	sshrl.u32 s8, $0x2  }
0xb: {  	s6 =	sshrl.u32 s6, $0x3;
	s13 =	ssub.s32 s7, s10;
	s7 =	simm.s32 $0x181  }
0xc: {  	s14 =	sadd.s32 s29, s2;
	s1 =	sadd.s32 s6, s1;
	s6 =	smul.u32 $0xC380, s11  }
0xd: {  	s7 =	simm.s32 @!p0 $0x187;
	s11 =	sshll.u32 s11, $0x6;
	s13 =	smax.u32 s13, $0x1  }
0xe: {  	s14 =	sshrl.u32 s14, $0x3;
	s9 =	sor.u32 $0x1C04, s11;
	s30 =	sshrl.u32 s6, $0x3  }
0xf: {  	s11 =	sadd.s32 s0, s12;
	s31 =	sshll.u32 s7, $0x9;
	s8 =	sadd.s32 s4, s30  }
0x10: {  	s12 =	sadd.s32 $0x36600, s1;
	[dreg:$0x4] =	wrdreg s31;
	s10 =	sadd.s32 $0x187A0, s8  }
.LBB2_1:
0x11: {  	[spmem:s14], [sflag:s9] =	dma.local [hbm:s5], $0x30E0  }
0x12: {  	_ =	swait.ge [sflag:s15], $0x30E0  }
0x13: {  	[sflag:s15] =	ssyncset.done $0x0  }
0x14: {  	[sflag:s15] =	ssyncadd.s32 $0xFFFFCF20  }
0x15: {  	[tilespmem:s16], [sflag:$0x4] =	stream.linear.gather [hbm4b:s8+s3], $0x800, $0x38;
	[tilespmem:$0x1F700] =	vst v63  }
0x16: {  	_ =	swait.ge [sflag:s15], $0x800  }
0x17: {  	[sflag:s15] =	ssyncset.done $0x0  }
0x18: {  	s0 =	simm.s32 $0x18F00;
	[sflag:s15] =	ssyncadd.s32 $0xFFFFF800  }
0x19: {  	[tilespmem:s0], [sflag:$0x4] =	stream.linear.gather [hbm4b:s10+s3], $0x800, $0x38;
	[tilespmem:$0x1F700] =	vst v63  }
0x1a: {  	_ =	swait.ge [sflag:s15], $0x800  }
0x1b: {  	[sflag:s15] =	ssyncset.done $0x0  }
0x1c: {  	s28 =	simm.s32 $0x1A700;
	s21 =	simm.s32 $0x18780;
	[sflag:s15] =	ssyncadd.s32 $0xFFFFF800  }
0x1d: {  	s1 =	simm.s32 $0x1B700;
	s22 =	simm.s32 $0x18800;
	[bflag:$0x0] =	sbarrier.arrive $0xFFFF  }
0x1e: {  	[tilespmem:s28], [sflag:$0x1] =	stream.indirect.gather [hbm4b:s11+s18], $0x20, s16, s18, $0xb8;
	[tilespmem:$0x1F700] =	vst v63  }
0x1f: {  	s25 =	simm.s32 $0x1C700;
	s29 =	simm.s32 $0x1D700;
	s30 =	simm.s32 $0x3  }
0x20: {  	[tilespmem:s1], [sflag:$0x1] =	stream.indirect.gather [hbm4b:s11+s18], $0x20, s21, s18, $0xb8;
	[tilespmem:$0x1F700] =	vst v63  }
0x21: {  	s31 =	simm.s32 $0xC00;
	s0 =	simm.s32 $0x0;
	s1 =	simm.s32 $0x0  }
0x22: {  	[tilespmem:s25], [sflag:$0x1] =	stream.indirect.gather [hbm4b:s11+s18], $0x20, s22, s18, $0xb8;
	[tilespmem:$0x1F700] =	vst v63  }
.LBB2_2:
0x23: {  	s17 =	sand.u32 $0xF, s1;
	p0 =	sgt.u32 s1, $0x17F  }
0x24: {  	p1 =	sne.s32 @!p0 s17, $0x0  }
0x25: {  	s17 =	sshrl.u32 s1, $0x4;
	p0 =	por p1, p0  }
0x26: {  	s19 =	sadd.s32 @!p0 $0x1, s17  }
0x27: {  	s20 =	sshll.u32 @!p0 s19, $0xB  }
0x28: {  	s19 =	sshll.u32 @!p0 s19, $0xC;
	s20 =	sadd.s32 @!p0 s6, s20  }
0x29: {  	s21 =	smulhi.u32 $0xCCCCCCCD, s1;
	s19 =	sand.u32 @!p0 $0x1000, s19;
	s20 =	sshrl.u32 @!p0 s20, $0x3  }
0x2a: {  	s25 =	simm.s32 @!p0 $0x0;
	s22 =	sor.u32 @!p0 $0x18700, s19;
	s20 =	sadd.s32 @!p0 s4, s20  }
0x2b: {  	[tilespmem:s22], [sflag:$0x3] =	stream.linear.gather @!p0 [hbm4b:s20+s25], $0x800, $0x38;
	[tilespmem:$0x1F700] =	vst v63  }
0x2c: {  	s21 =	sshrl.u32 s21, $0x2;
	s19 =	sor.u32 @!p0 $0x18F00, s19;
	s20 =	sadd.s32 @!p0 $0x187A0, s20  }
0x2d: {  	[tilespmem:s19], [sflag:$0x3] =	stream.linear.gather @!p0 [hbm4b:s20+s25], $0x800, $0x38;
	[tilespmem:$0x1F700] =	vst v63  }
0x2e: {  	s17 =	sshll.u32 s17, $0xC;
	s22 =	smul.u32 $0xFFFEC000, s21;
	s25 =	sand.u32 $0x1E00, s0  }
0x2f: {  	s17 =	sand.u32 $0x1000, s17;
	_ =	swait.ge [sflag:s23], $0x1000;
	s20 =	sshrl.u32 s25, $0x2  }
0x30: {  	s19 =	sshra.s32 s22, $0x2;
	[sflag:s23] =	ssyncset.done $0x0;
	s17 =	sor.u32 s20, s17  }
0x31: {  	s19 =	sadd.s32 s19, s28;
	[sflag:s23] =	ssyncadd.s32 $0xFFFFF000;
	s17 =	sadd.s32 $0x18F00, s17  }
0x32: {  	[spmem:s2] =	stream.indirect.scatter.add.f32 [tilespmem:s19], [sflag:$0x2], $0x20, s17, s18, $0xb8;
	[tilespmem:$0x1F700] =	vst v63  }
0x33: {  	s17 =	sadd.s32 $0x3, s1  }
0x34: {  	p0 =	sge.u32 s17, s7  }
0x35: {  	p1 =	slt.u32 @!p0 s1, $0x2  }
0x36: {  	p1 =	por p1, p0  }
0x37: {  	s21 =	smulhi.u32 $0xCCCCCCCD, s30;
	s19 =	simm.s32 @!p1 $0x2  }
0x38: {  	s17 =	sand.u32 @!p0 $0xF, s17;
	_ =	swait.ge @!p1 [sflag:s19], $0x1000  }
0x39: {  	s22 =	sshrl.u32 s21, $0x2;
	p2 =	sne.s32 @!p0 s17, $0x0;
	[sflag:s19] =	ssyncset.done @!p1 $0x0  }
0x3a: {  	s20 =	sadd.s32 @!p0 $0x600, s0;
	[sflag:s19] =	ssyncadd.s32 @!p1 $0xFFFFF000;
	p1 =	por p2, p0  }
0x3b: {  	s21 =	sand.u32 @!p0 $0x4000, s31;
	s17 =	smul.u32 $0xFFFEC000, s22;
	s19 =	simm.s32 @!p1 $0x3  }
0x3c: {  	s0 =	sadd.s32 $0x200, s0;
	s20 =	sand.u32 @!p0 $0x1E00, s20;
	_ =	swait.ge @!p1 [sflag:s19], $0x1000  }
0x3d: {  	s20 =	sor.u32 @!p0 s20, s21;
	s17 =	sshra.s32 s17, $0x2;
	[sflag:s19] =	ssyncset.done @!p1 $0x0  }
0x3e: {  	s17 =	sadd.s32 s17, s29;
	[sflag:s19] =	ssyncadd.s32 @!p1 $0xFFFFF000;
	s19 =	sshrl.u32 @!p0 s20, $0x2  }
0x3f: {  	s25 =	rddreg [dreg:$0x4];
	s20 =	simm.s32 @!p0 $0x80;
	s19 =	sadd.s32 @!p0 $0x18700, s19  }
0x40: {  	[tilespmem:s17], [sflag:$0x1] =	stream.indirect.gather @!p0 [hbm4b:s11+s20], $0x20, s19, s20, $0xb8;
	[tilespmem:$0x1F700] =	vst v63  }
0x41: {  	p0 =	sne.s32 s25, s0  }
.Ltmp0:
0x42: {  	_ = 	snop;
	(pc) =	sbr.rel @p0 .LBB2_2-.Ltmp0, $3  }
0x43: {  	_ =	sdelay $0x1  }
0x44: {  	s30 =	sadd.s32 $0x1, s30;
	s28 =	sadd.s32 $0x1000, s28  }
0x45: {  	s1 =	sadd.s32 $0x1, s1;
	s31 =	sadd.s32 $0x400, s31;
	s29 =	sadd.s32 $0x1000, s29  }
0x46: {  	_ =	swait.ge [sflag:s24], $0x1000  }
0x47: {  	[sflag:s24] =	ssyncset.done $0x0  }
0x48: {  	[sflag:s24] =	ssyncadd.s32 $0xFFFFF000  }
0x49: {  	_ =	swait.ge [sflag:s24], $0x1000  }
0x4a: {  	[sflag:s24] =	ssyncset.done $0x0  }
0x4b: {  	[sflag:s24] =	ssyncadd.s32 $0xFFFFF000  }
0x4c: {  	_ =	swait.ge [sflag:s24], $0x1000  }
0x4d: {  	[sflag:s24] =	ssyncset.done $0x0  }
0x4e: {  	[sflag:s24] =	ssyncadd.s32 $0xFFFFF000  }
0x4f: {  	_ =	swait.ge [sflag:s24], $0x1000  }
0x50: {  	[sflag:s24] =	ssyncset.done $0x0  }
0x51: {  	[sflag:s24] =	ssyncadd.s32 $0xFFFFF000  }
0x52: {  	_ =	swait.ge [sflag:s24], $0x1000  }
0x53: {  	s26 =	sadd.s32 $0x1, s26;
	[sflag:s24] =	ssyncset.done $0x0  }
0x54: {  	p0 =	sne.s32 s26, s13;
	[sflag:s24] =	ssyncadd.s32 $0xFFFFF000  }
.Ltmp1:
0x55: {  	s0 =	simm.s32 $0x10;
	[bflag:$0x0] =	sbarrier.arrive $0xFFFF;
	(pc) =	sbr.rel @p0 .LBB2_1-.Ltmp1, $4  }
0x56: {  	[hbm:s12@s0], [sflag:s9] =	dma.strided [spmem:s14@s15], $0x30E0, s23, $0x4   }
0x57: {  	_ =	swait.ge [sflag:s15], $0x30E0  }
0x58: {  	[sflag:s15] =	ssyncset.done $0x0  }
0x59: {  	[sflag:s15] =	ssyncadd.s32 $0xFFFFCF20  }
0x5a: {  	_ =	sfence.sel $0x180000  }
0x5b: {  	[bflag:$0x0] =	sbarrier.arrive $0xFFFF  }
0x5c: {  	_ =	strace $0x90000047  }
0x5d: {  	s0 =	stileid.u32;
	[bflag:$0x2] =	sbarrier.arrive $0xFFFF  }
0x5e: {  	p0 =	sne.s32 s0, $0x0;
	s0 =	rddreg [dreg:$0x3]  }
0x5f: {  	s0 =	sadd.s32 @!p0 $0x100000, s0  }
0x60: {  	[sflag:s0] =	ssyncadd.tile.s32 @!p0 $0x1;
	_ =	shalt  }
.Lfunc_end2:
_tile_overlayer_lowered:
.L_overlay_start_2:
0x61: {  	(tag) =	ssettag $0x2  }
0x62: {  	s0 =	rddreg [dreg:$0x0];
	s2 =	stileid.u32  }
0x63: {  	s1 =	rddreg [dreg:$0x1];
	p0 =	sne.s32 s2, $0x0  }
0x64: {  	s3 =	rddreg [dreg:$0x2];
	[bflag:$0x3] =	sbarrier.arrive $0xFFFF;
	s2 =	simm.s32 @!p0 $0x1C04  }
0x65: {  	[timem:s3], [sflag:s2] =	dma.local @!p0 [hbm:s0], s1  }
0x66: {  	s0 =	simm.s32 @!p0 $0x4  }
0x67: {  	_ =	swait.ge @!p0 [sflag:s0], s1  }
0x68: {  	s1 =	ssub.s32 @!p0 $0x0, s1;
	[sflag:s0] =	ssyncset.done @!p0 $0x0  }
0x69: {  	[sflag:s0] =	ssyncadd.s32 @!p0 s1  }
0x6a: {  	[bflag:$0x3] =	sbarrier.arrive $0xFFFF  }
0x6b: {  	_ =	shalt  }

// kernel: kernel.14.cloned.1.call-start
scs
__scs_entry_jumppad:
0x0: {  	(pc) =	sbr.rel $0x88, $3  }
0x1: {  	(tag) =	ssettag $0x0;
	lr =	simm.s32 $0x1  }
0x2: {  	[smem:$0x3F93] =	sst lr;
	_ =	strace $0xD0000000  }
0x3: {  	_ = 	snop  }
0x4: {  	_ = 	snop  }
0x5: {  	_ = 	snop  }
0x6: {  	_ = 	snop  }
0x7: {  	_ = 	snop  }
__scs_overlays_trampoline_lowered:
0x8: {  	[smem:$0x3FA2] =	sst s0  }
0x9: {  	[smem:$0x3FA3] =	sst s1  }
0xa: {  	[smem:$0x3FA4] =	sst s2  }
0xb: {  	[smem:$0x3FA5] =	sst s3  }
0xc: {  	[smem:$0x3FA6] =	sst s4  }
0xd: {  	[smem:$0x3FA7] =	sst s5  }
0xe: {  	[smem:$0x3FA8] =	sst s6  }
0xf: {  	[smem:$0x3FA9] =	sst s7  }
0x10: {  	[smem:$0x3FAA] =	sst s8  }
0x11: {  	[smem:$0x3FAB] =	sst s9;
	s0 =	simm.s32 @!p0 $0x0  }
0x12: {  	s1 =	sld [smem:$0x3F91];
	s0 =	simm.s32 @p0 $0x1  }
0x13: {  	[smem:$0x3FAC] =	sst s0;
	s0 =	simm.s32 @!p1 $0x0  }
0x14: {  	s2 =	sld [smem:$0x3F90];
	s0 =	simm.s32 @p1 $0x1  }
0x15: {  	[smem:$0x3FAD] =	sst s0;
	s0 =	simm.s32 @!p2 $0x0  }
0x16: {  	s3 =	sld [smem:$0x3FDB];
	s0 =	simm.s32 @p2 $0x1  }
0x17: {  	s4 =	simm.s32 $0x1BF5;
	[smem:$0x3FAF] =	sst s0  }
0x18: {  	s0 =	sld [smem:$0x3F92];
	_ =	swait.ge [sflag:s4], $0x0  }
0x19: {  	s7 =	sld [smem:$0x3F93]  }
0x1a: {  	s8 =	sadd.s32 $0xFFFFE003, lr  }
0x1b: {  	s9 =	sadd.s32 $0xFFFFFEF7, lr;
	s5 =	simm.s32 $0xFFFFFFFF;
	p2 =	slt.u32 s8, $0xFFFFF086  }
0x1c: {  	p1 =	slt.u32 s9, $0xF7A;
	s5 =	simm.s32 @!p2 $0x0  }
0x1d: {  	s5 =	simm.s32 @p1 $0x1;
	p0 =	seq.s32 s7, s2  }
0x1e: {  	s7 =	smul.u32 @!p0 $0xF7A, s2;
	p2 =	seq.s32 @!p0 s5, $0x0  }
0x1f: {  	s9 =	smul.u32 $0xF7A, s1;
	s8 =	simm.s32 @!p0 $0x1BF5;
	p2 =	por !p2, p0  }
0x20: {  	[sflag:s8] =	ssyncset.s32 @!p0 $0xFFFFF086;
	s6 =	sadd.s32 @!p0 s3, s7;
	s7 =	simm.s32 @!p0 $0x108  }
0x21: {  	s3 =	sadd.s32 s3, s9;
	s6 =	sadd.s32 @!p0 $0x88, s6;
	s7 =	simm.s32 @p2 $0x1082  }
0x22: {  	[simem:s7], [sflag:s8] =	dma.local @!p0 [hbm:s6], $0xF7A  }
0x23: {  	s9 =	sor.u32 $0xD0000000, s2;
	s6 =	simm.s32 $0x108;
	_ =	swait.ge @!p0 [sflag:s8], $0x0  }
0x24: {  	s3 =	sadd.s32 $0x88, s3;
	s6 =	simm.s32 @!p1 $0x1082;
	[sflag:s4] =	ssyncset.s32 $0xFFFFF086  }
0x25: {  	[simem:s6], [sflag:s4] =	dma.local [hbm:s3], $0xF7A  }
0x26: {  	[smem:$0x3F93] =	sst s1;
	(tag) =	ssettag s2;
	_ =	strace s9  }
0x27: {  	s1 =	sld [smem:$0x3FA3]  }
0x28: {  	s2 =	sld [smem:$0x3FA4]  }
0x29: {  	s4 =	sld [smem:$0x3FA6]  }
0x2a: {  	p0 =	seq.s32 s5, $0x0;
	s5 =	sld [smem:$0x3FA7]  }
0x2b: {  	s6 =	sld [smem:$0x3FA8]  }
0x2c: {  	s7 =	sld [smem:$0x3FA9]  }
0x2d: {  	s3 =	simm.s32 $0x108;
	s8 =	sld [smem:$0x3FAA]  }
0x2e: {  	s3 =	simm.s32 @!p0 $0x1082;
	s9 =	sld [smem:$0x3FAB]  }
0x2f: {  	lr =	sadd.s32 s0, s3;
	s0 =	sld [smem:$0x3FA2]  }
0x30: {  	s3 =	sld [smem:$0x3FA5]  }
0x31: {  	[smem:$0x3FAE] =	sst s10  }
0x32: {  	s10 =	sld [smem:$0x3FAC];
	_ =	sdelay $0x3  }
0x33: {  	p0 =	seq.s32 s10, $0x1;
	s10 =	sld [smem:$0x3FAE];
	_ =	sdelay $0x3  }
0x34: {  	[smem:$0x3FAE] =	sst s10  }
0x35: {  	s10 =	sld [smem:$0x3FAD];
	_ =	sdelay $0x3  }
0x36: {  	p1 =	seq.s32 s10, $0x1;
	s10 =	sld [smem:$0x3FAE];
	_ =	sdelay $0x3  }
0x37: {  	[smem:$0x3FAE] =	sst s10  }
0x38: {  	s10 =	sld [smem:$0x3FAF]  }
0x39: {  	_ = 	snop;
	(pc) =	sbr.ind lr, $3  }
0x3a: {  	_ = 	snop  }
0x3b: {  	_ = 	snop  }
0x3c: {  	p2 =	seq.s32 s10, $0x1;
	s10 =	sld [smem:$0x3FAE]  }
0x3d: {  	_ =	shalt  }
0x3e: {  	_ =	shalt  }
0x3f: {  	_ =	shalt  }
0x40: {  	_ =	shalt  }
0x41: {  	_ =	shalt  }
0x42: {  	_ =	shalt  }
0x43: {  	_ =	shalt  }
0x44: {  	_ =	shalt  }
0x45: {  	_ =	shalt  }
0x46: {  	_ =	shalt  }
0x47: {  	_ =	shalt  }
0x48: {  	_ =	shalt  }
0x49: {  	_ =	shalt  }
0x4a: {  	_ =	shalt  }
0x4b: {  	_ =	shalt  }
0x4c: {  	_ =	shalt  }
0x4d: {  	_ =	shalt  }
0x4e: {  	_ =	shalt  }
0x4f: {  	_ =	shalt  }
0x50: {  	_ =	shalt  }
0x51: {  	_ =	shalt  }
0x52: {  	_ =	shalt  }
0x53: {  	_ =	shalt  }
0x54: {  	_ =	shalt  }
0x55: {  	_ =	shalt  }
0x56: {  	_ =	shalt  }
0x57: {  	_ =	shalt  }
0x58: {  	_ =	shalt  }
0x59: {  	_ =	shalt  }
0x5a: {  	_ =	shalt  }
0x5b: {  	_ =	shalt  }
0x5c: {  	_ =	shalt  }
0x5d: {  	_ =	shalt  }
0x5e: {  	_ =	shalt  }
0x5f: {  	_ =	shalt  }
0x60: {  	_ =	shalt  }
0x61: {  	_ =	shalt  }
0x62: {  	_ =	shalt  }
0x63: {  	_ =	shalt  }
0x64: {  	_ =	shalt  }
0x65: {  	_ =	shalt  }
0x66: {  	_ =	shalt  }
0x67: {  	_ =	shalt  }
0x68: {  	_ =	shalt  }
0x69: {  	_ =	shalt  }
0x6a: {  	_ =	shalt  }
0x6b: {  	_ =	shalt  }
0x6c: {  	_ =	shalt  }
0x6d: {  	_ =	shalt  }
0x6e: {  	_ =	shalt  }
0x6f: {  	_ =	shalt  }
0x70: {  	_ =	shalt  }
0x71: {  	_ =	shalt  }
0x72: {  	_ =	shalt  }
0x73: {  	_ =	shalt  }
0x74: {  	_ =	shalt  }
0x75: {  	_ =	shalt  }
0x76: {  	_ =	shalt  }
0x77: {  	_ =	shalt  }
0x78: {  	_ =	shalt  }
0x79: {  	_ =	shalt  }
0x7a: {  	_ =	shalt  }
0x7b: {  	_ =	shalt  }
0x7c: {  	_ =	shalt  }
0x7d: {  	_ =	shalt  }
0x7e: {  	_ =	shalt  }
0x7f: {  	_ =	shalt  }
0x80: {  	_ =	shalt  }
0x81: {  	_ =	shalt  }
0x82: {  	_ =	shalt  }
0x83: {  	_ =	shalt  }
0x84: {  	_ =	shalt  }
0x85: {  	_ =	shalt  }
0x86: {  	_ =	shalt  }
0x87: {  	_ =	shalt  }
.Lfunc_end0:
.L_simem_size_0:
called_computation.1_lowered:
.L_overlay_start_0:
0x88: {  	s2 =	sld [smem:$0x3FD9]  }
0x89: {  	s3 =	sld [smem:$0x3FFE];
	_ =	sdelay $0x1  }
0x8a: {  	s1 =	srdreg.scid  }
0x8b: {  	s0 =	sand.u32 $0x1, s1  }
0x8c: {  	s17 =	sshll.u32 s0, $0xA;
	s2 =	sadd.s32 s3, s2  }
0x8d: {  	s2 =	sadd.s32 s2, s17  }
0x8e: {  	[smem:$0x3FBA] =	sst s2  }
0x8f: {  	_ = 	snop  }
0x90: {  	s2 =	sld [smem:$0x3FD0];
	(tm) =	ssettm $0x1  }
0x91: {  	s18 =	sld [smem:$0x3FFB];
	_ =	sdelay $0x3  }
0x92: {  	_ =	strace s18  }
0x93: {  	s3 =	sld [smem:$0x3FFC];
	_ =	sdelay $0x3  }
0x94: {  	_ =	strace s3  }
0x95: {  	s3 =	sld [smem:$0x3FFD];
	_ =	sdelay $0x3  }
0x96: {  	_ =	strace s3  }
0x97: {  	_ =	strace $0x8FFFFFFF  }
0x98: {  	s19 =	sld [smem:$0x3FDB];
	_ =	sdelay $0x1  }
0x99: {  	s4 =	simm.s32 $_scs_section_size  }
0x9a: {  	s5 =	simm.s32 $_size__tile_overlayer_lowered;
	s6 =	simm.s32 $_tile_overlayer_lowered  }
0x9b: {  	s22 =	simm.s32 $0x1BFF;
	s21 =	sshll.u32 s6, $0x1;
	s3 =	sadd.s32 s4, s19  }
0x9c: {  	s7 =	simm.s32 $0x0;
	s20 =	sshll.u32 s5, $0x1;
	s5 =	sadd.s32 s21, s3  }
0x9d: {  	[timem:s7], [sflag:s22] =	dma.local [hbm:s5], s20  }
0x9e: {  	_ =	swait.ge [sflag:s22], s20  }
0x9f: {  	s4 =	ssub.s32 $0x0, s20;
	[sflag:s22] =	ssyncset.done $0x0  }
0xa0: {  	[sflag:s22] =	ssyncadd.s32 s4;
	_ =	sdelay $0x1  }
0xa1: {  	s23 =	simm.s32 $0x1B8B  }
0xa2: {  	_ =	swait.ge [sflag:s23], $0x1  }
0xa3: {  	[sflag:s23] =	ssyncset.done $0x0  }
0xa4: {  	s25 =	simm.s32 $0x1B8E;
	s24 =	sld [smem:$0x3FFE];
	[sflag:s23] =	ssyncadd.s32 $0xFFFFFFFF  }
0xa5: {  	s26 =	simm.s32 $execute0_lowered;
	[smem:$0x3FD2] =	sst s25  }
0xa6: {  	s5 =	sshll.u32 s26, $0x1;
	_ =	strace $0x80000049;
	[dreg:$0x1] =	wrdreg $0xFFFFFFFF  }
0xa7: {  	s28 =	simm.s32 $_size_execute0_lowered;
	s3 =	sadd.s32 s3, s5;
	[dreg:$0x0] =	wrdreg $0x0  }
0xa8: {  	s5 =	sshll.u32 s28, $0x1;
	[dreg:$0x2] =	wrdreg s3  }
0xa9: {  	[dreg:$0x3] =	wrdreg s5  }
0xaa: {  	[dreg:$0x4] =	wrdreg $0xC0  }
0xab: {  	_ =	task [dreg:s7], $0x5FFFF  }
0xac: {  	[dreg:$0x1] =	wrdreg $0xFFFFFFFF  }
0xad: {  	[dreg:$0x0] =	wrdreg $0x60  }
0xae: {  	[dreg:$0x2] =	wrdreg s2  }
0xaf: {  	[dreg:$0x3] =	wrdreg s24  }
0xb0: {  	[dreg:$0x4] =	wrdreg $0x0  }
0xb1: {  	[dreg:$0x5] =	wrdreg $0x9  }
0xb2: {  	_ =	task.clear_ibuf [dreg:s7], $0x6FFFF;
	_ =	strace $0x90000049  }
0xb3: {  	s29 =	simm.s32 $0x9;
	_ =	strace $0x8000004B  }
0xb4: {  	_ =	swait.ge [sflag:s29], $0x1  }
0xb5: {  	[sflag:s29] =	ssyncadd.s32 $0xFFFFFFFF  }
0xb6: {  	_ =	strace $0x9000004B  }
0xb7: {  	_ =	sfence  }
0xb8: {  	s30 =	sld [smem:$0x0];
	_ =	sdelay $0x2  }
0xb9: {  	s31 =	sshll.u32 s1, $0xD;
	s1 =	sshrl.u32 s1, $0x2  }
0xba: {  	s3 =	sand.u32 $0x4000, s31;
	s1 =	sadd.s32 s1, s30  }
0xbb: {  	s0 =	sor.u32 s3, s0;
	s1 =	sshll.u32 s1, $0x11  }
0xbc: {  	s0 =	sor.u32 s1, s0  }
0xbd: {  	s0 =	sadd.s32 $0x8F2B, s0  }
0xbe: {  	[sflag:s0] =	ssyncadd.remote.s32 $0x1  }
0xbf: {  	_ =	sfence.sel $0xFFFF  }
0xc0: {  	[dreg:$0x0] =	wrdreg $0xFFFFFFFF;
	(pc) =	sbr.abs _section_cstart, $3  }
0xc1: {  	[dreg:$0x1] =	wrdreg $0xFFFFFFFF  }
0xc2: {  	_ =	task.clear_ibuf [dreg:s7], $0x2FFFF;
	_ =	strace $0x9FFFFFFF  }
0xc3: {  	(tm) =	ssettm $0x7FFFFFFF  }
tec
execute0_lowered:
.L_overlay_start_1:
0x0: {  	(tag) =	ssettag $0x1  }
0x1: {  	s0 =	rddreg [dreg:$0x0]  }
0x2: {  	s1 =	rddreg [dreg:$0x1]  }
0x3: {  	s2 =	rddreg [dreg:$0x2];
	s4 =	srdreg.scid  }
0x4: {  	s11 =	stileid.u32;
	s3 =	simm.s32 $0x0;
	s15 =	simm.s32 $0x4  }
0x5: {  	s16 =	simm.s32 $0x18700;
	s18 =	simm.s32 $0x80;
	s23 =	simm.s32 $0x1  }
0x6: {  	s24 =	simm.s32 $0x2;
	s26 =	simm.s32 $0x0;
	s9 =	sand.u32 $0x1, s4  }
0x7: {  	s8 =	smul.u32 $0x61C00, s11;
	[smem:$0x7FF] =	sst s3;
	s4 =	sadd.s32 $0x2400, s1  }
0x8: {  	p0 =	seq.s32 s11, $0xF;
	s5 =	sshll.u32 s9, $0x5;
	_ =	strace $0x8000004A  }
0x9: {  	s7 =	ssub.s32 $0x2, s9;
	s12 =	smul.u32 $0x30D40, s9;
	s6 =	sor.u32 s5, s8  }
0xa: {  	s5 =	sadd.s32 $0x33400, s1;
	s10 =	sshrl.u32 s7, $0x1;
	s29 =	sshrl.u32 s8, $0x2  }
0xb: {  	s6 =	sshrl.u32 s6, $0x3;
	s13 =	ssub.s32 s7, s10;
	s7 =	simm.s32 $0x181  }
0xc: {  	s14 =	sadd.s32 s29, s2;
	s1 =	sadd.s32 s6, s1;
	s6 =	smul.u32 $0xC380, s11  }
0xd: {  	s7 =	simm.s32 @!p0 $0x187;
	s11 =	sshll.u32 s11, $0x6;
	s13 =	smax.u32 s13, $0x1  }
0xe: {  	s14 =	sshrl.u32 s14, $0x3;
	s9 =	sor.u32 $0x1C04, s11;
	s30 =	sshrl.u32 s6, $0x3  }
0xf: {  	s11 =	sadd.s32 s0, s12;
	s31 =	sshll.u32 s7, $0x9;
	s8 =	sadd.s32 s4, s30  }
0x10: {  	s12 =	sadd.s32 $0x36600, s1;
	[dreg:$0x4] =	wrdreg s31;
	s10 =	sadd.s32 $0x187A0, s8  }
.LBB2_1:
0x11: {  	[spmem:s14], [sflag:s9] =	dma.local [hbm:s5], $0x30E0  }
0x12: {  	_ =	swait.ge [sflag:s15], $0x30E0  }
0x13: {  	[sflag:s15] =	ssyncset.done $0x0  }
0x14: {  	[sflag:s15] =	ssyncadd.s32 $0xFFFFCF20  }
0x15: {  	[tilespmem:s16], [sflag:$0x4] =	stream.linear.gather [hbm4b:s8+s3], $0x800, $0x38;
	[tilespmem:$0x1F700] =	vst v63  }
0x16: {  	_ =	swait.ge [sflag:s15], $0x800  }
0x17: {  	[sflag:s15] =	ssyncset.done $0x0  }
0x18: {  	s0 =	simm.s32 $0x18F00;
	[sflag:s15] =	ssyncadd.s32 $0xFFFFF800  }
0x19: {  	[tilespmem:s0], [sflag:$0x4] =	stream.linear.gather [hbm4b:s10+s3], $0x800, $0x38;
	[tilespmem:$0x1F700] =	vst v63  }
0x1a: {  	_ =	swait.ge [sflag:s15], $0x800  }
0x1b: {  	[sflag:s15] =	ssyncset.done $0x0  }
0x1c: {  	s28 =	simm.s32 $0x1A700;
	s21 =	simm.s32 $0x18780;
	[sflag:s15] =	ssyncadd.s32 $0xFFFFF800  }
0x1d: {  	s1 =	simm.s32 $0x1B700;
	s22 =	simm.s32 $0x18800;
	[bflag:$0x0] =	sbarrier.arrive $0xFFFF  }
0x1e: {  	[tilespmem:s28], [sflag:$0x1] =	stream.indirect.gather [hbm4b:s11+s18], $0x20, s16, s18, $0xb8;
	[tilespmem:$0x1F700] =	vst v63  }
0x1f: {  	s25 =	simm.s32 $0x1C700;
	s29 =	simm.s32 $0x1D700;
	s30 =	simm.s32 $0x3  }
0x20: {  	[tilespmem:s1], [sflag:$0x1] =	stream.indirect.gather [hbm4b:s11+s18], $0x20, s21, s18, $0xb8;
	[tilespmem:$0x1F700] =	vst v63  }
0x21: {  	s31 =	simm.s32 $0xC00;
	s0 =	simm.s32 $0x0;
	s1 =	simm.s32 $0x0  }
0x22: {  	[tilespmem:s25], [sflag:$0x1] =	stream.indirect.gather [hbm4b:s11+s18], $0x20, s22, s18, $0xb8;
	[tilespmem:$0x1F700] =	vst v63  }
.LBB2_2:
0x23: {  	s17 =	sand.u32 $0xF, s1;
	p0 =	sgt.u32 s1, $0x17F  }
0x24: {  	p1 =	sne.s32 @!p0 s17, $0x0  }
0x25: {  	s17 =	sshrl.u32 s1, $0x4;
	p0 =	por p1, p0  }
0x26: {  	s19 =	sadd.s32 @!p0 $0x1, s17  }
0x27: {  	s20 =	sshll.u32 @!p0 s19, $0xB  }
0x28: {  	s19 =	sshll.u32 @!p0 s19, $0xC;
	s20 =	sadd.s32 @!p0 s6, s20  }
0x29: {  	s21 =	smulhi.u32 $0xCCCCCCCD, s1;
	s19 =	sand.u32 @!p0 $0x1000, s19;
	s20 =	sshrl.u32 @!p0 s20, $0x3  }
0x2a: {  	s25 =	simm.s32 @!p0 $0x0;
	s22 =	sor.u32 @!p0 $0x18700, s19;
	s20 =	sadd.s32 @!p0 s4, s20  }
0x2b: {  	[tilespmem:s22], [sflag:$0x3] =	stream.linear.gather @!p0 [hbm4b:s20+s25], $0x800, $0x38;
	[tilespmem:$0x1F700] =	vst v63  }
0x2c: {  	s21 =	sshrl.u32 s21, $0x2;
	s19 =	sor.u32 @!p0 $0x18F00, s19;
	s20 =	sadd.s32 @!p0 $0x187A0, s20  }
0x2d: {  	[tilespmem:s19], [sflag:$0x3] =	stream.linear.gather @!p0 [hbm4b:s20+s25], $0x800, $0x38;
	[tilespmem:$0x1F700] =	vst v63  }
0x2e: {  	s17 =	sshll.u32 s17, $0xC;
	s22 =	smul.u32 $0xFFFEC000, s21;
	s25 =	sand.u32 $0x1E00, s0  }
0x2f: {  	s17 =	sand.u32 $0x1000, s17;
	_ =	swait.ge [sflag:s23], $0x1000;
	s20 =	sshrl.u32 s25, $0x2  }
0x30: {  	s19 =	sshra.s32 s22, $0x2;
	[sflag:s23] =	ssyncset.done $0x0;
	s17 =	sor.u32 s20, s17  }
0x31: {  	s19 =	sadd.s32 s19, s28;
	[sflag:s23] =	ssyncadd.s32 $0xFFFFF000;
	s17 =	sadd.s32 $0x18F00, s17  }
0x32: {  	[spmem:s2] =	stream.indirect.scatter.add.f32 [tilespmem:s19], [sflag:$0x2], $0x20, s17, s18, $0xb8;
	[tilespmem:$0x1F700] =	vst v63  }
0x33: {  	s17 =	sadd.s32 $0x3, s1  }
0x34: {  	p0 =	sge.u32 s17, s7  }
0x35: {  	p1 =	slt.u32 @!p0 s1, $0x2  }
0x36: {  	p1 =	por p1, p0  }
0x37: {  	s21 =	smulhi.u32 $0xCCCCCCCD, s30;
	s19 =	simm.s32 @!p1 $0x2  }
0x38: {  	s17 =	sand.u32 @!p0 $0xF, s17;
	_ =	swait.ge @!p1 [sflag:s19], $0x1000  }
0x39: {  	s22 =	sshrl.u32 s21, $0x2;
	p2 =	sne.s32 @!p0 s17, $0x0;
	[sflag:s19] =	ssyncset.done @!p1 $0x0  }
0x3a: {  	s20 =	sadd.s32 @!p0 $0x600, s0;
	[sflag:s19] =	ssyncadd.s32 @!p1 $0xFFFFF000;
	p1 =	por p2, p0  }
0x3b: {  	s21 =	sand.u32 @!p0 $0x4000, s31;
	s17 =	smul.u32 $0xFFFEC000, s22;
	s19 =	simm.s32 @!p1 $0x3  }
0x3c: {  	s0 =	sadd.s32 $0x200, s0;
	s20 =	sand.u32 @!p0 $0x1E00, s20;
	_ =	swait.ge @!p1 [sflag:s19], $0x1000  }
0x3d: {  	s20 =	sor.u32 @!p0 s20, s21;
	s17 =	sshra.s32 s17, $0x2;
	[sflag:s19] =	ssyncset.done @!p1 $0x0  }
0x3e: {  	s17 =	sadd.s32 s17, s29;
	[sflag:s19] =	ssyncadd.s32 @!p1 $0xFFFFF000;
	s19 =	sshrl.u32 @!p0 s20, $0x2  }
0x3f: {  	s25 =	rddreg [dreg:$0x4];
	s20 =	simm.s32 @!p0 $0x80;
	s19 =	sadd.s32 @!p0 $0x18700, s19  }
0x40: {  	[tilespmem:s17], [sflag:$0x1] =	stream.indirect.gather @!p0 [hbm4b:s11+s20], $0x20, s19, s20, $0xb8;
	[tilespmem:$0x1F700] =	vst v63  }
0x41: {  	p0 =	sne.s32 s25, s0  }
.Ltmp0:
0x42: {  	_ = 	snop;
	(pc) =	sbr.rel @p0 .LBB2_2-.Ltmp0, $3  }
0x43: {  	_ =	sdelay $0x1  }
0x44: {  	s30 =	sadd.s32 $0x1, s30;
	s28 =	sadd.s32 $0x1000, s28  }
0x45: {  	s1 =	sadd.s32 $0x1, s1;
	s31 =	sadd.s32 $0x400, s31;
	s29 =	sadd.s32 $0x1000, s29  }
0x46: {  	_ =	swait.ge [sflag:s24], $0x1000  }
0x47: {  	[sflag:s24] =	ssyncset.done $0x0  }
0x48: {  	[sflag:s24] =	ssyncadd.s32 $0xFFFFF000  }
0x49: {  	_ =	swait.ge [sflag:s24], $0x1000  }
0x4a: {  	[sflag:s24] =	ssyncset.done $0x0  }
0x4b: {  	[sflag:s24] =	ssyncadd.s32 $0xFFFFF000  }
0x4c: {  	_ =	swait.ge [sflag:s24], $0x1000  }
0x4d: {  	[sflag:s24] =	ssyncset.done $0x0  }
0x4e: {  	[sflag:s24] =	ssyncadd.s32 $0xFFFFF000  }
0x4f: {  	_ =	swait.ge [sflag:s24], $0x1000  }
0x50: {  	[sflag:s24] =	ssyncset.done $0x0  }
0x51: {  	[sflag:s24] =	ssyncadd.s32 $0xFFFFF000  }
0x52: {  	_ =	swait.ge [sflag:s24], $0x1000  }
0x53: {  	s26 =	sadd.s32 $0x1, s26;
	[sflag:s24] =	ssyncset.done $0x0  }
0x54: {  	p0 =	sne.s32 s26, s13;
	[sflag:s24] =	ssyncadd.s32 $0xFFFFF000  }
.Ltmp1:
0x55: {  	s0 =	simm.s32 $0x10;
	[bflag:$0x0] =	sbarrier.arrive $0xFFFF;
	(pc) =	sbr.rel @p0 .LBB2_1-.Ltmp1, $4  }
0x56: {  	[hbm:s12@s0], [sflag:s9] =	dma.strided [spmem:s14@s15], $0x30E0, s23, $0x4   }
0x57: {  	_ =	swait.ge [sflag:s15], $0x30E0  }
0x58: {  	[sflag:s15] =	ssyncset.done $0x0  }
0x59: {  	[sflag:s15] =	ssyncadd.s32 $0xFFFFCF20  }
0x5a: {  	_ =	sfence.sel $0x180000  }
0x5b: {  	[bflag:$0x0] =	sbarrier.arrive $0xFFFF  }
0x5c: {  	_ =	strace $0x9000004A  }
0x5d: {  	s0 =	stileid.u32;
	[bflag:$0x2] =	sbarrier.arrive $0xFFFF  }
0x5e: {  	p0 =	sne.s32 s0, $0x0;
	s0 =	rddreg [dreg:$0x3]  }
0x5f: {  	s0 =	sadd.s32 @!p0 $0x100000, s0  }
0x60: {  	[sflag:s0] =	ssyncadd.tile.s32 @!p0 $0x1;
	_ =	shalt  }
.Lfunc_end2:
_tile_overlayer_lowered:
.L_overlay_start_2:
0x61: {  	(tag) =	ssettag $0x2  }
0x62: {  	s0 =	rddreg [dreg:$0x0];
	s2 =	stileid.u32  }
0x63: {  	s1 =	rddreg [dreg:$0x1];
	p0 =	sne.s32 s2, $0x0  }
0x64: {  	s3 =	rddreg [dreg:$0x2];
	[bflag:$0x3] =	sbarrier.arrive $0xFFFF;
	s2 =	simm.s32 @!p0 $0x1C04  }
0x65: {  	[timem:s3], [sflag:s2] =	dma.local @!p0 [hbm:s0], s1  }
0x66: {  	s0 =	simm.s32 @!p0 $0x4  }
0x67: {  	_ =	swait.ge @!p0 [sflag:s0], s1  }
0x68: {  	s1 =	ssub.s32 @!p0 $0x0, s1;
	[sflag:s0] =	ssyncset.done @!p0 $0x0  }
0x69: {  	[sflag:s0] =	ssyncadd.s32 @!p0 s1  }
0x6a: {  	[bflag:$0x3] =	sbarrier.arrive $0xFFFF  }
0x6b: {  	_ =	shalt  }

</sc_bundles>
